<compile_context>
chip_gen: v7x
topology: tpu7x:2x2x1
jax: 0.10.2.dev20260603
libtpu: 0.0.44.dev20260713+nightly
codegen_flags: <defaults>
</compile_context>

<pallas_src>
import functools
import jax
import jax.numpy as jnp
from jax import lax
from jax.experimental import pallas as pl
from jax.experimental.pallas import tpu as pltpu
from jax.experimental.pallas import tpu_sc as plsc

_N = 10000
_E = 320000
_F = 128
_G = 64
_EPS = 1e-5
_NS = 16
_K = 128
_EP = 327680
_CH = _EP // _NS // _K
_ZR = 64
_AH = 5120
_HN = 5000
_RT = _N // _NS
_B = 1000
_GRID = _N // _B

_f32 = jnp.float32
_MESH = plsc.VectorSubcoreMesh(core_axis_name="c", subcore_axis_name="s")


def _dot(a, b):
    def split(v):
        c = v * 65537.0
        hi = c - (c - v)
        return hi, v - hi

    ah, al = split(a)
    bh, bl = split(b)
    mm = lambda p, q: jnp.dot(p, q, preferred_element_type=_f32)
    return mm(ah, bh) + (mm(ah, bl) + mm(al, bh))



@functools.partial(
    pl.kernel,
    out_type=jax.ShapeDtypeStruct((_N, _F), _f32),
    mesh=_MESH,
    scratch_types=[
        pltpu.VMEM((_CH, _K), jnp.int32),
        pltpu.VMEM((_CH, _K), jnp.int32),
        pltpu.VMEM((_K, _F), _f32),
        pltpu.VMEM_SHARED((5120, _F), _f32),
    ],
)
def _sc_deg(dlo_hbm, dhi_hbm, ones_hbm, zrow_hbm, deg_out,
            dlo_i, dhi_i, ones_v, accd):
    cid = lax.axis_index("c")
    sid = lax.axis_index("s")

    @pl.when(cid == 0)
    def _():
        pltpu.sync_copy(dlo_hbm.at[sid], dlo_i)
        pltpu.sync_copy(dhi_hbm.at[sid], dhi_i)
        pltpu.sync_copy(ones_hbm, ones_v)

        def half(dst_i, out_base):
            @pl.when(sid < 10)
            def _():
                def zbody(k, carry):
                    pltpu.sync_copy(zrow_hbm,
                                    accd.at[pl.ds(sid * 512 + k * _ZR, _ZR)])
                    return carry

                lax.fori_loop(0, 8, zbody, 0)

            plsc.subcore_barrier()

            def body(j, carry):
                pltpu.sync_copy(ones_v, accd.at[dst_i.at[j]], add=True)
                return carry

            lax.fori_loop(0, _CH, body, 0)
            plsc.subcore_barrier()

            @pl.when(sid < 5)
            def _():
                pltpu.sync_copy(
                    accd.at[pl.ds(sid * 1000, 1000)],
                    deg_out.at[pl.ds(out_base + sid * 1000, 1000)])

            plsc.subcore_barrier()

        half(dlo_i, 0)
        half(dhi_i, _HN)


@functools.partial(
    pl.kernel,
    out_type=[jax.ShapeDtypeStruct((_N, _F), _f32),
              jax.ShapeDtypeStruct((_N, _F), _f32)],
    mesh=_MESH,
    scratch_types=[
        pltpu.VMEM((_CH, _K), jnp.int32),
        pltpu.VMEM((_CH, _K), jnp.int32),
        pltpu.VMEM((_CH, _K), jnp.int32),
        pltpu.VMEM((_K, _F), _f32),
        pltpu.VMEM_SHARED((_AH, _F), _f32),
        pltpu.SemaphoreType.DMA,
    ],
)
def _sc_scatter(ta_hbm, tb_hbm, src_hbm, dlo_hbm, dhi_hbm, zrow_hbm,
                outa, outb, src_i, dlo_i, dhi_i, rows, acc, sem):
    cid = lax.axis_index("c")
    sid = lax.axis_index("s")
    pltpu.sync_copy(src_hbm.at[sid], src_i)
    pltpu.sync_copy(dlo_hbm.at[sid], dlo_i)
    pltpu.sync_copy(dhi_hbm.at[sid], dhi_i)

    def run(table, out):
        def half(dst_i, out_base):
            @pl.when(sid < 10)
            def _():
                def zbody(k, carry):
                    pltpu.sync_copy(zrow_hbm,
                                    acc.at[pl.ds(sid * 512 + k * _ZR, _ZR)])
                    return carry

                lax.fori_loop(0, 8, zbody, 0)

            plsc.subcore_barrier()

            def body(j, carry):
                pltpu.async_copy(table.at[src_i.at[j]], rows, sem).wait()
                pltpu.sync_copy(rows, acc.at[dst_i.at[j]], add=True)
                return carry

            lax.fori_loop(0, _CH, body, 0)
            plsc.subcore_barrier()

            @pl.when(sid < 5)
            def _():
                pltpu.sync_copy(
                    acc.at[pl.ds(sid * 1000, 1000)],
                    out.at[pl.ds(out_base + sid * 1000, 1000)])

            plsc.subcore_barrier()

        half(dlo_i, 0)
        half(dhi_i, _HN)

    @pl.when(cid == 0)
    def _():
        run(ta_hbm, outa)

    @pl.when(cid == 1)
    def _():
        run(tb_hbm, outb)



_row = lambda: pl.BlockSpec((_B, _F), lambda i: (i, 0))
_row16 = lambda: pl.BlockSpec((_B, 16), lambda i: (i, 0))
_wgt = lambda: pl.BlockSpec((_F, _F), lambda i: (0, 0))
_vec = lambda: pl.BlockSpec((1, _F), lambda i: (0, 0))


def _k1_body(x_ref, Wp_ref, bp_ref, gW0_ref, h_ref, u_ref):
    h = jnp.maximum(_dot(x_ref[...], Wp_ref[...]) + bp_ref[...], 0.0)
    h_ref[...] = h
    u_ref[...] = _dot(h, gW0_ref[...])


_k1 = pl.pallas_call(
    _k1_body,
    grid=(_GRID,),
    in_specs=[pl.BlockSpec((_B, _F), lambda i: (i, 0)), _wgt(), _vec(), _wgt()],
    out_specs=[_row(), _row()],
    out_shape=[jax.ShapeDtypeStruct((_N, _F), _f32),
               jax.ShapeDtypeStruct((_N, _F), _f32)],
)


def _k2_body(deg_ref, u_ref, t0_ref, dinv_ref, sinv_ref):
    d = deg_ref[...][:, :16]
    dinv = 1.0 / jnp.sqrt(d + 1.0)
    dinv_ref[...] = dinv
    sinv_ref[...] = 1.0 / jnp.maximum(d, 1.0)
    t0_ref[...] = u_ref[...] * dinv[:, :1]


_k2 = pl.pallas_call(
    _k2_body,
    grid=(_GRID,),
    in_specs=[_row(), _row()],
    out_specs=[_row(), _row16(), _row16()],
    out_shape=[jax.ShapeDtypeStruct((_N, _F), _f32),
               jax.ShapeDtypeStruct((_N, 16), _f32),
               jax.ShapeDtypeStruct((_N, 16), _f32)],
)


def _k3_body(aggg, t, dinv, gb, aggs, sinv, xprev, Wl, Wr, bl,
             yg_ref, ys_ref, st_ref):
    i = pl.program_id(0)
    yg = (aggg[...] + t[...]) * dinv[...][:, :1] + gb[...]
    mean_agg = aggs[...] * sinv[...][:, :1]
    ys = _dot(mean_agg, Wl[...]) + _dot(xprev[...], Wr[...]) + bl[...]
    yg_ref[...] = yg
    ys_ref[...] = ys
    blk = jnp.concatenate(
        [jnp.sum(yg, 0, keepdims=True), jnp.sum(yg * yg, 0, keepdims=True),
         jnp.sum(ys, 0, keepdims=True), jnp.sum(ys * ys, 0, keepdims=True)],
        axis=0)

    @pl.when(i == 0)
    def _():
        st_ref[...] = blk

    @pl.when(i > 0)
    def _():
        st_ref[...] += blk


_k3 = pl.pallas_call(
    _k3_body,
    grid=(_GRID,),
    in_specs=[_row(), _row(), _row16(), _vec(), _row(), _row16(), _row(),
              _wgt(), _wgt(), _vec()],
    out_specs=[_row(), _row(), pl.BlockSpec((4, _F), lambda i: (0, 0))],
    out_shape=[jax.ShapeDtypeStruct((_N, _F), _f32),
               jax.ShapeDtypeStruct((_N, _F), _f32),
               jax.ShapeDtypeStruct((4, _F), _f32)],
)


def _bn_from_stats(y, s0, s1, g, b):
    m = s0 * (1.0 / _N)
    v = s1 * (1.0 / _N) - m * m
    return jnp.maximum((y - m) / jnp.sqrt(v + _EPS) * g + b, 0.0)


def _k4_body(yg, ys, st, gg, gbe, sg, sbe, gW1, dinv, t1_ref, xs1_ref):
    s = st[...]
    xg1 = _bn_from_stats(yg[...], s[0:1], s[1:2], gg[...], gbe[...])
    t1_ref[...] = _dot(xg1, gW1[...]) * dinv[...][:, :1]
    xs1_ref[...] = _bn_from_stats(ys[...], s[2:3], s[3:4], sg[...], sbe[...])


_k4 = pl.pallas_call(
    _k4_body,
    grid=(_GRID,),
    in_specs=[_row(), _row(), pl.BlockSpec((4, _F), lambda i: (0, 0)),
              _vec(), _vec(), _vec(), _vec(), _wgt(), _row16()],
    out_specs=[_row(), _row()],
    out_shape=[jax.ShapeDtypeStruct((_N, _F), _f32),
               jax.ShapeDtypeStruct((_N, _F), _f32)],
)


def _k6_body(yg, ys, st, gg, gbe, sg, sbe, batch_ref,
             pg_ref, ps_ref, cnt_ref):
    i = pl.program_id(0)
    s = st[...]
    xg = _bn_from_stats(yg[...], s[0:1], s[1:2], gg[...], gbe[...])
    xs = _bn_from_stats(ys[...], s[2:3], s[3:4], sg[...], sbe[...])
    b = batch_ref[0]
    gids = lax.broadcasted_iota(jnp.int32, (_G, _B), 0)
    onehot = (gids == b).astype(_f32)
    pgb = _dot(onehot, xg)
    psb = _dot(onehot, xs)
    cntb = _dot(onehot, jnp.ones((_B, _F), _f32))

    @pl.when(i == 0)
    def _():
        pg_ref[...] = pgb
        ps_ref[...] = psb
        cnt_ref[...] = cntb

    @pl.when(i > 0)
    def _():
        pg_ref[...] += pgb
        ps_ref[...] += psb
        cnt_ref[...] += cntb


_pool_spec = pl.BlockSpec((_G, _F), lambda i: (0, 0))
_k6 = pl.pallas_call(
    _k6_body,
    grid=(_GRID,),
    in_specs=[_row(), _row(), pl.BlockSpec((4, _F), lambda i: (0, 0)),
              _vec(), _vec(), _vec(), _vec(),
              pl.BlockSpec((1, 1, _B), lambda i: (i, 0, 0))],
    out_specs=[_pool_spec, _pool_spec, _pool_spec],
    out_shape=[jax.ShapeDtypeStruct((_G, _F), _f32),
               jax.ShapeDtypeStruct((_G, _F), _f32),
               jax.ShapeDtypeStruct((_G, _F), _f32)],
)


def _bn_full(y, g, b):
    m = jnp.mean(y, axis=0, keepdims=True)
    v = jnp.mean(y * y, axis=0, keepdims=True) - m * m
    return (y - m) / jnp.sqrt(v + _EPS) * g + b


def _k7_body(pg, ps, cnt, f1W, f1b, bn1g, bn1b, f2W, f2b, bn2g, bn2b,
             f3Wp, f3bp, out_ref):
    c = jnp.maximum(cnt[...], 1.0)
    z = jnp.concatenate([pg[...] / c, ps[...] / c], axis=1)
    a = _dot(z, f1W[...]) + f1b[...]
    a = jnp.maximum(_bn_full(a, bn1g[...], bn1b[...]), 0.0)
    b2 = _dot(a, f2W[...]) + f2b[...]
    b2 = jnp.maximum(_bn_full(b2, bn2g[...], bn2b[...]), 0.0)
    out_ref[...] = _dot(b2, f3Wp[...]) + f3bp[...]


_k7 = pl.pallas_call(
    _k7_body,
    out_shape=jax.ShapeDtypeStruct((_G, _F), _f32),
)



def kernel(x, edge_index, batch, Wp, bp, gW0, gb0, gg0, gbe0, gW1, gb1,
           gg1, gbe1, sWl0, sbl0, sWr0, sg0, sbe0, sWl1, sbl1, sWr1, sg1,
           sbe1, f1W, f1b, bn1g, bn1b, f2W, f2b, bn2g, bn2b, f3W, f3b):
    pad = _EP - _E
    src = jnp.concatenate(
        [edge_index[0], jnp.zeros((pad,), jnp.int32)]).reshape(_NS, _CH, _K)
    dst_flat = edge_index[1]
    jspread = _HN + (jnp.arange(_E, dtype=jnp.int32) % 120)
    junk = _HN + (jnp.arange(pad, dtype=jnp.int32) % 120)
    dlo = jnp.concatenate(
        [jnp.where(dst_flat < _HN, dst_flat, jspread), junk]).reshape(
        _NS, _CH, _K)
    dhi = jnp.concatenate(
        [jnp.where(dst_flat >= _HN, dst_flat - _HN, jspread), junk]).reshape(
        _NS, _CH, _K)
    ones128 = jnp.ones((_K, _F), _f32)
    zrow = jnp.zeros((_ZR, _F), _f32)
    batch3d = batch.reshape(_GRID, 1, _B)
    row1 = lambda v: v.reshape(1, -1)

    deg = _sc_deg(dlo, dhi, ones128, zrow)
    h, u = _k1(x, Wp, row1(bp), gW0)
    t0, dinv, sinv = _k2(deg, u)
    aggg1, aggs1 = _sc_scatter(t0, h, src, dlo, dhi, zrow)
    yg0, ys0, st0 = _k3(aggg1, t0, dinv, row1(gb0), aggs1, sinv, h,
                        sWl0, sWr0, row1(sbl0))
    t1, xs1 = _k4(yg0, ys0, st0, row1(gg0), row1(gbe0), row1(sg0),
                  row1(sbe0), gW1, dinv)
    aggg2, aggs2 = _sc_scatter(t1, xs1, src, dlo, dhi, zrow)
    yg1, ys1, st1 = _k3(aggg2, t1, dinv, row1(gb1), aggs2, sinv, xs1,
                        sWl1, sWr1, row1(sbl1))
    pg, ps, cnt = _k6(yg1, ys1, st1, row1(gg1), row1(gbe1), row1(sg1),
                      row1(sbe1), batch3d)
    f3Wp = jnp.pad(f3W, ((0, 0), (0, _F - 1)))
    f3bp = jnp.pad(f3b, (0, _F - 1))
    out = _k7(pg, ps, cnt, f1W, row1(f1b), row1(bn1g), row1(bn1b),
              f2W, row1(f2b), row1(bn2g), row1(bn2b), f3Wp, row1(f3bp))
    return out[:, 0]

# --- scband reference (transcript-rebuilt; emitter-appended) ---
"""Pipeline reference for scband-combined-gnnmodel-51161650430391 (READ-ONLY COPY).

The authoritative reference and input builder live on the scoring server;
editing this copy changes nothing except your own understanding.
"""

import jax, jax.numpy as jnp
import numpy as np

N = 10000
E = 320000
D = 128
H = 128
O = 128
G = 64
EPS = 1e-5

def _bn(x, g, b):
    m = jnp.mean(x, axis=0)
    v = jnp.mean((x - m) ** 2, axis=0)
    return (x - m) / jnp.sqrt(v + EPS) * g + b

def _gcn(x, W, b, src, dst, n):
    loop = jnp.arange(n, dtype=src.dtype)
    s = jnp.concatenate([src, loop])
    d = jnp.concatenate([dst, loop])
    deg = jnp.zeros((n,), jnp.float32).at[d].add(1.0)
    dinv = jnp.where(deg > 0, 1.0 / jnp.sqrt(deg), 0.0)
    norm = dinv[s] * dinv[d]
    h = x @ W
    out = jnp.zeros((n, W.shape[1]), jnp.float32).at[d].add(h[s] * norm[:, None])
    return out + b

def _sage(x, Wl, bl, Wr, src, dst, n):
    deg = jnp.zeros((n,), jnp.float32).at[dst].add(1.0)
    agg = jnp.zeros((n, x.shape[1]), jnp.float32).at[dst].add(x[src])
    agg = agg / jnp.maximum(deg, 1.0)[:, None]
    return agg @ Wl + bl + x @ Wr

def _pool(x, batch, g):
    s = jax.ops.segment_sum(x, batch, num_segments=g)
    c = jax.ops.segment_sum(jnp.ones((x.shape[0],), jnp.float32), batch, num_segments=g)
    return s / jnp.maximum(c, 1.0)[:, None]

def _forward(x, Wp, bp, gW0, gb0, gg0, gbe0, gW1, gb1, gg1, gbe1, sWl0, sbl0, sWr0, sg0, sbe0, sWl1, sbl1, sWr1, sg1, sbe1, f1W, f1b, bn1g, bn1b, f2W, f2b, bn2g, bn2b, f3W, f3b, src, dst, batch):
    n = x.shape[0]
    h = jax.nn.relu(x @ Wp + bp)
    xg = jax.nn.relu(_bn(_gcn(h, gW0, gb0, src, dst, n), gg0, gbe0))
    xg = jax.nn.relu(_bn(_gcn(xg, gW1, gb1, src, dst, n), gg1, gbe1))
    xs = jax.nn.relu(_bn(_sage(h, sWl0, sbl0, sWr0, src, dst, n), sg0, sbe0))
    xs = jax.nn.relu(_bn(_sage(xs, sWl1, sbl1, sWr1, src, dst, n), sg1, sbe1))
    z = jnp.concatenate([_pool(xg, batch, G), _pool(xs, batch, G)], axis=1)
    z = jax.nn.relu(_bn(z @ f1W + f1b, bn1g, bn1b))
    z = jax.nn.relu(_bn(z @ f2W + f2b, bn2g, bn2b))
    z = z @ f3W + f3b
    return z[:, 0]

def setup_inputs(seed: int = 0):
    key = jax.random.key(seed)
    ks = jax.random.split(key, 16)
    def w(k, shape):
        return jax.random.normal(k, shape, jnp.float32) * (1.0 / np.sqrt(shape[0]))
    inp = {}
    inp["x"] = jax.random.normal(ks[0], (N, D), jnp.float32)
    inp["edge_index"] = jax.random.randint(ks[1], (2, E), 0, N, dtype=jnp.int32)
    inp["batch"] = jnp.sort(jax.random.randint(ks[2], (N,), 0, G, dtype=jnp.int32))
    inp["Wp"] = w(ks[3], (D, H)); inp["bp"] = jnp.zeros((H,), jnp.float32)
    inp["gW0"] = w(ks[4], (H, H)); inp["gb0"] = jnp.zeros((H,), jnp.float32)
    inp["gg0"] = jnp.ones((H,), jnp.float32); inp["gbe0"] = jnp.zeros((H,), jnp.float32)
    inp["gW1"] = w(ks[5], (H, O)); inp["gb1"] = jnp.zeros((O,), jnp.float32)
    inp["gg1"] = jnp.ones((O,), jnp.float32); inp["gbe1"] = jnp.zeros((O,), jnp.float32)
    inp["sWl0"] = w(ks[6], (H, H)); inp["sbl0"] = jnp.zeros((H,), jnp.float32); inp["sWr0"] = w(ks[7], (H, H))
    inp["sg0"] = jnp.ones((H,), jnp.float32); inp["sbe0"] = jnp.zeros((H,), jnp.float32)
    inp["sWl1"] = w(ks[8], (H, O)); inp["sbl1"] = jnp.zeros((O,), jnp.float32); inp["sWr1"] = w(ks[9], (H, O))
    inp["sg1"] = jnp.ones((O,), jnp.float32); inp["sbe1"] = jnp.zeros((O,), jnp.float32)
    inp["f1W"] = w(ks[10], (2 * O, H)); inp["f1b"] = jnp.zeros((H,), jnp.float32)
    inp["bn1g"] = jnp.ones((H,), jnp.float32); inp["bn1b"] = jnp.zeros((H,), jnp.float32)
    inp["f2W"] = w(ks[11], (H, H // 2)); inp["f2b"] = jnp.zeros((H // 2,), jnp.float32)
    inp["bn2g"] = jnp.ones((H // 2,), jnp.float32); inp["bn2b"] = jnp.zeros((H // 2,), jnp.float32)
    inp["f3W"] = w(ks[12], (H // 2, 1)); inp["f3b"] = jnp.zeros((1,), jnp.float32)
    return inp

def reference(x, edge_index, batch, Wp, bp, gW0, gb0, gg0, gbe0, gW1, gb1, gg1, gbe1, sWl0, sbl0, sWr0, sg0, sbe0, sWl1, sbl1, sWr1, sg1, sbe1, f1W, f1b, bn1g, bn1b, f2W, f2b, bn2g, bn2b, f3W, f3b):
    return _forward(x, Wp, bp, gW0, gb0, gg0, gbe0, gW1, gb1, gg1, gbe1, sWl0, sbl0, sWr0, sg0, sbe0, sWl1, sbl1, sWr1, sg1, sbe1, f1W, f1b, bn1g, bn1b, f2W, f2b, bn2g, bn2b, f3W, f3b, edge_index[0], edge_index[1], batch)

if __name__ == "__main__":
    import jax
    _d = setup_inputs()
    print(jax.jit(kernel)(*tuple(_d.values())))

</pallas_src>

<mosaic_0001>
#map = affine_map<(d0, d1) -> (0, 0, 0)>
#map1 = affine_map<(d0, d1) -> (0, 0)>
module attributes {stable_mosaic.version = 14 : i64} {
  func.func @_sc_deg(%arg0: i32, %arg1: i32, %arg2: memref<16x160x128xi32, #tpu.memory_space<hbm>>, %arg3: memref<16x160x128xi32, #tpu.memory_space<hbm>>, %arg4: memref<128x128xf32, #tpu.memory_space<hbm>>, %arg5: memref<64x128xf32, #tpu.memory_space<hbm>>, %arg6: memref<10000x128xf32, #tpu.memory_space<hbm>>, %arg7: memref<160x128xi32, #tpu.memory_space<vmem>>, %arg8: memref<160x128xi32, #tpu.memory_space<vmem>>, %arg9: memref<128x128xf32, #tpu.memory_space<vmem>>, %arg10: memref<5120x128xf32, #tpu.memory_space<vmem_shared>>) attributes {dimension_semantics = [#tpu.dimension_semantics<core_parallel>, #tpu.dimension_semantics<subcore_parallel>], iteration_bounds = array<i64: 2, 16>, scalar_prefetch = 0 : i64, scratch_operands = 4 : i64, tpu.core_type = #tpu.core_type<sc_vector_subcore>, window_params = [{transform_indices = #map}, {transform_indices = #map}, {transform_indices = #map1}, {transform_indices = #map1}, {transform_indices = #map1}]} {
    %eq3A = arith.constant 0 : i32
    %eq3A_0 = arith.cmpi eq, %arg0, %eq3A : i32
    %convert_element_type3A = arith.extui %eq3A_0 : i1 to i32
    %cond3A = arith.constant 0 : i32
    %cond3A_1 = arith.cmpi ne, %convert_element_type3A, %cond3A : i32
    scf.if %cond3A_1 {
      "tpu.region"() ({
        %run_scoped3A = tpu.sem_alloc : memref<!tpu.dma_semaphore, #tpu.memory_space<semaphore_mem>>
        %dma_start3A = arith.constant 0 : i32
        %dma_start3A_37 = arith.constant 0 : i32
        %dma_start3A_38 = tpu.memref_slice %arg2[%arg1, %dma_start3A, %dma_start3A_37] : memref<16x160x128xi32, #tpu.memory_space<hbm>> -> memref<1x160x128xi32, #tpu.memory_space<hbm>>
        %dma_start3A_39 = tpu.memref_squeeze %dma_start3A_38 : memref<1x160x128xi32, #tpu.memory_space<hbm>> -> memref<160x128xi32, #tpu.memory_space<hbm>>
        %dma_start3A_40 = arith.constant 0 : i32
        %dma_start3A_41 = arith.constant 0 : i32
        %dma_start3A_42 = tpu.memref_slice %arg2[%arg1, %dma_start3A_40, %dma_start3A_41] : memref<16x160x128xi32, #tpu.memory_space<hbm>> -> memref<1x160x128xi32, #tpu.memory_space<hbm>>
        %dma_start3A_43 = tpu.memref_squeeze %dma_start3A_42 : memref<1x160x128xi32, #tpu.memory_space<hbm>> -> memref<160x128xi32, #tpu.memory_space<hbm>>
        tpu.enqueue_dma source(%dma_start3A_43 : memref<160x128xi32, #tpu.memory_space<hbm>>) target(%arg7 : memref<160x128xi32, #tpu.memory_space<vmem>>) target_semaphore(%run_scoped3A : memref<!tpu.dma_semaphore, #tpu.memory_space<semaphore_mem>>)
        %dma_wait3A = arith.constant 0 : i32
        %dma_wait3A_44 = arith.constant 0 : i32
        %dma_wait3A_45 = tpu.memref_slice %arg2[%arg1, %dma_wait3A, %dma_wait3A_44] : memref<16x160x128xi32, #tpu.memory_space<hbm>> -> memref<1x160x128xi32, #tpu.memory_space<hbm>>
        %dma_wait3A_46 = tpu.memref_squeeze %dma_wait3A_45 : memref<1x160x128xi32, #tpu.memory_space<hbm>> -> memref<160x128xi32, #tpu.memory_space<hbm>>
        %dma_wait3A_47 = arith.constant 0 : i32
        %dma_wait3A_48 = arith.constant 0 : i32
        %dma_wait3A_49 = tpu.memref_slice %arg2[%arg1, %dma_wait3A_47, %dma_wait3A_48] : memref<16x160x128xi32, #tpu.memory_space<hbm>> -> memref<1x160x128xi32, #tpu.memory_space<hbm>>
        %dma_wait3A_50 = tpu.memref_squeeze %dma_wait3A_49 : memref<1x160x128xi32, #tpu.memory_space<hbm>> -> memref<160x128xi32, #tpu.memory_space<hbm>>
        tpu.wait_dma2 semaphore(%run_scoped3A : memref<!tpu.dma_semaphore, #tpu.memory_space<semaphore_mem>>) src(%dma_wait3A_50 : memref<160x128xi32, #tpu.memory_space<hbm>>) dst(%arg7 : memref<160x128xi32, #tpu.memory_space<vmem>>)
        tpu.yield
      }) : () -> ()
      "tpu.region"() ({
        %run_scoped3A = tpu.sem_alloc : memref<!tpu.dma_semaphore, #tpu.memory_space<semaphore_mem>>
        %dma_start3A = arith.constant 0 : i32
        %dma_start3A_37 = arith.constant 0 : i32
        %dma_start3A_38 = tpu.memref_slice %arg3[%arg1, %dma_start3A, %dma_start3A_37] : memref<16x160x128xi32, #tpu.memory_space<hbm>> -> memref<1x160x128xi32, #tpu.memory_space<hbm>>
        %dma_start3A_39 = tpu.memref_squeeze %dma_start3A_38 : memref<1x160x128xi32, #tpu.memory_space<hbm>> -> memref<160x128xi32, #tpu.memory_space<hbm>>
        %dma_start3A_40 = arith.constant 0 : i32
        %dma_start3A_41 = arith.constant 0 : i32
        %dma_start3A_42 = tpu.memref_slice %arg3[%arg1, %dma_start3A_40, %dma_start3A_41] : memref<16x160x128xi32, #tpu.memory_space<hbm>> -> memref<1x160x128xi32, #tpu.memory_space<hbm>>
        %dma_start3A_43 = tpu.memref_squeeze %dma_start3A_42 : memref<1x160x128xi32, #tpu.memory_space<hbm>> -> memref<160x128xi32, #tpu.memory_space<hbm>>
        tpu.enqueue_dma source(%dma_start3A_43 : memref<160x128xi32, #tpu.memory_space<hbm>>) target(%arg8 : memref<160x128xi32, #tpu.memory_space<vmem>>) target_semaphore(%run_scoped3A : memref<!tpu.dma_semaphore, #tpu.memory_space<semaphore_mem>>)
        %dma_wait3A = arith.constant 0 : i32
        %dma_wait3A_44 = arith.constant 0 : i32
        %dma_wait3A_45 = tpu.memref_slice %arg3[%arg1, %dma_wait3A, %dma_wait3A_44] : memref<16x160x128xi32, #tpu.memory_space<hbm>> -> memref<1x160x128xi32, #tpu.memory_space<hbm>>
        %dma_wait3A_46 = tpu.memref_squeeze %dma_wait3A_45 : memref<1x160x128xi32, #tpu.memory_space<hbm>> -> memref<160x128xi32, #tpu.memory_space<hbm>>
        %dma_wait3A_47 = arith.constant 0 : i32
        %dma_wait3A_48 = arith.constant 0 : i32
        %dma_wait3A_49 = tpu.memref_slice %arg3[%arg1, %dma_wait3A_47, %dma_wait3A_48] : memref<16x160x128xi32, #tpu.memory_space<hbm>> -> memref<1x160x128xi32, #tpu.memory_space<hbm>>
        %dma_wait3A_50 = tpu.memref_squeeze %dma_wait3A_49 : memref<1x160x128xi32, #tpu.memory_space<hbm>> -> memref<160x128xi32, #tpu.memory_space<hbm>>
        tpu.wait_dma2 semaphore(%run_scoped3A : memref<!tpu.dma_semaphore, #tpu.memory_space<semaphore_mem>>) src(%dma_wait3A_50 : memref<160x128xi32, #tpu.memory_space<hbm>>) dst(%arg8 : memref<160x128xi32, #tpu.memory_space<vmem>>)
        tpu.yield
      }) : () -> ()
      "tpu.region"() ({
        %run_scoped3A = tpu.sem_alloc : memref<!tpu.dma_semaphore, #tpu.memory_space<semaphore_mem>>
        tpu.enqueue_dma source(%arg4 : memref<128x128xf32, #tpu.memory_space<hbm>>) target(%arg9 : memref<128x128xf32, #tpu.memory_space<vmem>>) target_semaphore(%run_scoped3A : memref<!tpu.dma_semaphore, #tpu.memory_space<semaphore_mem>>)
        tpu.wait_dma2 semaphore(%run_scoped3A : memref<!tpu.dma_semaphore, #tpu.memory_space<semaphore_mem>>) src(%arg4 : memref<128x128xf32, #tpu.memory_space<hbm>>) dst(%arg9 : memref<128x128xf32, #tpu.memory_space<vmem>>)
        tpu.yield
      }) : () -> ()
      %lt3A = arith.constant 10 : i32
      %lt3A_2 = arith.cmpi slt, %arg1, %lt3A : i32
      %convert_element_type3A_3 = arith.extui %lt3A_2 : i1 to i32
      %cond3A_4 = arith.constant 0 : i32
      %cond3A_5 = arith.cmpi ne, %convert_element_type3A_3, %cond3A_4 : i32
      scf.if %cond3A_5 {
        %scan3A_37 = arith.constant 0 : i32
        %scan3A_38 = arith.constant 0 : i32
        %scan3A_39 = arith.constant 8 : i32
        %scan3A_40 = arith.addi %scan3A_38, %scan3A_39 : i32
        %scan3A_41 = arith.constant 1 : i32
        scf.for %scan3A_43 = %scan3A_38 to %scan3A_40 step %scan3A_41  : i32 {
          %mul3A = arith.constant 512 : i32
          %mul3A_44 = arith.muli %arg1, %mul3A : i32
          %mul3A_45 = arith.constant 64 : i32
          %mul3A_46 = arith.muli %scan3A_43, %mul3A_45 : i32
          %add3A = arith.addi %mul3A_44, %mul3A_46 : i32
          "tpu.region"() ({
            %run_scoped3A = tpu.sem_alloc : memref<!tpu.dma_semaphore, #tpu.memory_space<semaphore_mem>>
            %dma_start3A = arith.constant 0 : i32
            %dma_start3A_47 = tpu.memref_slice %arg10[%add3A, %dma_start3A] : memref<5120x128xf32, #tpu.memory_space<vmem_shared>> -> memref<64x128xf32, #tpu.memory_space<vmem_shared>>
            tpu.enqueue_dma source(%arg5 : memref<64x128xf32, #tpu.memory_space<hbm>>) target(%dma_start3A_47 : memref<64x128xf32, #tpu.memory_space<vmem_shared>>) target_semaphore(%run_scoped3A : memref<!tpu.dma_semaphore, #tpu.memory_space<semaphore_mem>>)
            %dma_wait3A = arith.constant 0 : i32
            %dma_wait3A_48 = tpu.memref_slice %arg10[%add3A, %dma_wait3A] : memref<5120x128xf32, #tpu.memory_space<vmem_shared>> -> memref<64x128xf32, #tpu.memory_space<vmem_shared>>
            tpu.wait_dma2 semaphore(%run_scoped3A : memref<!tpu.dma_semaphore, #tpu.memory_space<semaphore_mem>>) src(%arg5 : memref<64x128xf32, #tpu.memory_space<hbm>>) dst(%dma_wait3A_48 : memref<64x128xf32, #tpu.memory_space<vmem_shared>>)
            tpu.yield
          }) : () -> ()
        }
        %scan3A_42 = arith.constant 8 : i32
      } else {
      }
      %barrier3A = arith.constant 0 : index
      tpu.barrier barrier_id(%barrier3A)
      %scan3A = arith.constant 0 : i32
      %scan3A_6 = arith.constant 0 : i32
      %scan3A_7 = arith.constant 160 : i32
      %scan3A_8 = arith.addi %scan3A_6, %scan3A_7 : i32
      %scan3A_9 = arith.constant 1 : i32
      scf.for %scan3A_37 = %scan3A_6 to %scan3A_8 step %scan3A_9  : i32 {
        "tpu.region"() ({
          %run_scoped3A = tpu.sem_alloc : memref<!tpu.dma_semaphore, #tpu.memory_space<semaphore_mem>>
          %dma_start3A = arith.constant 0 : i32
          %dma_start3A_38 = tpu.memref_slice %arg7[%scan3A_37, %dma_start3A] : memref<160x128xi32, #tpu.memory_space<vmem>> -> memref<1x128xi32, #tpu.memory_space<vmem>>
          %dma_start3A_39 = tpu.memref_squeeze %dma_start3A_38 : memref<1x128xi32, #tpu.memory_space<vmem>> -> memref<128xi32, #tpu.memory_space<vmem>>
          %dma_start3A_40 = arith.constant 0 : i32
          %dma_start3A_41 = arith.constant 0 : i32
          %dma_start3A_42 = tpu.memref_slice %arg10[%dma_start3A_40, %dma_start3A_41] : memref<5120x128xf32, #tpu.memory_space<vmem_shared>> -> memref<5120x128xf32, #tpu.memory_space<vmem_shared>>
          tpu.enqueue_indirect_dma source(%arg9 : memref<128x128xf32, #tpu.memory_space<vmem>>) target(%dma_start3A_42 : memref<5120x128xf32, #tpu.memory_space<vmem_shared>>) offsets(%dma_start3A_39 : memref<128xi32, #tpu.memory_space<vmem>>) semaphore(%run_scoped3A : memref<!tpu.dma_semaphore, #tpu.memory_space<semaphore_mem>>) {add = true}
          %dma_wait3A = arith.constant 0 : i32
          %dma_wait3A_43 = tpu.memref_slice %arg7[%scan3A_37, %dma_wait3A] : memref<160x128xi32, #tpu.memory_space<vmem>> -> memref<1x128xi32, #tpu.memory_space<vmem>>
          %dma_wait3A_44 = tpu.memref_squeeze %dma_wait3A_43 : memref<1x128xi32, #tpu.memory_space<vmem>> -> memref<128xi32, #tpu.memory_space<vmem>>
          %dma_wait3A_45 = arith.constant 0 : i32
          %dma_wait3A_46 = arith.constant 0 : i32
          %dma_wait3A_47 = tpu.memref_slice %arg10[%dma_wait3A_45, %dma_wait3A_46] : memref<5120x128xf32, #tpu.memory_space<vmem_shared>> -> memref<5120x128xf32, #tpu.memory_space<vmem_shared>>
          tpu.wait_indirect_dma semaphore(%run_scoped3A : memref<!tpu.dma_semaphore, #tpu.memory_space<semaphore_mem>>) src(%arg9 : memref<128x128xf32, #tpu.memory_space<vmem>>) dst(%dma_wait3A_47 : memref<5120x128xf32, #tpu.memory_space<vmem_shared>>)
          tpu.yield
        }) : () -> ()
      }
      %scan3A_10 = arith.constant 160 : i32
      %barrier3A_11 = arith.constant 0 : index
      tpu.barrier barrier_id(%barrier3A_11)
      %lt3A_12 = arith.constant 5 : i32
      %lt3A_13 = arith.cmpi slt, %arg1, %lt3A_12 : i32
      %convert_element_type3A_14 = arith.extui %lt3A_13 : i1 to i32
      %cond3A_15 = arith.constant 0 : i32
      %cond3A_16 = arith.cmpi ne, %convert_element_type3A_14, %cond3A_15 : i32
      scf.if %cond3A_16 {
        %mul3A = arith.constant 1000 : i32
        %mul3A_37 = arith.muli %arg1, %mul3A : i32
        %mul3A_38 = arith.constant 1000 : i32
        %mul3A_39 = arith.muli %arg1, %mul3A_38 : i32
        %add3A = arith.constant 0 : i32
        %add3A_40 = arith.addi %add3A, %mul3A_39 : i32
        "tpu.region"() ({
          %run_scoped3A = tpu.sem_alloc : memref<!tpu.dma_semaphore, #tpu.memory_space<semaphore_mem>>
          %dma_start3A = arith.constant 0 : i32
          %dma_start3A_41 = tpu.memref_slice %arg6[%add3A_40, %dma_start3A] : memref<10000x128xf32, #tpu.memory_space<hbm>> -> memref<1000x128xf32, #tpu.memory_space<hbm>>
          %dma_start3A_42 = arith.constant 0 : i32
          %dma_start3A_43 = tpu.memref_slice %arg10[%mul3A_37, %dma_start3A_42] : memref<5120x128xf32, #tpu.memory_space<vmem_shared>> -> memref<1000x128xf32, #tpu.memory_space<vmem_shared>>
          tpu.enqueue_dma source(%dma_start3A_43 : memref<1000x128xf32, #tpu.memory_space<vmem_shared>>) target(%dma_start3A_41 : memref<1000x128xf32, #tpu.memory_space<hbm>>) target_semaphore(%run_scoped3A : memref<!tpu.dma_semaphore, #tpu.memory_space<semaphore_mem>>)
          %dma_wait3A = arith.constant 0 : i32
          %dma_wait3A_44 = tpu.memref_slice %arg6[%add3A_40, %dma_wait3A] : memref<10000x128xf32, #tpu.memory_space<hbm>> -> memref<1000x128xf32, #tpu.memory_space<hbm>>
          %dma_wait3A_45 = arith.constant 0 : i32
          %dma_wait3A_46 = tpu.memref_slice %arg10[%mul3A_37, %dma_wait3A_45] : memref<5120x128xf32, #tpu.memory_space<vmem_shared>> -> memref<1000x128xf32, #tpu.memory_space<vmem_shared>>
          tpu.wait_dma2 semaphore(%run_scoped3A : memref<!tpu.dma_semaphore, #tpu.memory_space<semaphore_mem>>) src(%dma_wait3A_46 : memref<1000x128xf32, #tpu.memory_space<vmem_shared>>) dst(%dma_wait3A_44 : memref<1000x128xf32, #tpu.memory_space<hbm>>)
          tpu.yield
        }) : () -> ()
      } else {
      }
      %barrier3A_17 = arith.constant 0 : index
      tpu.barrier barrier_id(%barrier3A_17)
      %lt3A_18 = arith.constant 10 : i32
      %lt3A_19 = arith.cmpi slt, %arg1, %lt3A_18 : i32
      %convert_element_type3A_20 = arith.extui %lt3A_19 : i1 to i32
      %cond3A_21 = arith.constant 0 : i32
      %cond3A_22 = arith.cmpi ne, %convert_element_type3A_20, %cond3A_21 : i32
      scf.if %cond3A_22 {
        %scan3A_37 = arith.constant 0 : i32
        %scan3A_38 = arith.constant 0 : i32
        %scan3A_39 = arith.constant 8 : i32
        %scan3A_40 = arith.addi %scan3A_38, %scan3A_39 : i32
        %scan3A_41 = arith.constant 1 : i32
        scf.for %scan3A_43 = %scan3A_38 to %scan3A_40 step %scan3A_41  : i32 {
          %mul3A = arith.constant 512 : i32
          %mul3A_44 = arith.muli %arg1, %mul3A : i32
          %mul3A_45 = arith.constant 64 : i32
          %mul3A_46 = arith.muli %scan3A_43, %mul3A_45 : i32
          %add3A = arith.addi %mul3A_44, %mul3A_46 : i32
          "tpu.region"() ({
            %run_scoped3A = tpu.sem_alloc : memref<!tpu.dma_semaphore, #tpu.memory_space<semaphore_mem>>
            %dma_start3A = arith.constant 0 : i32
            %dma_start3A_47 = tpu.memref_slice %arg10[%add3A, %dma_start3A] : memref<5120x128xf32, #tpu.memory_space<vmem_shared>> -> memref<64x128xf32, #tpu.memory_space<vmem_shared>>
            tpu.enqueue_dma source(%arg5 : memref<64x128xf32, #tpu.memory_space<hbm>>) target(%dma_start3A_47 : memref<64x128xf32, #tpu.memory_space<vmem_shared>>) target_semaphore(%run_scoped3A : memref<!tpu.dma_semaphore, #tpu.memory_space<semaphore_mem>>)
            %dma_wait3A = arith.constant 0 : i32
            %dma_wait3A_48 = tpu.memref_slice %arg10[%add3A, %dma_wait3A] : memref<5120x128xf32, #tpu.memory_space<vmem_shared>> -> memref<64x128xf32, #tpu.memory_space<vmem_shared>>
            tpu.wait_dma2 semaphore(%run_scoped3A : memref<!tpu.dma_semaphore, #tpu.memory_space<semaphore_mem>>) src(%arg5 : memref<64x128xf32, #tpu.memory_space<hbm>>) dst(%dma_wait3A_48 : memref<64x128xf32, #tpu.memory_space<vmem_shared>>)
            tpu.yield
          }) : () -> ()
        }
        %scan3A_42 = arith.constant 8 : i32
      } else {
      }
      %barrier3A_23 = arith.constant 0 : index
      tpu.barrier barrier_id(%barrier3A_23)
      %scan3A_24 = arith.constant 0 : i32
      %scan3A_25 = arith.constant 0 : i32
      %scan3A_26 = arith.constant 160 : i32
      %scan3A_27 = arith.addi %scan3A_25, %scan3A_26 : i32
      %scan3A_28 = arith.constant 1 : i32
      scf.for %scan3A_37 = %scan3A_25 to %scan3A_27 step %scan3A_28  : i32 {
        "tpu.region"() ({
          %run_scoped3A = tpu.sem_alloc : memref<!tpu.dma_semaphore, #tpu.memory_space<semaphore_mem>>
          %dma_start3A = arith.constant 0 : i32
          %dma_start3A_38 = tpu.memref_slice %arg8[%scan3A_37, %dma_start3A] : memref<160x128xi32, #tpu.memory_space<vmem>> -> memref<1x128xi32, #tpu.memory_space<vmem>>
          %dma_start3A_39 = tpu.memref_squeeze %dma_start3A_38 : memref<1x128xi32, #tpu.memory_space<vmem>> -> memref<128xi32, #tpu.memory_space<vmem>>
          %dma_start3A_40 = arith.constant 0 : i32
          %dma_start3A_41 = arith.constant 0 : i32
          %dma_start3A_42 = tpu.memref_slice %arg10[%dma_start3A_40, %dma_start3A_41] : memref<5120x128xf32, #tpu.memory_space<vmem_shared>> -> memref<5120x128xf32, #tpu.memory_space<vmem_shared>>
          tpu.enqueue_indirect_dma source(%arg9 : memref<128x128xf32, #tpu.memory_space<vmem>>) target(%dma_start3A_42 : memref<5120x128xf32, #tpu.memory_space<vmem_shared>>) offsets(%dma_start3A_39 : memref<128xi32, #tpu.memory_space<vmem>>) semaphore(%run_scoped3A : memref<!tpu.dma_semaphore, #tpu.memory_space<semaphore_mem>>) {add = true}
          %dma_wait3A = arith.constant 0 : i32
          %dma_wait3A_43 = tpu.memref_slice %arg8[%scan3A_37, %dma_wait3A] : memref<160x128xi32, #tpu.memory_space<vmem>> -> memref<1x128xi32, #tpu.memory_space<vmem>>
          %dma_wait3A_44 = tpu.memref_squeeze %dma_wait3A_43 : memref<1x128xi32, #tpu.memory_space<vmem>> -> memref<128xi32, #tpu.memory_space<vmem>>
          %dma_wait3A_45 = arith.constant 0 : i32
          %dma_wait3A_46 = arith.constant 0 : i32
          %dma_wait3A_47 = tpu.memref_slice %arg10[%dma_wait3A_45, %dma_wait3A_46] : memref<5120x128xf32, #tpu.memory_space<vmem_shared>> -> memref<5120x128xf32, #tpu.memory_space<vmem_shared>>
          tpu.wait_indirect_dma semaphore(%run_scoped3A : memref<!tpu.dma_semaphore, #tpu.memory_space<semaphore_mem>>) src(%arg9 : memref<128x128xf32, #tpu.memory_space<vmem>>) dst(%dma_wait3A_47 : memref<5120x128xf32, #tpu.memory_space<vmem_shared>>)
          tpu.yield
        }) : () -> ()
      }
      %scan3A_29 = arith.constant 160 : i32
      %barrier3A_30 = arith.constant 0 : index
      tpu.barrier barrier_id(%barrier3A_30)
      %lt3A_31 = arith.constant 5 : i32
      %lt3A_32 = arith.cmpi slt, %arg1, %lt3A_31 : i32
      %convert_element_type3A_33 = arith.extui %lt3A_32 : i1 to i32
      %cond3A_34 = arith.constant 0 : i32
      %cond3A_35 = arith.cmpi ne, %convert_element_type3A_33, %cond3A_34 : i32
      scf.if %cond3A_35 {
        %mul3A = arith.constant 1000 : i32
        %mul3A_37 = arith.muli %arg1, %mul3A : i32
        %mul3A_38 = arith.constant 1000 : i32
        %mul3A_39 = arith.muli %arg1, %mul3A_38 : i32
        %add3A = arith.constant 5000 : i32
        %add3A_40 = arith.addi %add3A, %mul3A_39 : i32
        "tpu.region"() ({
          %run_scoped3A = tpu.sem_alloc : memref<!tpu.dma_semaphore, #tpu.memory_space<semaphore_mem>>
          %dma_start3A = arith.constant 0 : i32
          %dma_start3A_41 = tpu.memref_slice %arg6[%add3A_40, %dma_start3A] : memref<10000x128xf32, #tpu.memory_space<hbm>> -> memref<1000x128xf32, #tpu.memory_space<hbm>>
          %dma_start3A_42 = arith.constant 0 : i32
          %dma_start3A_43 = tpu.memref_slice %arg10[%mul3A_37, %dma_start3A_42] : memref<5120x128xf32, #tpu.memory_space<vmem_shared>> -> memref<1000x128xf32, #tpu.memory_space<vmem_shared>>
          tpu.enqueue_dma source(%dma_start3A_43 : memref<1000x128xf32, #tpu.memory_space<vmem_shared>>) target(%dma_start3A_41 : memref<1000x128xf32, #tpu.memory_space<hbm>>) target_semaphore(%run_scoped3A : memref<!tpu.dma_semaphore, #tpu.memory_space<semaphore_mem>>)
          %dma_wait3A = arith.constant 0 : i32
          %dma_wait3A_44 = tpu.memref_slice %arg6[%add3A_40, %dma_wait3A] : memref<10000x128xf32, #tpu.memory_space<hbm>> -> memref<1000x128xf32, #tpu.memory_space<hbm>>
          %dma_wait3A_45 = arith.constant 0 : i32
          %dma_wait3A_46 = tpu.memref_slice %arg10[%mul3A_37, %dma_wait3A_45] : memref<5120x128xf32, #tpu.memory_space<vmem_shared>> -> memref<1000x128xf32, #tpu.memory_space<vmem_shared>>
          tpu.wait_dma2 semaphore(%run_scoped3A : memref<!tpu.dma_semaphore, #tpu.memory_space<semaphore_mem>>) src(%dma_wait3A_46 : memref<1000x128xf32, #tpu.memory_space<vmem_shared>>) dst(%dma_wait3A_44 : memref<1000x128xf32, #tpu.memory_space<hbm>>)
          tpu.yield
        }) : () -> ()
      } else {
      }
      %barrier3A_36 = arith.constant 0 : index
      tpu.barrier barrier_id(%barrier3A_36)
    } else {
    }
    return
  }
}

#map = affine_map<(d0, d1) -> (0, 0)>
#map1 = affine_map<(d0, d1) -> (0, 0, 0)>
module attributes {stable_mosaic.version = 14 : i64} {
  func.func @_sc_scatter(%arg0: i32, %arg1: i32, %arg2: memref<10000x128xf32, #tpu.memory_space<hbm>>, %arg3: memref<10000x128xf32, #tpu.memory_space<hbm>>, %arg4: memref<16x160x128xi32, #tpu.memory_space<hbm>>, %arg5: memref<16x160x128xi32, #tpu.memory_space<hbm>>, %arg6: memref<16x160x128xi32, #tpu.memory_space<hbm>>, %arg7: memref<64x128xf32, #tpu.memory_space<hbm>>, %arg8: memref<10000x128xf32, #tpu.memory_space<hbm>>, %arg9: memref<10000x128xf32, #tpu.memory_space<hbm>>, %arg10: memref<160x128xi32, #tpu.memory_space<vmem>>, %arg11: memref<160x128xi32, #tpu.memory_space<vmem>>, %arg12: memref<160x128xi32, #tpu.memory_space<vmem>>, %arg13: memref<128x128xf32, #tpu.memory_space<vmem>>, %arg14: memref<5120x128xf32, #tpu.memory_space<vmem_shared>>, %arg15: memref<!tpu.dma_semaphore, #tpu.memory_space<semaphore_mem>>) attributes {dimension_semantics = [#tpu.dimension_semantics<core_parallel>, #tpu.dimension_semantics<subcore_parallel>], iteration_bounds = array<i64: 2, 16>, scalar_prefetch = 0 : i64, scratch_operands = 6 : i64, tpu.core_type = #tpu.core_type<sc_vector_subcore>, window_params = [{transform_indices = #map}, {transform_indices = #map}, {transform_indices = #map1}, {transform_indices = #map1}, {transform_indices = #map1}, {transform_indices = #map}, {transform_indices = #map}, {transform_indices = #map}]} {
    "tpu.region"() ({
      %run_scoped3A = tpu.sem_alloc : memref<!tpu.dma_semaphore, #tpu.memory_space<semaphore_mem>>
      %dma_start3A = arith.constant 0 : i32
      %dma_start3A_7 = arith.constant 0 : i32
      %dma_start3A_8 = tpu.memref_slice %arg4[%arg1, %dma_start3A, %dma_start3A_7] : memref<16x160x128xi32, #tpu.memory_space<hbm>> -> memref<1x160x128xi32, #tpu.memory_space<hbm>>
      %dma_start3A_9 = tpu.memref_squeeze %dma_start3A_8 : memref<1x160x128xi32, #tpu.memory_space<hbm>> -> memref<160x128xi32, #tpu.memory_space<hbm>>
      %dma_start3A_10 = arith.constant 0 : i32
      %dma_start3A_11 = arith.constant 0 : i32
      %dma_start3A_12 = tpu.memref_slice %arg4[%arg1, %dma_start3A_10, %dma_start3A_11] : memref<16x160x128xi32, #tpu.memory_space<hbm>> -> memref<1x160x128xi32, #tpu.memory_space<hbm>>
      %dma_start3A_13 = tpu.memref_squeeze %dma_start3A_12 : memref<1x160x128xi32, #tpu.memory_space<hbm>> -> memref<160x128xi32, #tpu.memory_space<hbm>>
      tpu.enqueue_dma source(%dma_start3A_13 : memref<160x128xi32, #tpu.memory_space<hbm>>) target(%arg10 : memref<160x128xi32, #tpu.memory_space<vmem>>) target_semaphore(%run_scoped3A : memref<!tpu.dma_semaphore, #tpu.memory_space<semaphore_mem>>)
      %dma_wait3A = arith.constant 0 : i32
      %dma_wait3A_14 = arith.constant 0 : i32
      %dma_wait3A_15 = tpu.memref_slice %arg4[%arg1, %dma_wait3A, %dma_wait3A_14] : memref<16x160x128xi32, #tpu.memory_space<hbm>> -> memref<1x160x128xi32, #tpu.memory_space<hbm>>
      %dma_wait3A_16 = tpu.memref_squeeze %dma_wait3A_15 : memref<1x160x128xi32, #tpu.memory_space<hbm>> -> memref<160x128xi32, #tpu.memory_space<hbm>>
      %dma_wait3A_17 = arith.constant 0 : i32
      %dma_wait3A_18 = arith.constant 0 : i32
      %dma_wait3A_19 = tpu.memref_slice %arg4[%arg1, %dma_wait3A_17, %dma_wait3A_18] : memref<16x160x128xi32, #tpu.memory_space<hbm>> -> memref<1x160x128xi32, #tpu.memory_space<hbm>>
      %dma_wait3A_20 = tpu.memref_squeeze %dma_wait3A_19 : memref<1x160x128xi32, #tpu.memory_space<hbm>> -> memref<160x128xi32, #tpu.memory_space<hbm>>
      tpu.wait_dma2 semaphore(%run_scoped3A : memref<!tpu.dma_semaphore, #tpu.memory_space<semaphore_mem>>) src(%dma_wait3A_20 : memref<160x128xi32, #tpu.memory_space<hbm>>) dst(%arg10 : memref<160x128xi32, #tpu.memory_space<vmem>>)
      tpu.yield
    }) : () -> ()
    "tpu.region"() ({
      %run_scoped3A = tpu.sem_alloc : memref<!tpu.dma_semaphore, #tpu.memory_space<semaphore_mem>>
      %dma_start3A = arith.constant 0 : i32
      %dma_start3A_7 = arith.constant 0 : i32
      %dma_start3A_8 = tpu.memref_slice %arg5[%arg1, %dma_start3A, %dma_start3A_7] : memref<16x160x128xi32, #tpu.memory_space<hbm>> -> memref<1x160x128xi32, #tpu.memory_space<hbm>>
      %dma_start3A_9 = tpu.memref_squeeze %dma_start3A_8 : memref<1x160x128xi32, #tpu.memory_space<hbm>> -> memref<160x128xi32, #tpu.memory_space<hbm>>
      %dma_start3A_10 = arith.constant 0 : i32
      %dma_start3A_11 = arith.constant 0 : i32
      %dma_start3A_12 = tpu.memref_slice %arg5[%arg1, %dma_start3A_10, %dma_start3A_11] : memref<16x160x128xi32, #tpu.memory_space<hbm>> -> memref<1x160x128xi32, #tpu.memory_space<hbm>>
      %dma_start3A_13 = tpu.memref_squeeze %dma_start3A_12 : memref<1x160x128xi32, #tpu.memory_space<hbm>> -> memref<160x128xi32, #tpu.memory_space<hbm>>
      tpu.enqueue_dma source(%dma_start3A_13 : memref<160x128xi32, #tpu.memory_space<hbm>>) target(%arg11 : memref<160x128xi32, #tpu.memory_space<vmem>>) target_semaphore(%run_scoped3A : memref<!tpu.dma_semaphore, #tpu.memory_space<semaphore_mem>>)
      %dma_wait3A = arith.constant 0 : i32
      %dma_wait3A_14 = arith.constant 0 : i32
      %dma_wait3A_15 = tpu.memref_slice %arg5[%arg1, %dma_wait3A, %dma_wait3A_14] : memref<16x160x128xi32, #tpu.memory_space<hbm>> -> memref<1x160x128xi32, #tpu.memory_space<hbm>>
      %dma_wait3A_16 = tpu.memref_squeeze %dma_wait3A_15 : memref<1x160x128xi32, #tpu.memory_space<hbm>> -> memref<160x128xi32, #tpu.memory_space<hbm>>
      %dma_wait3A_17 = arith.constant 0 : i32
      %dma_wait3A_18 = arith.constant 0 : i32
      %dma_wait3A_19 = tpu.memref_slice %arg5[%arg1, %dma_wait3A_17, %dma_wait3A_18] : memref<16x160x128xi32, #tpu.memory_space<hbm>> -> memref<1x160x128xi32, #tpu.memory_space<hbm>>
      %dma_wait3A_20 = tpu.memref_squeeze %dma_wait3A_19 : memref<1x160x128xi32, #tpu.memory_space<hbm>> -> memref<160x128xi32, #tpu.memory_space<hbm>>
      tpu.wait_dma2 semaphore(%run_scoped3A : memref<!tpu.dma_semaphore, #tpu.memory_space<semaphore_mem>>) src(%dma_wait3A_20 : memref<160x128xi32, #tpu.memory_space<hbm>>) dst(%arg11 : memref<160x128xi32, #tpu.memory_space<vmem>>)
      tpu.yield
    }) : () -> ()
    "tpu.region"() ({
      %run_scoped3A = tpu.sem_alloc : memref<!tpu.dma_semaphore, #tpu.memory_space<semaphore_mem>>
      %dma_start3A = arith.constant 0 : i32
      %dma_start3A_7 = arith.constant 0 : i32
      %dma_start3A_8 = tpu.memref_slice %arg6[%arg1, %dma_start3A, %dma_start3A_7] : memref<16x160x128xi32, #tpu.memory_space<hbm>> -> memref<1x160x128xi32, #tpu.memory_space<hbm>>
      %dma_start3A_9 = tpu.memref_squeeze %dma_start3A_8 : memref<1x160x128xi32, #tpu.memory_space<hbm>> -> memref<160x128xi32, #tpu.memory_space<hbm>>
      %dma_start3A_10 = arith.constant 0 : i32
      %dma_start3A_11 = arith.constant 0 : i32
      %dma_start3A_12 = tpu.memref_slice %arg6[%arg1, %dma_start3A_10, %dma_start3A_11] : memref<16x160x128xi32, #tpu.memory_space<hbm>> -> memref<1x160x128xi32, #tpu.memory_space<hbm>>
      %dma_start3A_13 = tpu.memref_squeeze %dma_start3A_12 : memref<1x160x128xi32, #tpu.memory_space<hbm>> -> memref<160x128xi32, #tpu.memory_space<hbm>>
      tpu.enqueue_dma source(%dma_start3A_13 : memref<160x128xi32, #tpu.memory_space<hbm>>) target(%arg12 : memref<160x128xi32, #tpu.memory_space<vmem>>) target_semaphore(%run_scoped3A : memref<!tpu.dma_semaphore, #tpu.memory_space<semaphore_mem>>)
      %dma_wait3A = arith.constant 0 : i32
      %dma_wait3A_14 = arith.constant 0 : i32
      %dma_wait3A_15 = tpu.memref_slice %arg6[%arg1, %dma_wait3A, %dma_wait3A_14] : memref<16x160x128xi32, #tpu.memory_space<hbm>> -> memref<1x160x128xi32, #tpu.memory_space<hbm>>
      %dma_wait3A_16 = tpu.memref_squeeze %dma_wait3A_15 : memref<1x160x128xi32, #tpu.memory_space<hbm>> -> memref<160x128xi32, #tpu.memory_space<hbm>>
      %dma_wait3A_17 = arith.constant 0 : i32
      %dma_wait3A_18 = arith.constant 0 : i32
      %dma_wait3A_19 = tpu.memref_slice %arg6[%arg1, %dma_wait3A_17, %dma_wait3A_18] : memref<16x160x128xi32, #tpu.memory_space<hbm>> -> memref<1x160x128xi32, #tpu.memory_space<hbm>>
      %dma_wait3A_20 = tpu.memref_squeeze %dma_wait3A_19 : memref<1x160x128xi32, #tpu.memory_space<hbm>> -> memref<160x128xi32, #tpu.memory_space<hbm>>
      tpu.wait_dma2 semaphore(%run_scoped3A : memref<!tpu.dma_semaphore, #tpu.memory_space<semaphore_mem>>) src(%dma_wait3A_20 : memref<160x128xi32, #tpu.memory_space<hbm>>) dst(%arg12 : memref<160x128xi32, #tpu.memory_space<vmem>>)
      tpu.yield
    }) : () -> ()
    %eq3A = arith.constant 0 : i32
    %eq3A_0 = arith.cmpi eq, %arg0, %eq3A : i32
    %convert_element_type3A = arith.extui %eq3A_0 : i1 to i32
    %cond3A = arith.constant 0 : i32
    %cond3A_1 = arith.cmpi ne, %convert_element_type3A, %cond3A : i32
    scf.if %cond3A_1 {
      %lt3A = arith.constant 10 : i32
      %lt3A_7 = arith.cmpi slt, %arg1, %lt3A : i32
      %convert_element_type3A_8 = arith.extui %lt3A_7 : i1 to i32
      %cond3A_9 = arith.constant 0 : i32
      %cond3A_10 = arith.cmpi ne, %convert_element_type3A_8, %cond3A_9 : i32
      scf.if %cond3A_10 {
        %scan3A_42 = arith.constant 0 : i32
        %scan3A_43 = arith.constant 0 : i32
        %scan3A_44 = arith.constant 8 : i32
        %scan3A_45 = arith.addi %scan3A_43, %scan3A_44 : i32
        %scan3A_46 = arith.constant 1 : i32
        scf.for %scan3A_48 = %scan3A_43 to %scan3A_45 step %scan3A_46  : i32 {
          %mul3A = arith.constant 512 : i32
          %mul3A_49 = arith.muli %arg1, %mul3A : i32
          %mul3A_50 = arith.constant 64 : i32
          %mul3A_51 = arith.muli %scan3A_48, %mul3A_50 : i32
          %add3A = arith.addi %mul3A_49, %mul3A_51 : i32
          "tpu.region"() ({
            %run_scoped3A = tpu.sem_alloc : memref<!tpu.dma_semaphore, #tpu.memory_space<semaphore_mem>>
            %dma_start3A = arith.constant 0 : i32
            %dma_start3A_52 = tpu.memref_slice %arg14[%add3A, %dma_start3A] : memref<5120x128xf32, #tpu.memory_space<vmem_shared>> -> memref<64x128xf32, #tpu.memory_space<vmem_shared>>
            tpu.enqueue_dma source(%arg7 : memref<64x128xf32, #tpu.memory_space<hbm>>) target(%dma_start3A_52 : memref<64x128xf32, #tpu.memory_space<vmem_shared>>) target_semaphore(%run_scoped3A : memref<!tpu.dma_semaphore, #tpu.memory_space<semaphore_mem>>)
            %dma_wait3A = arith.constant 0 : i32
            %dma_wait3A_53 = tpu.memref_slice %arg14[%add3A, %dma_wait3A] : memref<5120x128xf32, #tpu.memory_space<vmem_shared>> -> memref<64x128xf32, #tpu.memory_space<vmem_shared>>
            tpu.wait_dma2 semaphore(%run_scoped3A : memref<!tpu.dma_semaphore, #tpu.memory_space<semaphore_mem>>) src(%arg7 : memref<64x128xf32, #tpu.memory_space<hbm>>) dst(%dma_wait3A_53 : memref<64x128xf32, #tpu.memory_space<vmem_shared>>)
            tpu.yield
          }) : () -> ()
        }
        %scan3A_47 = arith.constant 8 : i32
      } else {
      }
      %barrier3A = arith.constant 0 : index
      tpu.barrier barrier_id(%barrier3A)
      %scan3A = arith.constant 0 : i32
      %scan3A_11 = arith.constant 0 : i32
      %scan3A_12 = arith.constant 160 : i32
      %scan3A_13 = arith.addi %scan3A_11, %scan3A_12 : i32
      %scan3A_14 = arith.constant 1 : i32
      scf.for %scan3A_42 = %scan3A_11 to %scan3A_13 step %scan3A_14  : i32 {
        %dma_start3A = arith.constant 0 : i32
        %dma_start3A_43 = tpu.memref_slice %arg10[%scan3A_42, %dma_start3A] : memref<160x128xi32, #tpu.memory_space<vmem>> -> memref<1x128xi32, #tpu.memory_space<vmem>>
        %dma_start3A_44 = tpu.memref_squeeze %dma_start3A_43 : memref<1x128xi32, #tpu.memory_space<vmem>> -> memref<128xi32, #tpu.memory_space<vmem>>
        %dma_start3A_45 = arith.constant 0 : i32
        %dma_start3A_46 = arith.constant 0 : i32
        %dma_start3A_47 = tpu.memref_slice %arg2[%dma_start3A_45, %dma_start3A_46] : memref<10000x128xf32, #tpu.memory_space<hbm>> -> memref<10000x128xf32, #tpu.memory_space<hbm>>
        tpu.enqueue_indirect_dma source(%dma_start3A_47 : memref<10000x128xf32, #tpu.memory_space<hbm>>) target(%arg13 : memref<128x128xf32, #tpu.memory_space<vmem>>) offsets(%dma_start3A_44 : memref<128xi32, #tpu.memory_space<vmem>>) semaphore(%arg15 : memref<!tpu.dma_semaphore, #tpu.memory_space<semaphore_mem>>)
        %dma_wait3A = arith.constant 0 : i32
        %dma_wait3A_48 = tpu.memref_slice %arg10[%scan3A_42, %dma_wait3A] : memref<160x128xi32, #tpu.memory_space<vmem>> -> memref<1x128xi32, #tpu.memory_space<vmem>>
        %dma_wait3A_49 = tpu.memref_squeeze %dma_wait3A_48 : memref<1x128xi32, #tpu.memory_space<vmem>> -> memref<128xi32, #tpu.memory_space<vmem>>
        %dma_wait3A_50 = arith.constant 0 : i32
        %dma_wait3A_51 = arith.constant 0 : i32
        %dma_wait3A_52 = tpu.memref_slice %arg2[%dma_wait3A_50, %dma_wait3A_51] : memref<10000x128xf32, #tpu.memory_space<hbm>> -> memref<10000x128xf32, #tpu.memory_space<hbm>>
        tpu.wait_indirect_dma semaphore(%arg15 : memref<!tpu.dma_semaphore, #tpu.memory_space<semaphore_mem>>) src(%dma_wait3A_52 : memref<10000x128xf32, #tpu.memory_space<hbm>>) dst(%arg13 : memref<128x128xf32, #tpu.memory_space<vmem>>)
        "tpu.region"() ({
          %run_scoped3A = tpu.sem_alloc : memref<!tpu.dma_semaphore, #tpu.memory_space<semaphore_mem>>
          %dma_start3A_53 = arith.constant 0 : i32
          %dma_start3A_54 = tpu.memref_slice %arg11[%scan3A_42, %dma_start3A_53] : memref<160x128xi32, #tpu.memory_space<vmem>> -> memref<1x128xi32, #tpu.memory_space<vmem>>
          %dma_start3A_55 = tpu.memref_squeeze %dma_start3A_54 : memref<1x128xi32, #tpu.memory_space<vmem>> -> memref<128xi32, #tpu.memory_space<vmem>>
          %dma_start3A_56 = arith.constant 0 : i32
          %dma_start3A_57 = arith.constant 0 : i32
          %dma_start3A_58 = tpu.memref_slice %arg14[%dma_start3A_56, %dma_start3A_57] : memref<5120x128xf32, #tpu.memory_space<vmem_shared>> -> memref<5120x128xf32, #tpu.memory_space<vmem_shared>>
          tpu.enqueue_indirect_dma source(%arg13 : memref<128x128xf32, #tpu.memory_space<vmem>>) target(%dma_start3A_58 : memref<5120x128xf32, #tpu.memory_space<vmem_shared>>) offsets(%dma_start3A_55 : memref<128xi32, #tpu.memory_space<vmem>>) semaphore(%run_scoped3A : memref<!tpu.dma_semaphore, #tpu.memory_space<semaphore_mem>>) {add = true}
          %dma_wait3A_59 = arith.constant 0 : i32
          %dma_wait3A_60 = tpu.memref_slice %arg11[%scan3A_42, %dma_wait3A_59] : memref<160x128xi32, #tpu.memory_space<vmem>> -> memref<1x128xi32, #tpu.memory_space<vmem>>
          %dma_wait3A_61 = tpu.memref_squeeze %dma_wait3A_60 : memref<1x128xi32, #tpu.memory_space<vmem>> -> memref<128xi32, #tpu.memory_space<vmem>>
          %dma_wait3A_62 = arith.constant 0 : i32
          %dma_wait3A_63 = arith.constant 0 : i32
          %dma_wait3A_64 = tpu.memref_slice %arg14[%dma_wait3A_62, %dma_wait3A_63] : memref<5120x128xf32, #tpu.memory_space<vmem_shared>> -> memref<5120x128xf32, #tpu.memory_space<vmem_shared>>
          tpu.wait_indirect_dma semaphore(%run_scoped3A : memref<!tpu.dma_semaphore, #tpu.memory_space<semaphore_mem>>) src(%arg13 : memref<128x128xf32, #tpu.memory_space<vmem>>) dst(%dma_wait3A_64 : memref<5120x128xf32, #tpu.memory_space<vmem_shared>>)
          tpu.yield
        }) : () -> ()
      }
      %scan3A_15 = arith.constant 160 : i32
      %barrier3A_16 = arith.constant 0 : index
      tpu.barrier barrier_id(%barrier3A_16)
      %lt3A_17 = arith.constant 5 : i32
      %lt3A_18 = arith.cmpi slt, %arg1, %lt3A_17 : i32
      %convert_element_type3A_19 = arith.extui %lt3A_18 : i1 to i32
      %cond3A_20 = arith.constant 0 : i32
      %cond3A_21 = arith.cmpi ne, %convert_element_type3A_19, %cond3A_20 : i32
      scf.if %cond3A_21 {
        %mul3A = arith.constant 1000 : i32
        %mul3A_42 = arith.muli %arg1, %mul3A : i32
        %mul3A_43 = arith.constant 1000 : i32
        %mul3A_44 = arith.muli %arg1, %mul3A_43 : i32
        %add3A = arith.constant 0 : i32
        %add3A_45 = arith.addi %add3A, %mul3A_44 : i32
        "tpu.region"() ({
          %run_scoped3A = tpu.sem_alloc : memref<!tpu.dma_semaphore, #tpu.memory_space<semaphore_mem>>
          %dma_start3A = arith.constant 0 : i32
          %dma_start3A_46 = tpu.memref_slice %arg8[%add3A_45, %dma_start3A] : memref<10000x128xf32, #tpu.memory_space<hbm>> -> memref<1000x128xf32, #tpu.memory_space<hbm>>
          %dma_start3A_47 = arith.constant 0 : i32
          %dma_start3A_48 = tpu.memref_slice %arg14[%mul3A_42, %dma_start3A_47] : memref<5120x128xf32, #tpu.memory_space<vmem_shared>> -> memref<1000x128xf32, #tpu.memory_space<vmem_shared>>
          tpu.enqueue_dma source(%dma_start3A_48 : memref<1000x128xf32, #tpu.memory_space<vmem_shared>>) target(%dma_start3A_46 : memref<1000x128xf32, #tpu.memory_space<hbm>>) target_semaphore(%run_scoped3A : memref<!tpu.dma_semaphore, #tpu.memory_space<semaphore_mem>>)
          %dma_wait3A = arith.constant 0 : i32
          %dma_wait3A_49 = tpu.memref_slice %arg8[%add3A_45, %dma_wait3A] : memref<10000x128xf32, #tpu.memory_space<hbm>> -> memref<1000x128xf32, #tpu.memory_space<hbm>>
          %dma_wait3A_50 = arith.constant 0 : i32
          %dma_wait3A_51 = tpu.memref_slice %arg14[%mul3A_42, %dma_wait3A_50] : memref<5120x128xf32, #tpu.memory_space<vmem_shared>> -> memref<1000x128xf32, #tpu.memory_space<vmem_shared>>
          tpu.wait_dma2 semaphore(%run_scoped3A : memref<!tpu.dma_semaphore, #tpu.memory_space<semaphore_mem>>) src(%dma_wait3A_51 : memref<1000x128xf32, #tpu.memory_space<vmem_shared>>) dst(%dma_wait3A_49 : memref<1000x128xf32, #tpu.memory_space<hbm>>)
          tpu.yield
        }) : () -> ()
      } else {
      }
      %barrier3A_22 = arith.constant 0 : index
      tpu.barrier barrier_id(%barrier3A_22)
      %lt3A_23 = arith.constant 10 : i32
      %lt3A_24 = arith.cmpi slt, %arg1, %lt3A_23 : i32
      %convert_element_type3A_25 = arith.extui %lt3A_24 : i1 to i32
      %cond3A_26 = arith.constant 0 : i32
      %cond3A_27 = arith.cmpi ne, %convert_element_type3A_25, %cond3A_26 : i32
      scf.if %cond3A_27 {
        %scan3A_42 = arith.constant 0 : i32
        %scan3A_43 = arith.constant 0 : i32
        %scan3A_44 = arith.constant 8 : i32
        %scan3A_45 = arith.addi %scan3A_43, %scan3A_44 : i32
        %scan3A_46 = arith.constant 1 : i32
        scf.for %scan3A_48 = %scan3A_43 to %scan3A_45 step %scan3A_46  : i32 {
          %mul3A = arith.constant 512 : i32
          %mul3A_49 = arith.muli %arg1, %mul3A : i32
          %mul3A_50 = arith.constant 64 : i32
          %mul3A_51 = arith.muli %scan3A_48, %mul3A_50 : i32
          %add3A = arith.addi %mul3A_49, %mul3A_51 : i32
          "tpu.region"() ({
            %run_scoped3A = tpu.sem_alloc : memref<!tpu.dma_semaphore, #tpu.memory_space<semaphore_mem>>
            %dma_start3A = arith.constant 0 : i32
            %dma_start3A_52 = tpu.memref_slice %arg14[%add3A, %dma_start3A] : memref<5120x128xf32, #tpu.memory_space<vmem_shared>> -> memref<64x128xf32, #tpu.memory_space<vmem_shared>>
            tpu.enqueue_dma source(%arg7 : memref<64x128xf32, #tpu.memory_space<hbm>>) target(%dma_start3A_52 : memref<64x128xf32, #tpu.memory_space<vmem_shared>>) target_semaphore(%run_scoped3A : memref<!tpu.dma_semaphore, #tpu.memory_space<semaphore_mem>>)
            %dma_wait3A = arith.constant 0 : i32
            %dma_wait3A_53 = tpu.memref_slice %arg14[%add3A, %dma_wait3A] : memref<5120x128xf32, #tpu.memory_space<vmem_shared>> -> memref<64x128xf32, #tpu.memory_space<vmem_shared>>
            tpu.wait_dma2 semaphore(%run_scoped3A : memref<!tpu.dma_semaphore, #tpu.memory_space<semaphore_mem>>) src(%arg7 : memref<64x128xf32, #tpu.memory_space<hbm>>) dst(%dma_wait3A_53 : memref<64x128xf32, #tpu.memory_space<vmem_shared>>)
            tpu.yield
          }) : () -> ()
        }
        %scan3A_47 = arith.constant 8 : i32
      } else {
      }
      %barrier3A_28 = arith.constant 0 : index
      tpu.barrier barrier_id(%barrier3A_28)
      %scan3A_29 = arith.constant 0 : i32
      %scan3A_30 = arith.constant 0 : i32
      %scan3A_31 = arith.constant 160 : i32
      %scan3A_32 = arith.addi %scan3A_30, %scan3A_31 : i32
      %scan3A_33 = arith.constant 1 : i32
      scf.for %scan3A_42 = %scan3A_30 to %scan3A_32 step %scan3A_33  : i32 {
        %dma_start3A = arith.constant 0 : i32
        %dma_start3A_43 = tpu.memref_slice %arg10[%scan3A_42, %dma_start3A] : memref<160x128xi32, #tpu.memory_space<vmem>> -> memref<1x128xi32, #tpu.memory_space<vmem>>
        %dma_start3A_44 = tpu.memref_squeeze %dma_start3A_43 : memref<1x128xi32, #tpu.memory_space<vmem>> -> memref<128xi32, #tpu.memory_space<vmem>>
        %dma_start3A_45 = arith.constant 0 : i32
        %dma_start3A_46 = arith.constant 0 : i32
        %dma_start3A_47 = tpu.memref_slice %arg2[%dma_start3A_45, %dma_start3A_46] : memref<10000x128xf32, #tpu.memory_space<hbm>> -> memref<10000x128xf32, #tpu.memory_space<hbm>>
        tpu.enqueue_indirect_dma source(%dma_start3A_47 : memref<10000x128xf32, #tpu.memory_space<hbm>>) target(%arg13 : memref<128x128xf32, #tpu.memory_space<vmem>>) offsets(%dma_start3A_44 : memref<128xi32, #tpu.memory_space<vmem>>) semaphore(%arg15 : memref<!tpu.dma_semaphore, #tpu.memory_space<semaphore_mem>>)
        %dma_wait3A = arith.constant 0 : i32
        %dma_wait3A_48 = tpu.memref_slice %arg10[%scan3A_42, %dma_wait3A] : memref<160x128xi32, #tpu.memory_space<vmem>> -> memref<1x128xi32, #tpu.memory_space<vmem>>
        %dma_wait3A_49 = tpu.memref_squeeze %dma_wait3A_48 : memref<1x128xi32, #tpu.memory_space<vmem>> -> memref<128xi32, #tpu.memory_space<vmem>>
        %dma_wait3A_50 = arith.constant 0 : i32
        %dma_wait3A_51 = arith.constant 0 : i32
        %dma_wait3A_52 = tpu.memref_slice %arg2[%dma_wait3A_50, %dma_wait3A_51] : memref<10000x128xf32, #tpu.memory_space<hbm>> -> memref<10000x128xf32, #tpu.memory_space<hbm>>
        tpu.wait_indirect_dma semaphore(%arg15 : memref<!tpu.dma_semaphore, #tpu.memory_space<semaphore_mem>>) src(%dma_wait3A_52 : memref<10000x128xf32, #tpu.memory_space<hbm>>) dst(%arg13 : memref<128x128xf32, #tpu.memory_space<vmem>>)
        "tpu.region"() ({
          %run_scoped3A = tpu.sem_alloc : memref<!tpu.dma_semaphore, #tpu.memory_space<semaphore_mem>>
          %dma_start3A_53 = arith.constant 0 : i32
          %dma_start3A_54 = tpu.memref_slice %arg12[%scan3A_42, %dma_start3A_53] : memref<160x128xi32, #tpu.memory_space<vmem>> -> memref<1x128xi32, #tpu.memory_space<vmem>>
          %dma_start3A_55 = tpu.memref_squeeze %dma_start3A_54 : memref<1x128xi32, #tpu.memory_space<vmem>> -> memref<128xi32, #tpu.memory_space<vmem>>
          %dma_start3A_56 = arith.constant 0 : i32
          %dma_start3A_57 = arith.constant 0 : i32
          %dma_start3A_58 = tpu.memref_slice %arg14[%dma_start3A_56, %dma_start3A_57] : memref<5120x128xf32, #tpu.memory_space<vmem_shared>> -> memref<5120x128xf32, #tpu.memory_space<vmem_shared>>
          tpu.enqueue_indirect_dma source(%arg13 : memref<128x128xf32, #tpu.memory_space<vmem>>) target(%dma_start3A_58 : memref<5120x128xf32, #tpu.memory_space<vmem_shared>>) offsets(%dma_start3A_55 : memref<128xi32, #tpu.memory_space<vmem>>) semaphore(%run_scoped3A : memref<!tpu.dma_semaphore, #tpu.memory_space<semaphore_mem>>) {add = true}
          %dma_wait3A_59 = arith.constant 0 : i32
          %dma_wait3A_60 = tpu.memref_slice %arg12[%scan3A_42, %dma_wait3A_59] : memref<160x128xi32, #tpu.memory_space<vmem>> -> memref<1x128xi32, #tpu.memory_space<vmem>>
          %dma_wait3A_61 = tpu.memref_squeeze %dma_wait3A_60 : memref<1x128xi32, #tpu.memory_space<vmem>> -> memref<128xi32, #tpu.memory_space<vmem>>
          %dma_wait3A_62 = arith.constant 0 : i32
          %dma_wait3A_63 = arith.constant 0 : i32
          %dma_wait3A_64 = tpu.memref_slice %arg14[%dma_wait3A_62, %dma_wait3A_63] : memref<5120x128xf32, #tpu.memory_space<vmem_shared>> -> memref<5120x128xf32, #tpu.memory_space<vmem_shared>>
          tpu.wait_indirect_dma semaphore(%run_scoped3A : memref<!tpu.dma_semaphore, #tpu.memory_space<semaphore_mem>>) src(%arg13 : memref<128x128xf32, #tpu.memory_space<vmem>>) dst(%dma_wait3A_64 : memref<5120x128xf32, #tpu.memory_space<vmem_shared>>)
          tpu.yield
        }) : () -> ()
      }
      %scan3A_34 = arith.constant 160 : i32
      %barrier3A_35 = arith.constant 0 : index
      tpu.barrier barrier_id(%barrier3A_35)
      %lt3A_36 = arith.constant 5 : i32
      %lt3A_37 = arith.cmpi slt, %arg1, %lt3A_36 : i32
      %convert_element_type3A_38 = arith.extui %lt3A_37 : i1 to i32
      %cond3A_39 = arith.constant 0 : i32
      %cond3A_40 = arith.cmpi ne, %convert_element_type3A_38, %cond3A_39 : i32
      scf.if %cond3A_40 {
        %mul3A = arith.constant 1000 : i32
        %mul3A_42 = arith.muli %arg1, %mul3A : i32
        %mul3A_43 = arith.constant 1000 : i32
        %mul3A_44 = arith.muli %arg1, %mul3A_43 : i32
        %add3A = arith.constant 5000 : i32
        %add3A_45 = arith.addi %add3A, %mul3A_44 : i32
        "tpu.region"() ({
          %run_scoped3A = tpu.sem_alloc : memref<!tpu.dma_semaphore, #tpu.memory_space<semaphore_mem>>
          %dma_start3A = arith.constant 0 : i32
          %dma_start3A_46 = tpu.memref_slice %arg8[%add3A_45, %dma_start3A] : memref<10000x128xf32, #tpu.memory_space<hbm>> -> memref<1000x128xf32, #tpu.memory_space<hbm>>
          %dma_start3A_47 = arith.constant 0 : i32
          %dma_start3A_48 = tpu.memref_slice %arg14[%mul3A_42, %dma_start3A_47] : memref<5120x128xf32, #tpu.memory_space<vmem_shared>> -> memref<1000x128xf32, #tpu.memory_space<vmem_shared>>
          tpu.enqueue_dma source(%dma_start3A_48 : memref<1000x128xf32, #tpu.memory_space<vmem_shared>>) target(%dma_start3A_46 : memref<1000x128xf32, #tpu.memory_space<hbm>>) target_semaphore(%run_scoped3A : memref<!tpu.dma_semaphore, #tpu.memory_space<semaphore_mem>>)
          %dma_wait3A = arith.constant 0 : i32
          %dma_wait3A_49 = tpu.memref_slice %arg8[%add3A_45, %dma_wait3A] : memref<10000x128xf32, #tpu.memory_space<hbm>> -> memref<1000x128xf32, #tpu.memory_space<hbm>>
          %dma_wait3A_50 = arith.constant 0 : i32
          %dma_wait3A_51 = tpu.memref_slice %arg14[%mul3A_42, %dma_wait3A_50] : memref<5120x128xf32, #tpu.memory_space<vmem_shared>> -> memref<1000x128xf32, #tpu.memory_space<vmem_shared>>
          tpu.wait_dma2 semaphore(%run_scoped3A : memref<!tpu.dma_semaphore, #tpu.memory_space<semaphore_mem>>) src(%dma_wait3A_51 : memref<1000x128xf32, #tpu.memory_space<vmem_shared>>) dst(%dma_wait3A_49 : memref<1000x128xf32, #tpu.memory_space<hbm>>)
          tpu.yield
        }) : () -> ()
      } else {
      }
      %barrier3A_41 = arith.constant 0 : index
      tpu.barrier barrier_id(%barrier3A_41)
    } else {
    }
    %eq3A_2 = arith.constant 1 : i32
    %eq3A_3 = arith.cmpi eq, %arg0, %eq3A_2 : i32
    %convert_element_type3A_4 = arith.extui %eq3A_3 : i1 to i32
    %cond3A_5 = arith.constant 0 : i32
    %cond3A_6 = arith.cmpi ne, %convert_element_type3A_4, %cond3A_5 : i32
    scf.if %cond3A_6 {
      %lt3A = arith.constant 10 : i32
      %lt3A_7 = arith.cmpi slt, %arg1, %lt3A : i32
      %convert_element_type3A_8 = arith.extui %lt3A_7 : i1 to i32
      %cond3A_9 = arith.constant 0 : i32
      %cond3A_10 = arith.cmpi ne, %convert_element_type3A_8, %cond3A_9 : i32
      scf.if %cond3A_10 {
        %scan3A_42 = arith.constant 0 : i32
        %scan3A_43 = arith.constant 0 : i32
        %scan3A_44 = arith.constant 8 : i32
        %scan3A_45 = arith.addi %scan3A_43, %scan3A_44 : i32
        %scan3A_46 = arith.constant 1 : i32
        scf.for %scan3A_48 = %scan3A_43 to %scan3A_45 step %scan3A_46  : i32 {
          %mul3A = arith.constant 512 : i32
          %mul3A_49 = arith.muli %arg1, %mul3A : i32
          %mul3A_50 = arith.constant 64 : i32
          %mul3A_51 = arith.muli %scan3A_48, %mul3A_50 : i32
          %add3A = arith.addi %mul3A_49, %mul3A_51 : i32
          "tpu.region"() ({
            %run_scoped3A = tpu.sem_alloc : memref<!tpu.dma_semaphore, #tpu.memory_space<semaphore_mem>>
            %dma_start3A = arith.constant 0 : i32
            %dma_start3A_52 = tpu.memref_slice %arg14[%add3A, %dma_start3A] : memref<5120x128xf32, #tpu.memory_space<vmem_shared>> -> memref<64x128xf32, #tpu.memory_space<vmem_shared>>
            tpu.enqueue_dma source(%arg7 : memref<64x128xf32, #tpu.memory_space<hbm>>) target(%dma_start3A_52 : memref<64x128xf32, #tpu.memory_space<vmem_shared>>) target_semaphore(%run_scoped3A : memref<!tpu.dma_semaphore, #tpu.memory_space<semaphore_mem>>)
            %dma_wait3A = arith.constant 0 : i32
            %dma_wait3A_53 = tpu.memref_slice %arg14[%add3A, %dma_wait3A] : memref<5120x128xf32, #tpu.memory_space<vmem_shared>> -> memref<64x128xf32, #tpu.memory_space<vmem_shared>>
            tpu.wait_dma2 semaphore(%run_scoped3A : memref<!tpu.dma_semaphore, #tpu.memory_space<semaphore_mem>>) src(%arg7 : memref<64x128xf32, #tpu.memory_space<hbm>>) dst(%dma_wait3A_53 : memref<64x128xf32, #tpu.memory_space<vmem_shared>>)
            tpu.yield
          }) : () -> ()
        }
        %scan3A_47 = arith.constant 8 : i32
      } else {
      }
      %barrier3A = arith.constant 0 : index
      tpu.barrier barrier_id(%barrier3A)
      %scan3A = arith.constant 0 : i32
      %scan3A_11 = arith.constant 0 : i32
      %scan3A_12 = arith.constant 160 : i32
      %scan3A_13 = arith.addi %scan3A_11, %scan3A_12 : i32
      %scan3A_14 = arith.constant 1 : i32
      scf.for %scan3A_42 = %scan3A_11 to %scan3A_13 step %scan3A_14  : i32 {
        %dma_start3A = arith.constant 0 : i32
        %dma_start3A_43 = tpu.memref_slice %arg10[%scan3A_42, %dma_start3A] : memref<160x128xi32, #tpu.memory_space<vmem>> -> memref<1x128xi32, #tpu.memory_space<vmem>>
        %dma_start3A_44 = tpu.memref_squeeze %dma_start3A_43 : memref<1x128xi32, #tpu.memory_space<vmem>> -> memref<128xi32, #tpu.memory_space<vmem>>
        %dma_start3A_45 = arith.constant 0 : i32
        %dma_start3A_46 = arith.constant 0 : i32
        %dma_start3A_47 = tpu.memref_slice %arg3[%dma_start3A_45, %dma_start3A_46] : memref<10000x128xf32, #tpu.memory_space<hbm>> -> memref<10000x128xf32, #tpu.memory_space<hbm>>
        tpu.enqueue_indirect_dma source(%dma_start3A_47 : memref<10000x128xf32, #tpu.memory_space<hbm>>) target(%arg13 : memref<128x128xf32, #tpu.memory_space<vmem>>) offsets(%dma_start3A_44 : memref<128xi32, #tpu.memory_space<vmem>>) semaphore(%arg15 : memref<!tpu.dma_semaphore, #tpu.memory_space<semaphore_mem>>)
        %dma_wait3A = arith.constant 0 : i32
        %dma_wait3A_48 = tpu.memref_slice %arg10[%scan3A_42, %dma_wait3A] : memref<160x128xi32, #tpu.memory_space<vmem>> -> memref<1x128xi32, #tpu.memory_space<vmem>>
        %dma_wait3A_49 = tpu.memref_squeeze %dma_wait3A_48 : memref<1x128xi32, #tpu.memory_space<vmem>> -> memref<128xi32, #tpu.memory_space<vmem>>
        %dma_wait3A_50 = arith.constant 0 : i32
        %dma_wait3A_51 = arith.constant 0 : i32
        %dma_wait3A_52 = tpu.memref_slice %arg3[%dma_wait3A_50, %dma_wait3A_51] : memref<10000x128xf32, #tpu.memory_space<hbm>> -> memref<10000x128xf32, #tpu.memory_space<hbm>>
        tpu.wait_indirect_dma semaphore(%arg15 : memref<!tpu.dma_semaphore, #tpu.memory_space<semaphore_mem>>) src(%dma_wait3A_52 : memref<10000x128xf32, #tpu.memory_space<hbm>>) dst(%arg13 : memref<128x128xf32, #tpu.memory_space<vmem>>)
        "tpu.region"() ({
          %run_scoped3A = tpu.sem_alloc : memref<!tpu.dma_semaphore, #tpu.memory_space<semaphore_mem>>
          %dma_start3A_53 = arith.constant 0 : i32
          %dma_start3A_54 = tpu.memref_slice %arg11[%scan3A_42, %dma_start3A_53] : memref<160x128xi32, #tpu.memory_space<vmem>> -> memref<1x128xi32, #tpu.memory_space<vmem>>
          %dma_start3A_55 = tpu.memref_squeeze %dma_start3A_54 : memref<1x128xi32, #tpu.memory_space<vmem>> -> memref<128xi32, #tpu.memory_space<vmem>>
          %dma_start3A_56 = arith.constant 0 : i32
          %dma_start3A_57 = arith.constant 0 : i32
          %dma_start3A_58 = tpu.memref_slice %arg14[%dma_start3A_56, %dma_start3A_57] : memref<5120x128xf32, #tpu.memory_space<vmem_shared>> -> memref<5120x128xf32, #tpu.memory_space<vmem_shared>>
          tpu.enqueue_indirect_dma source(%arg13 : memref<128x128xf32, #tpu.memory_space<vmem>>) target(%dma_start3A_58 : memref<5120x128xf32, #tpu.memory_space<vmem_shared>>) offsets(%dma_start3A_55 : memref<128xi32, #tpu.memory_space<vmem>>) semaphore(%run_scoped3A : memref<!tpu.dma_semaphore, #tpu.memory_space<semaphore_mem>>) {add = true}
          %dma_wait3A_59 = arith.constant 0 : i32
          %dma_wait3A_60 = tpu.memref_slice %arg11[%scan3A_42, %dma_wait3A_59] : memref<160x128xi32, #tpu.memory_space<vmem>> -> memref<1x128xi32, #tpu.memory_space<vmem>>
          %dma_wait3A_61 = tpu.memref_squeeze %dma_wait3A_60 : memref<1x128xi32, #tpu.memory_space<vmem>> -> memref<128xi32, #tpu.memory_space<vmem>>
          %dma_wait3A_62 = arith.constant 0 : i32
          %dma_wait3A_63 = arith.constant 0 : i32
          %dma_wait3A_64 = tpu.memref_slice %arg14[%dma_wait3A_62, %dma_wait3A_63] : memref<5120x128xf32, #tpu.memory_space<vmem_shared>> -> memref<5120x128xf32, #tpu.memory_space<vmem_shared>>
          tpu.wait_indirect_dma semaphore(%run_scoped3A : memref<!tpu.dma_semaphore, #tpu.memory_space<semaphore_mem>>) src(%arg13 : memref<128x128xf32, #tpu.memory_space<vmem>>) dst(%dma_wait3A_64 : memref<5120x128xf32, #tpu.memory_space<vmem_shared>>)
          tpu.yield
        }) : () -> ()
      }
      %scan3A_15 = arith.constant 160 : i32
      %barrier3A_16 = arith.constant 0 : index
      tpu.barrier barrier_id(%barrier3A_16)
      %lt3A_17 = arith.constant 5 : i32
      %lt3A_18 = arith.cmpi slt, %arg1, %lt3A_17 : i32
      %convert_element_type3A_19 = arith.extui %lt3A_18 : i1 to i32
      %cond3A_20 = arith.constant 0 : i32
      %cond3A_21 = arith.cmpi ne, %convert_element_type3A_19, %cond3A_20 : i32
      scf.if %cond3A_21 {
        %mul3A = arith.constant 1000 : i32
        %mul3A_42 = arith.muli %arg1, %mul3A : i32
        %mul3A_43 = arith.constant 1000 : i32
        %mul3A_44 = arith.muli %arg1, %mul3A_43 : i32
        %add3A = arith.constant 0 : i32
        %add3A_45 = arith.addi %add3A, %mul3A_44 : i32
        "tpu.region"() ({
          %run_scoped3A = tpu.sem_alloc : memref<!tpu.dma_semaphore, #tpu.memory_space<semaphore_mem>>
          %dma_start3A = arith.constant 0 : i32
          %dma_start3A_46 = tpu.memref_slice %arg9[%add3A_45, %dma_start3A] : memref<10000x128xf32, #tpu.memory_space<hbm>> -> memref<1000x128xf32, #tpu.memory_space<hbm>>
          %dma_start3A_47 = arith.constant 0 : i32
          %dma_start3A_48 = tpu.memref_slice %arg14[%mul3A_42, %dma_start3A_47] : memref<5120x128xf32, #tpu.memory_space<vmem_shared>> -> memref<1000x128xf32, #tpu.memory_space<vmem_shared>>
          tpu.enqueue_dma source(%dma_start3A_48 : memref<1000x128xf32, #tpu.memory_space<vmem_shared>>) target(%dma_start3A_46 : memref<1000x128xf32, #tpu.memory_space<hbm>>) target_semaphore(%run_scoped3A : memref<!tpu.dma_semaphore, #tpu.memory_space<semaphore_mem>>)
          %dma_wait3A = arith.constant 0 : i32
          %dma_wait3A_49 = tpu.memref_slice %arg9[%add3A_45, %dma_wait3A] : memref<10000x128xf32, #tpu.memory_space<hbm>> -> memref<1000x128xf32, #tpu.memory_space<hbm>>
          %dma_wait3A_50 = arith.constant 0 : i32
          %dma_wait3A_51 = tpu.memref_slice %arg14[%mul3A_42, %dma_wait3A_50] : memref<5120x128xf32, #tpu.memory_space<vmem_shared>> -> memref<1000x128xf32, #tpu.memory_space<vmem_shared>>
          tpu.wait_dma2 semaphore(%run_scoped3A : memref<!tpu.dma_semaphore, #tpu.memory_space<semaphore_mem>>) src(%dma_wait3A_51 : memref<1000x128xf32, #tpu.memory_space<vmem_shared>>) dst(%dma_wait3A_49 : memref<1000x128xf32, #tpu.memory_space<hbm>>)
          tpu.yield
        }) : () -> ()
      } else {
      }
      %barrier3A_22 = arith.constant 0 : index
      tpu.barrier barrier_id(%barrier3A_22)
      %lt3A_23 = arith.constant 10 : i32
      %lt3A_24 = arith.cmpi slt, %arg1, %lt3A_23 : i32
      %convert_element_type3A_25 = arith.extui %lt3A_24 : i1 to i32
      %cond3A_26 = arith.constant 0 : i32
      %cond3A_27 = arith.cmpi ne, %convert_element_type3A_25, %cond3A_26 : i32
      scf.if %cond3A_27 {
        %scan3A_42 = arith.constant 0 : i32
        %scan3A_43 = arith.constant 0 : i32
        %scan3A_44 = arith.constant 8 : i32
        %scan3A_45 = arith.addi %scan3A_43, %scan3A_44 : i32
        %scan3A_46 = arith.constant 1 : i32
        scf.for %scan3A_48 = %scan3A_43 to %scan3A_45 step %scan3A_46  : i32 {
          %mul3A = arith.constant 512 : i32
          %mul3A_49 = arith.muli %arg1, %mul3A : i32
          %mul3A_50 = arith.constant 64 : i32
          %mul3A_51 = arith.muli %scan3A_48, %mul3A_50 : i32
          %add3A = arith.addi %mul3A_49, %mul3A_51 : i32
          "tpu.region"() ({
            %run_scoped3A = tpu.sem_alloc : memref<!tpu.dma_semaphore, #tpu.memory_space<semaphore_mem>>
            %dma_start3A = arith.constant 0 : i32
            %dma_start3A_52 = tpu.memref_slice %arg14[%add3A, %dma_start3A] : memref<5120x128xf32, #tpu.memory_space<vmem_shared>> -> memref<64x128xf32, #tpu.memory_space<vmem_shared>>
            tpu.enqueue_dma source(%arg7 : memref<64x128xf32, #tpu.memory_space<hbm>>) target(%dma_start3A_52 : memref<64x128xf32, #tpu.memory_space<vmem_shared>>) target_semaphore(%run_scoped3A : memref<!tpu.dma_semaphore, #tpu.memory_space<semaphore_mem>>)
            %dma_wait3A = arith.constant 0 : i32
            %dma_wait3A_53 = tpu.memref_slice %arg14[%add3A, %dma_wait3A] : memref<5120x128xf32, #tpu.memory_space<vmem_shared>> -> memref<64x128xf32, #tpu.memory_space<vmem_shared>>
            tpu.wait_dma2 semaphore(%run_scoped3A : memref<!tpu.dma_semaphore, #tpu.memory_space<semaphore_mem>>) src(%arg7 : memref<64x128xf32, #tpu.memory_space<hbm>>) dst(%dma_wait3A_53 : memref<64x128xf32, #tpu.memory_space<vmem_shared>>)
            tpu.yield
          }) : () -> ()
        }
        %scan3A_47 = arith.constant 8 : i32
      } else {
      }
      %barrier3A_28 = arith.constant 0 : index
      tpu.barrier barrier_id(%barrier3A_28)
      %scan3A_29 = arith.constant 0 : i32
      %scan3A_30 = arith.constant 0 : i32
      %scan3A_31 = arith.constant 160 : i32
      %scan3A_32 = arith.addi %scan3A_30, %scan3A_31 : i32
      %scan3A_33 = arith.constant 1 : i32
      scf.for %scan3A_42 = %scan3A_30 to %scan3A_32 step %scan3A_33  : i32 {
        %dma_start3A = arith.constant 0 : i32
        %dma_start3A_43 = tpu.memref_slice %arg10[%scan3A_42, %dma_start3A] : memref<160x128xi32, #tpu.memory_space<vmem>> -> memref<1x128xi32, #tpu.memory_space<vmem>>
        %dma_start3A_44 = tpu.memref_squeeze %dma_start3A_43 : memref<1x128xi32, #tpu.memory_space<vmem>> -> memref<128xi32, #tpu.memory_space<vmem>>
        %dma_start3A_45 = arith.constant 0 : i32
        %dma_start3A_46 = arith.constant 0 : i32
        %dma_start3A_47 = tpu.memref_slice %arg3[%dma_start3A_45, %dma_start3A_46] : memref<10000x128xf32, #tpu.memory_space<hbm>> -> memref<10000x128xf32, #tpu.memory_space<hbm>>
        tpu.enqueue_indirect_dma source(%dma_start3A_47 : memref<10000x128xf32, #tpu.memory_space<hbm>>) target(%arg13 : memref<128x128xf32, #tpu.memory_space<vmem>>) offsets(%dma_start3A_44 : memref<128xi32, #tpu.memory_space<vmem>>) semaphore(%arg15 : memref<!tpu.dma_semaphore, #tpu.memory_space<semaphore_mem>>)
        %dma_wait3A = arith.constant 0 : i32
        %dma_wait3A_48 = tpu.memref_slice %arg10[%scan3A_42, %dma_wait3A] : memref<160x128xi32, #tpu.memory_space<vmem>> -> memref<1x128xi32, #tpu.memory_space<vmem>>
        %dma_wait3A_49 = tpu.memref_squeeze %dma_wait3A_48 : memref<1x128xi32, #tpu.memory_space<vmem>> -> memref<128xi32, #tpu.memory_space<vmem>>
        %dma_wait3A_50 = arith.constant 0 : i32
        %dma_wait3A_51 = arith.constant 0 : i32
        %dma_wait3A_52 = tpu.memref_slice %arg3[%dma_wait3A_50, %dma_wait3A_51] : memref<10000x128xf32, #tpu.memory_space<hbm>> -> memref<10000x128xf32, #tpu.memory_space<hbm>>
        tpu.wait_indirect_dma semaphore(%arg15 : memref<!tpu.dma_semaphore, #tpu.memory_space<semaphore_mem>>) src(%dma_wait3A_52 : memref<10000x128xf32, #tpu.memory_space<hbm>>) dst(%arg13 : memref<128x128xf32, #tpu.memory_space<vmem>>)
        "tpu.region"() ({
          %run_scoped3A = tpu.sem_alloc : memref<!tpu.dma_semaphore, #tpu.memory_space<semaphore_mem>>
          %dma_start3A_53 = arith.constant 0 : i32
          %dma_start3A_54 = tpu.memref_slice %arg12[%scan3A_42, %dma_start3A_53] : memref<160x128xi32, #tpu.memory_space<vmem>> -> memref<1x128xi32, #tpu.memory_space<vmem>>
          %dma_start3A_55 = tpu.memref_squeeze %dma_start3A_54 : memref<1x128xi32, #tpu.memory_space<vmem>> -> memref<128xi32, #tpu.memory_space<vmem>>
          %dma_start3A_56 = arith.constant 0 : i32
          %dma_start3A_57 = arith.constant 0 : i32
          %dma_start3A_58 = tpu.memref_slice %arg14[%dma_start3A_56, %dma_start3A_57] : memref<5120x128xf32, #tpu.memory_space<vmem_shared>> -> memref<5120x128xf32, #tpu.memory_space<vmem_shared>>
          tpu.enqueue_indirect_dma source(%arg13 : memref<128x128xf32, #tpu.memory_space<vmem>>) target(%dma_start3A_58 : memref<5120x128xf32, #tpu.memory_space<vmem_shared>>) offsets(%dma_start3A_55 : memref<128xi32, #tpu.memory_space<vmem>>) semaphore(%run_scoped3A : memref<!tpu.dma_semaphore, #tpu.memory_space<semaphore_mem>>) {add = true}
          %dma_wait3A_59 = arith.constant 0 : i32
          %dma_wait3A_60 = tpu.memref_slice %arg12[%scan3A_42, %dma_wait3A_59] : memref<160x128xi32, #tpu.memory_space<vmem>> -> memref<1x128xi32, #tpu.memory_space<vmem>>
          %dma_wait3A_61 = tpu.memref_squeeze %dma_wait3A_60 : memref<1x128xi32, #tpu.memory_space<vmem>> -> memref<128xi32, #tpu.memory_space<vmem>>
          %dma_wait3A_62 = arith.constant 0 : i32
          %dma_wait3A_63 = arith.constant 0 : i32
          %dma_wait3A_64 = tpu.memref_slice %arg14[%dma_wait3A_62, %dma_wait3A_63] : memref<5120x128xf32, #tpu.memory_space<vmem_shared>> -> memref<5120x128xf32, #tpu.memory_space<vmem_shared>>
          tpu.wait_indirect_dma semaphore(%run_scoped3A : memref<!tpu.dma_semaphore, #tpu.memory_space<semaphore_mem>>) src(%arg13 : memref<128x128xf32, #tpu.memory_space<vmem>>) dst(%dma_wait3A_64 : memref<5120x128xf32, #tpu.memory_space<vmem_shared>>)
          tpu.yield
        }) : () -> ()
      }
      %scan3A_34 = arith.constant 160 : i32
      %barrier3A_35 = arith.constant 0 : index
      tpu.barrier barrier_id(%barrier3A_35)
      %lt3A_36 = arith.constant 5 : i32
      %lt3A_37 = arith.cmpi slt, %arg1, %lt3A_36 : i32
      %convert_element_type3A_38 = arith.extui %lt3A_37 : i1 to i32
      %cond3A_39 = arith.constant 0 : i32
      %cond3A_40 = arith.cmpi ne, %convert_element_type3A_38, %cond3A_39 : i32
      scf.if %cond3A_40 {
        %mul3A = arith.constant 1000 : i32
        %mul3A_42 = arith.muli %arg1, %mul3A : i32
        %mul3A_43 = arith.constant 1000 : i32
        %mul3A_44 = arith.muli %arg1, %mul3A_43 : i32
        %add3A = arith.constant 5000 : i32
        %add3A_45 = arith.addi %add3A, %mul3A_44 : i32
        "tpu.region"() ({
          %run_scoped3A = tpu.sem_alloc : memref<!tpu.dma_semaphore, #tpu.memory_space<semaphore_mem>>
          %dma_start3A = arith.constant 0 : i32
          %dma_start3A_46 = tpu.memref_slice %arg9[%add3A_45, %dma_start3A] : memref<10000x128xf32, #tpu.memory_space<hbm>> -> memref<1000x128xf32, #tpu.memory_space<hbm>>
          %dma_start3A_47 = arith.constant 0 : i32
          %dma_start3A_48 = tpu.memref_slice %arg14[%mul3A_42, %dma_start3A_47] : memref<5120x128xf32, #tpu.memory_space<vmem_shared>> -> memref<1000x128xf32, #tpu.memory_space<vmem_shared>>
          tpu.enqueue_dma source(%dma_start3A_48 : memref<1000x128xf32, #tpu.memory_space<vmem_shared>>) target(%dma_start3A_46 : memref<1000x128xf32, #tpu.memory_space<hbm>>) target_semaphore(%run_scoped3A : memref<!tpu.dma_semaphore, #tpu.memory_space<semaphore_mem>>)
          %dma_wait3A = arith.constant 0 : i32
          %dma_wait3A_49 = tpu.memref_slice %arg9[%add3A_45, %dma_wait3A] : memref<10000x128xf32, #tpu.memory_space<hbm>> -> memref<1000x128xf32, #tpu.memory_space<hbm>>
          %dma_wait3A_50 = arith.constant 0 : i32
          %dma_wait3A_51 = tpu.memref_slice %arg14[%mul3A_42, %dma_wait3A_50] : memref<5120x128xf32, #tpu.memory_space<vmem_shared>> -> memref<1000x128xf32, #tpu.memory_space<vmem_shared>>
          tpu.wait_dma2 semaphore(%run_scoped3A : memref<!tpu.dma_semaphore, #tpu.memory_space<semaphore_mem>>) src(%dma_wait3A_51 : memref<1000x128xf32, #tpu.memory_space<vmem_shared>>) dst(%dma_wait3A_49 : memref<1000x128xf32, #tpu.memory_space<hbm>>)
          tpu.yield
        }) : () -> ()
      } else {
      }
      %barrier3A_41 = arith.constant 0 : index
      tpu.barrier barrier_id(%barrier3A_41)
    } else {
    }
    return
  }
}

#map = affine_map<(d0, d1) -> (0, 0)>
#map1 = affine_map<(d0, d1) -> (0, 0, 0)>
module attributes {stable_mosaic.version = 14 : i64} {
  func.func @_sc_scatter(%arg0: i32, %arg1: i32, %arg2: memref<10000x128xf32, #tpu.memory_space<hbm>>, %arg3: memref<10000x128xf32, #tpu.memory_space<hbm>>, %arg4: memref<16x160x128xi32, #tpu.memory_space<hbm>>, %arg5: memref<16x160x128xi32, #tpu.memory_space<hbm>>, %arg6: memref<16x160x128xi32, #tpu.memory_space<hbm>>, %arg7: memref<64x128xf32, #tpu.memory_space<hbm>>, %arg8: memref<10000x128xf32, #tpu.memory_space<hbm>>, %arg9: memref<10000x128xf32, #tpu.memory_space<hbm>>, %arg10: memref<160x128xi32, #tpu.memory_space<vmem>>, %arg11: memref<160x128xi32, #tpu.memory_space<vmem>>, %arg12: memref<160x128xi32, #tpu.memory_space<vmem>>, %arg13: memref<128x128xf32, #tpu.memory_space<vmem>>, %arg14: memref<5120x128xf32, #tpu.memory_space<vmem_shared>>, %arg15: memref<!tpu.dma_semaphore, #tpu.memory_space<semaphore_mem>>) attributes {dimension_semantics = [#tpu.dimension_semantics<core_parallel>, #tpu.dimension_semantics<subcore_parallel>], iteration_bounds = array<i64: 2, 16>, scalar_prefetch = 0 : i64, scratch_operands = 6 : i64, tpu.core_type = #tpu.core_type<sc_vector_subcore>, window_params = [{transform_indices = #map}, {transform_indices = #map}, {transform_indices = #map1}, {transform_indices = #map1}, {transform_indices = #map1}, {transform_indices = #map}, {transform_indices = #map}, {transform_indices = #map}]} {
    "tpu.region"() ({
      %run_scoped3A = tpu.sem_alloc : memref<!tpu.dma_semaphore, #tpu.memory_space<semaphore_mem>>
      %dma_start3A = arith.constant 0 : i32
      %dma_start3A_7 = arith.constant 0 : i32
      %dma_start3A_8 = tpu.memref_slice %arg4[%arg1, %dma_start3A, %dma_start3A_7] : memref<16x160x128xi32, #tpu.memory_space<hbm>> -> memref<1x160x128xi32, #tpu.memory_space<hbm>>
      %dma_start3A_9 = tpu.memref_squeeze %dma_start3A_8 : memref<1x160x128xi32, #tpu.memory_space<hbm>> -> memref<160x128xi32, #tpu.memory_space<hbm>>
      %dma_start3A_10 = arith.constant 0 : i32
      %dma_start3A_11 = arith.constant 0 : i32
      %dma_start3A_12 = tpu.memref_slice %arg4[%arg1, %dma_start3A_10, %dma_start3A_11] : memref<16x160x128xi32, #tpu.memory_space<hbm>> -> memref<1x160x128xi32, #tpu.memory_space<hbm>>
      %dma_start3A_13 = tpu.memref_squeeze %dma_start3A_12 : memref<1x160x128xi32, #tpu.memory_space<hbm>> -> memref<160x128xi32, #tpu.memory_space<hbm>>
      tpu.enqueue_dma source(%dma_start3A_13 : memref<160x128xi32, #tpu.memory_space<hbm>>) target(%arg10 : memref<160x128xi32, #tpu.memory_space<vmem>>) target_semaphore(%run_scoped3A : memref<!tpu.dma_semaphore, #tpu.memory_space<semaphore_mem>>)
      %dma_wait3A = arith.constant 0 : i32
      %dma_wait3A_14 = arith.constant 0 : i32
      %dma_wait3A_15 = tpu.memref_slice %arg4[%arg1, %dma_wait3A, %dma_wait3A_14] : memref<16x160x128xi32, #tpu.memory_space<hbm>> -> memref<1x160x128xi32, #tpu.memory_space<hbm>>
      %dma_wait3A_16 = tpu.memref_squeeze %dma_wait3A_15 : memref<1x160x128xi32, #tpu.memory_space<hbm>> -> memref<160x128xi32, #tpu.memory_space<hbm>>
      %dma_wait3A_17 = arith.constant 0 : i32
      %dma_wait3A_18 = arith.constant 0 : i32
      %dma_wait3A_19 = tpu.memref_slice %arg4[%arg1, %dma_wait3A_17, %dma_wait3A_18] : memref<16x160x128xi32, #tpu.memory_space<hbm>> -> memref<1x160x128xi32, #tpu.memory_space<hbm>>
      %dma_wait3A_20 = tpu.memref_squeeze %dma_wait3A_19 : memref<1x160x128xi32, #tpu.memory_space<hbm>> -> memref<160x128xi32, #tpu.memory_space<hbm>>
      tpu.wait_dma2 semaphore(%run_scoped3A : memref<!tpu.dma_semaphore, #tpu.memory_space<semaphore_mem>>) src(%dma_wait3A_20 : memref<160x128xi32, #tpu.memory_space<hbm>>) dst(%arg10 : memref<160x128xi32, #tpu.memory_space<vmem>>)
      tpu.yield
    }) : () -> ()
    "tpu.region"() ({
      %run_scoped3A = tpu.sem_alloc : memref<!tpu.dma_semaphore, #tpu.memory_space<semaphore_mem>>
      %dma_start3A = arith.constant 0 : i32
      %dma_start3A_7 = arith.constant 0 : i32
      %dma_start3A_8 = tpu.memref_slice %arg5[%arg1, %dma_start3A, %dma_start3A_7] : memref<16x160x128xi32, #tpu.memory_space<hbm>> -> memref<1x160x128xi32, #tpu.memory_space<hbm>>
      %dma_start3A_9 = tpu.memref_squeeze %dma_start3A_8 : memref<1x160x128xi32, #tpu.memory_space<hbm>> -> memref<160x128xi32, #tpu.memory_space<hbm>>
      %dma_start3A_10 = arith.constant 0 : i32
      %dma_start3A_11 = arith.constant 0 : i32
      %dma_start3A_12 = tpu.memref_slice %arg5[%arg1, %dma_start3A_10, %dma_start3A_11] : memref<16x160x128xi32, #tpu.memory_space<hbm>> -> memref<1x160x128xi32, #tpu.memory_space<hbm>>
      %dma_start3A_13 = tpu.memref_squeeze %dma_start3A_12 : memref<1x160x128xi32, #tpu.memory_space<hbm>> -> memref<160x128xi32, #tpu.memory_space<hbm>>
      tpu.enqueue_dma source(%dma_start3A_13 : memref<160x128xi32, #tpu.memory_space<hbm>>) target(%arg11 : memref<160x128xi32, #tpu.memory_space<vmem>>) target_semaphore(%run_scoped3A : memref<!tpu.dma_semaphore, #tpu.memory_space<semaphore_mem>>)
      %dma_wait3A = arith.constant 0 : i32
      %dma_wait3A_14 = arith.constant 0 : i32
      %dma_wait3A_15 = tpu.memref_slice %arg5[%arg1, %dma_wait3A, %dma_wait3A_14] : memref<16x160x128xi32, #tpu.memory_space<hbm>> -> memref<1x160x128xi32, #tpu.memory_space<hbm>>
      %dma_wait3A_16 = tpu.memref_squeeze %dma_wait3A_15 : memref<1x160x128xi32, #tpu.memory_space<hbm>> -> memref<160x128xi32, #tpu.memory_space<hbm>>
      %dma_wait3A_17 = arith.constant 0 : i32
      %dma_wait3A_18 = arith.constant 0 : i32
      %dma_wait3A_19 = tpu.memref_slice %arg5[%arg1, %dma_wait3A_17, %dma_wait3A_18] : memref<16x160x128xi32, #tpu.memory_space<hbm>> -> memref<1x160x128xi32, #tpu.memory_space<hbm>>
      %dma_wait3A_20 = tpu.memref_squeeze %dma_wait3A_19 : memref<1x160x128xi32, #tpu.memory_space<hbm>> -> memref<160x128xi32, #tpu.memory_space<hbm>>
      tpu.wait_dma2 semaphore(%run_scoped3A : memref<!tpu.dma_semaphore, #tpu.memory_space<semaphore_mem>>) src(%dma_wait3A_20 : memref<160x128xi32, #tpu.memory_space<hbm>>) dst(%arg11 : memref<160x128xi32, #tpu.memory_space<vmem>>)
      tpu.yield
    }) : () -> ()
    "tpu.region"() ({
      %run_scoped3A = tpu.sem_alloc : memref<!tpu.dma_semaphore, #tpu.memory_space<semaphore_mem>>
      %dma_start3A = arith.constant 0 : i32
      %dma_start3A_7 = arith.constant 0 : i32
      %dma_start3A_8 = tpu.memref_slice %arg6[%arg1, %dma_start3A, %dma_start3A_7] : memref<16x160x128xi32, #tpu.memory_space<hbm>> -> memref<1x160x128xi32, #tpu.memory_space<hbm>>
      %dma_start3A_9 = tpu.memref_squeeze %dma_start3A_8 : memref<1x160x128xi32, #tpu.memory_space<hbm>> -> memref<160x128xi32, #tpu.memory_space<hbm>>
      %dma_start3A_10 = arith.constant 0 : i32
      %dma_start3A_11 = arith.constant 0 : i32
      %dma_start3A_12 = tpu.memref_slice %arg6[%arg1, %dma_start3A_10, %dma_start3A_11] : memref<16x160x128xi32, #tpu.memory_space<hbm>> -> memref<1x160x128xi32, #tpu.memory_space<hbm>>
      %dma_start3A_13 = tpu.memref_squeeze %dma_start3A_12 : memref<1x160x128xi32, #tpu.memory_space<hbm>> -> memref<160x128xi32, #tpu.memory_space<hbm>>
      tpu.enqueue_dma source(%dma_start3A_13 : memref<160x128xi32, #tpu.memory_space<hbm>>) target(%arg12 : memref<160x128xi32, #tpu.memory_space<vmem>>) target_semaphore(%run_scoped3A : memref<!tpu.dma_semaphore, #tpu.memory_space<semaphore_mem>>)
      %dma_wait3A = arith.constant 0 : i32
      %dma_wait3A_14 = arith.constant 0 : i32
      %dma_wait3A_15 = tpu.memref_slice %arg6[%arg1, %dma_wait3A, %dma_wait3A_14] : memref<16x160x128xi32, #tpu.memory_space<hbm>> -> memref<1x160x128xi32, #tpu.memory_space<hbm>>
      %dma_wait3A_16 = tpu.memref_squeeze %dma_wait3A_15 : memref<1x160x128xi32, #tpu.memory_space<hbm>> -> memref<160x128xi32, #tpu.memory_space<hbm>>
      %dma_wait3A_17 = arith.constant 0 : i32
      %dma_wait3A_18 = arith.constant 0 : i32
      %dma_wait3A_19 = tpu.memref_slice %arg6[%arg1, %dma_wait3A_17, %dma_wait3A_18] : memref<16x160x128xi32, #tpu.memory_space<hbm>> -> memref<1x160x128xi32, #tpu.memory_space<hbm>>
      %dma_wait3A_20 = tpu.memref_squeeze %dma_wait3A_19 : memref<1x160x128xi32, #tpu.memory_space<hbm>> -> memref<160x128xi32, #tpu.memory_space<hbm>>
      tpu.wait_dma2 semaphore(%run_scoped3A : memref<!tpu.dma_semaphore, #tpu.memory_space<semaphore_mem>>) src(%dma_wait3A_20 : memref<160x128xi32, #tpu.memory_space<hbm>>) dst(%arg12 : memref<160x128xi32, #tpu.memory_space<vmem>>)
      tpu.yield
    }) : () -> ()
    %eq3A = arith.constant 0 : i32
    %eq3A_0 = arith.cmpi eq, %arg0, %eq3A : i32
    %convert_element_type3A = arith.extui %eq3A_0 : i1 to i32
    %cond3A = arith.constant 0 : i32
    %cond3A_1 = arith.cmpi ne, %convert_element_type3A, %cond3A : i32
    scf.if %cond3A_1 {
      %lt3A = arith.constant 10 : i32
      %lt3A_7 = arith.cmpi slt, %arg1, %lt3A : i32
      %convert_element_type3A_8 = arith.extui %lt3A_7 : i1 to i32
      %cond3A_9 = arith.constant 0 : i32
      %cond3A_10 = arith.cmpi ne, %convert_element_type3A_8, %cond3A_9 : i32
      scf.if %cond3A_10 {
        %scan3A_42 = arith.constant 0 : i32
        %scan3A_43 = arith.constant 0 : i32
        %scan3A_44 = arith.constant 8 : i32
        %scan3A_45 = arith.addi %scan3A_43, %scan3A_44 : i32
        %scan3A_46 = arith.constant 1 : i32
        scf.for %scan3A_48 = %scan3A_43 to %scan3A_45 step %scan3A_46  : i32 {
          %mul3A = arith.constant 512 : i32
          %mul3A_49 = arith.muli %arg1, %mul3A : i32
          %mul3A_50 = arith.constant 64 : i32
          %mul3A_51 = arith.muli %scan3A_48, %mul3A_50 : i32
          %add3A = arith.addi %mul3A_49, %mul3A_51 : i32
          "tpu.region"() ({
            %run_scoped3A = tpu.sem_alloc : memref<!tpu.dma_semaphore, #tpu.memory_space<semaphore_mem>>
            %dma_start3A = arith.constant 0 : i32
            %dma_start3A_52 = tpu.memref_slice %arg14[%add3A, %dma_start3A] : memref<5120x128xf32, #tpu.memory_space<vmem_shared>> -> memref<64x128xf32, #tpu.memory_space<vmem_shared>>
            tpu.enqueue_dma source(%arg7 : memref<64x128xf32, #tpu.memory_space<hbm>>) target(%dma_start3A_52 : memref<64x128xf32, #tpu.memory_space<vmem_shared>>) target_semaphore(%run_scoped3A : memref<!tpu.dma_semaphore, #tpu.memory_space<semaphore_mem>>)
            %dma_wait3A = arith.constant 0 : i32
            %dma_wait3A_53 = tpu.memref_slice %arg14[%add3A, %dma_wait3A] : memref<5120x128xf32, #tpu.memory_space<vmem_shared>> -> memref<64x128xf32, #tpu.memory_space<vmem_shared>>
            tpu.wait_dma2 semaphore(%run_scoped3A : memref<!tpu.dma_semaphore, #tpu.memory_space<semaphore_mem>>) src(%arg7 : memref<64x128xf32, #tpu.memory_space<hbm>>) dst(%dma_wait3A_53 : memref<64x128xf32, #tpu.memory_space<vmem_shared>>)
            tpu.yield
          }) : () -> ()
        }
        %scan3A_47 = arith.constant 8 : i32
      } else {
      }
      %barrier3A = arith.constant 0 : index
      tpu.barrier barrier_id(%barrier3A)
      %scan3A = arith.constant 0 : i32
      %scan3A_11 = arith.constant 0 : i32
      %scan3A_12 = arith.constant 160 : i32
      %scan3A_13 = arith.addi %scan3A_11, %scan3A_12 : i32
      %scan3A_14 = arith.constant 1 : i32
      scf.for %scan3A_42 = %scan3A_11 to %scan3A_13 step %scan3A_14  : i32 {
        %dma_start3A = arith.constant 0 : i32
        %dma_start3A_43 = tpu.memref_slice %arg10[%scan3A_42, %dma_start3A] : memref<160x128xi32, #tpu.memory_space<vmem>> -> memref<1x128xi32, #tpu.memory_space<vmem>>
        %dma_start3A_44 = tpu.memref_squeeze %dma_start3A_43 : memref<1x128xi32, #tpu.memory_space<vmem>> -> memref<128xi32, #tpu.memory_space<vmem>>
        %dma_start3A_45 = arith.constant 0 : i32
        %dma_start3A_46 = arith.constant 0 : i32
        %dma_start3A_47 = tpu.memref_slice %arg2[%dma_start3A_45, %dma_start3A_46] : memref<10000x128xf32, #tpu.memory_space<hbm>> -> memref<10000x128xf32, #tpu.memory_space<hbm>>
        tpu.enqueue_indirect_dma source(%dma_start3A_47 : memref<10000x128xf32, #tpu.memory_space<hbm>>) target(%arg13 : memref<128x128xf32, #tpu.memory_space<vmem>>) offsets(%dma_start3A_44 : memref<128xi32, #tpu.memory_space<vmem>>) semaphore(%arg15 : memref<!tpu.dma_semaphore, #tpu.memory_space<semaphore_mem>>)
        %dma_wait3A = arith.constant 0 : i32
        %dma_wait3A_48 = tpu.memref_slice %arg10[%scan3A_42, %dma_wait3A] : memref<160x128xi32, #tpu.memory_space<vmem>> -> memref<1x128xi32, #tpu.memory_space<vmem>>
        %dma_wait3A_49 = tpu.memref_squeeze %dma_wait3A_48 : memref<1x128xi32, #tpu.memory_space<vmem>> -> memref<128xi32, #tpu.memory_space<vmem>>
        %dma_wait3A_50 = arith.constant 0 : i32
        %dma_wait3A_51 = arith.constant 0 : i32
        %dma_wait3A_52 = tpu.memref_slice %arg2[%dma_wait3A_50, %dma_wait3A_51] : memref<10000x128xf32, #tpu.memory_space<hbm>> -> memref<10000x128xf32, #tpu.memory_space<hbm>>
        tpu.wait_indirect_dma semaphore(%arg15 : memref<!tpu.dma_semaphore, #tpu.memory_space<semaphore_mem>>) src(%dma_wait3A_52 : memref<10000x128xf32, #tpu.memory_space<hbm>>) dst(%arg13 : memref<128x128xf32, #tpu.memory_space<vmem>>)
        "tpu.region"() ({
          %run_scoped3A = tpu.sem_alloc : memref<!tpu.dma_semaphore, #tpu.memory_space<semaphore_mem>>
          %dma_start3A_53 = arith.constant 0 : i32
          %dma_start3A_54 = tpu.memref_slice %arg11[%scan3A_42, %dma_start3A_53] : memref<160x128xi32, #tpu.memory_space<vmem>> -> memref<1x128xi32, #tpu.memory_space<vmem>>
          %dma_start3A_55 = tpu.memref_squeeze %dma_start3A_54 : memref<1x128xi32, #tpu.memory_space<vmem>> -> memref<128xi32, #tpu.memory_space<vmem>>
          %dma_start3A_56 = arith.constant 0 : i32
          %dma_start3A_57 = arith.constant 0 : i32
          %dma_start3A_58 = tpu.memref_slice %arg14[%dma_start3A_56, %dma_start3A_57] : memref<5120x128xf32, #tpu.memory_space<vmem_shared>> -> memref<5120x128xf32, #tpu.memory_space<vmem_shared>>
          tpu.enqueue_indirect_dma source(%arg13 : memref<128x128xf32, #tpu.memory_space<vmem>>) target(%dma_start3A_58 : memref<5120x128xf32, #tpu.memory_space<vmem_shared>>) offsets(%dma_start3A_55 : memref<128xi32, #tpu.memory_space<vmem>>) semaphore(%run_scoped3A : memref<!tpu.dma_semaphore, #tpu.memory_space<semaphore_mem>>) {add = true}
          %dma_wait3A_59 = arith.constant 0 : i32
          %dma_wait3A_60 = tpu.memref_slice %arg11[%scan3A_42, %dma_wait3A_59] : memref<160x128xi32, #tpu.memory_space<vmem>> -> memref<1x128xi32, #tpu.memory_space<vmem>>
          %dma_wait3A_61 = tpu.memref_squeeze %dma_wait3A_60 : memref<1x128xi32, #tpu.memory_space<vmem>> -> memref<128xi32, #tpu.memory_space<vmem>>
          %dma_wait3A_62 = arith.constant 0 : i32
          %dma_wait3A_63 = arith.constant 0 : i32
          %dma_wait3A_64 = tpu.memref_slice %arg14[%dma_wait3A_62, %dma_wait3A_63] : memref<5120x128xf32, #tpu.memory_space<vmem_shared>> -> memref<5120x128xf32, #tpu.memory_space<vmem_shared>>
          tpu.wait_indirect_dma semaphore(%run_scoped3A : memref<!tpu.dma_semaphore, #tpu.memory_space<semaphore_mem>>) src(%arg13 : memref<128x128xf32, #tpu.memory_space<vmem>>) dst(%dma_wait3A_64 : memref<5120x128xf32, #tpu.memory_space<vmem_shared>>)
          tpu.yield
        }) : () -> ()
      }
      %scan3A_15 = arith.constant 160 : i32
      %barrier3A_16 = arith.constant 0 : index
      tpu.barrier barrier_id(%barrier3A_16)
      %lt3A_17 = arith.constant 5 : i32
      %lt3A_18 = arith.cmpi slt, %arg1, %lt3A_17 : i32
      %convert_element_type3A_19 = arith.extui %lt3A_18 : i1 to i32
      %cond3A_20 = arith.constant 0 : i32
      %cond3A_21 = arith.cmpi ne, %convert_element_type3A_19, %cond3A_20 : i32
      scf.if %cond3A_21 {
        %mul3A = arith.constant 1000 : i32
        %mul3A_42 = arith.muli %arg1, %mul3A : i32
        %mul3A_43 = arith.constant 1000 : i32
        %mul3A_44 = arith.muli %arg1, %mul3A_43 : i32
        %add3A = arith.constant 0 : i32
        %add3A_45 = arith.addi %add3A, %mul3A_44 : i32
        "tpu.region"() ({
          %run_scoped3A = tpu.sem_alloc : memref<!tpu.dma_semaphore, #tpu.memory_space<semaphore_mem>>
          %dma_start3A = arith.constant 0 : i32
          %dma_start3A_46 = tpu.memref_slice %arg8[%add3A_45, %dma_start3A] : memref<10000x128xf32, #tpu.memory_space<hbm>> -> memref<1000x128xf32, #tpu.memory_space<hbm>>
          %dma_start3A_47 = arith.constant 0 : i32
          %dma_start3A_48 = tpu.memref_slice %arg14[%mul3A_42, %dma_start3A_47] : memref<5120x128xf32, #tpu.memory_space<vmem_shared>> -> memref<1000x128xf32, #tpu.memory_space<vmem_shared>>
          tpu.enqueue_dma source(%dma_start3A_48 : memref<1000x128xf32, #tpu.memory_space<vmem_shared>>) target(%dma_start3A_46 : memref<1000x128xf32, #tpu.memory_space<hbm>>) target_semaphore(%run_scoped3A : memref<!tpu.dma_semaphore, #tpu.memory_space<semaphore_mem>>)
          %dma_wait3A = arith.constant 0 : i32
          %dma_wait3A_49 = tpu.memref_slice %arg8[%add3A_45, %dma_wait3A] : memref<10000x128xf32, #tpu.memory_space<hbm>> -> memref<1000x128xf32, #tpu.memory_space<hbm>>
          %dma_wait3A_50 = arith.constant 0 : i32
          %dma_wait3A_51 = tpu.memref_slice %arg14[%mul3A_42, %dma_wait3A_50] : memref<5120x128xf32, #tpu.memory_space<vmem_shared>> -> memref<1000x128xf32, #tpu.memory_space<vmem_shared>>
          tpu.wait_dma2 semaphore(%run_scoped3A : memref<!tpu.dma_semaphore, #tpu.memory_space<semaphore_mem>>) src(%dma_wait3A_51 : memref<1000x128xf32, #tpu.memory_space<vmem_shared>>) dst(%dma_wait3A_49 : memref<1000x128xf32, #tpu.memory_space<hbm>>)
          tpu.yield
        }) : () -> ()
      } else {
      }
      %barrier3A_22 = arith.constant 0 : index
      tpu.barrier barrier_id(%barrier3A_22)
      %lt3A_23 = arith.constant 10 : i32
      %lt3A_24 = arith.cmpi slt, %arg1, %lt3A_23 : i32
      %convert_element_type3A_25 = arith.extui %lt3A_24 : i1 to i32
      %cond3A_26 = arith.constant 0 : i32
      %cond3A_27 = arith.cmpi ne, %convert_element_type3A_25, %cond3A_26 : i32
      scf.if %cond3A_27 {
        %scan3A_42 = arith.constant 0 : i32
        %scan3A_43 = arith.constant 0 : i32
        %scan3A_44 = arith.constant 8 : i32
        %scan3A_45 = arith.addi %scan3A_43, %scan3A_44 : i32
        %scan3A_46 = arith.constant 1 : i32
        scf.for %scan3A_48 = %scan3A_43 to %scan3A_45 step %scan3A_46  : i32 {
          %mul3A = arith.constant 512 : i32
          %mul3A_49 = arith.muli %arg1, %mul3A : i32
          %mul3A_50 = arith.constant 64 : i32
          %mul3A_51 = arith.muli %scan3A_48, %mul3A_50 : i32
          %add3A = arith.addi %mul3A_49, %mul3A_51 : i32
          "tpu.region"() ({
            %run_scoped3A = tpu.sem_alloc : memref<!tpu.dma_semaphore, #tpu.memory_space<semaphore_mem>>
            %dma_start3A = arith.constant 0 : i32
            %dma_start3A_52 = tpu.memref_slice %arg14[%add3A, %dma_start3A] : memref<5120x128xf32, #tpu.memory_space<vmem_shared>> -> memref<64x128xf32, #tpu.memory_space<vmem_shared>>
            tpu.enqueue_dma source(%arg7 : memref<64x128xf32, #tpu.memory_space<hbm>>) target(%dma_start3A_52 : memref<64x128xf32, #tpu.memory_space<vmem_shared>>) target_semaphore(%run_scoped3A : memref<!tpu.dma_semaphore, #tpu.memory_space<semaphore_mem>>)
            %dma_wait3A = arith.constant 0 : i32
            %dma_wait3A_53 = tpu.memref_slice %arg14[%add3A, %dma_wait3A] : memref<5120x128xf32, #tpu.memory_space<vmem_shared>> -> memref<64x128xf32, #tpu.memory_space<vmem_shared>>
            tpu.wait_dma2 semaphore(%run_scoped3A : memref<!tpu.dma_semaphore, #tpu.memory_space<semaphore_mem>>) src(%arg7 : memref<64x128xf32, #tpu.memory_space<hbm>>) dst(%dma_wait3A_53 : memref<64x128xf32, #tpu.memory_space<vmem_shared>>)
            tpu.yield
          }) : () -> ()
        }
        %scan3A_47 = arith.constant 8 : i32
      } else {
      }
      %barrier3A_28 = arith.constant 0 : index
      tpu.barrier barrier_id(%barrier3A_28)
      %scan3A_29 = arith.constant 0 : i32
      %scan3A_30 = arith.constant 0 : i32
      %scan3A_31 = arith.constant 160 : i32
      %scan3A_32 = arith.addi %scan3A_30, %scan3A_31 : i32
      %scan3A_33 = arith.constant 1 : i32
      scf.for %scan3A_42 = %scan3A_30 to %scan3A_32 step %scan3A_33  : i32 {
        %dma_start3A = arith.constant 0 : i32
        %dma_start3A_43 = tpu.memref_slice %arg10[%scan3A_42, %dma_start3A] : memref<160x128xi32, #tpu.memory_space<vmem>> -> memref<1x128xi32, #tpu.memory_space<vmem>>
        %dma_start3A_44 = tpu.memref_squeeze %dma_start3A_43 : memref<1x128xi32, #tpu.memory_space<vmem>> -> memref<128xi32, #tpu.memory_space<vmem>>
        %dma_start3A_45 = arith.constant 0 : i32
        %dma_start3A_46 = arith.constant 0 : i32
        %dma_start3A_47 = tpu.memref_slice %arg2[%dma_start3A_45, %dma_start3A_46] : memref<10000x128xf32, #tpu.memory_space<hbm>> -> memref<10000x128xf32, #tpu.memory_space<hbm>>
        tpu.enqueue_indirect_dma source(%dma_start3A_47 : memref<10000x128xf32, #tpu.memory_space<hbm>>) target(%arg13 : memref<128x128xf32, #tpu.memory_space<vmem>>) offsets(%dma_start3A_44 : memref<128xi32, #tpu.memory_space<vmem>>) semaphore(%arg15 : memref<!tpu.dma_semaphore, #tpu.memory_space<semaphore_mem>>)
        %dma_wait3A = arith.constant 0 : i32
        %dma_wait3A_48 = tpu.memref_slice %arg10[%scan3A_42, %dma_wait3A] : memref<160x128xi32, #tpu.memory_space<vmem>> -> memref<1x128xi32, #tpu.memory_space<vmem>>
        %dma_wait3A_49 = tpu.memref_squeeze %dma_wait3A_48 : memref<1x128xi32, #tpu.memory_space<vmem>> -> memref<128xi32, #tpu.memory_space<vmem>>
        %dma_wait3A_50 = arith.constant 0 : i32
        %dma_wait3A_51 = arith.constant 0 : i32
        %dma_wait3A_52 = tpu.memref_slice %arg2[%dma_wait3A_50, %dma_wait3A_51] : memref<10000x128xf32, #tpu.memory_space<hbm>> -> memref<10000x128xf32, #tpu.memory_space<hbm>>
        tpu.wait_indirect_dma semaphore(%arg15 : memref<!tpu.dma_semaphore, #tpu.memory_space<semaphore_mem>>) src(%dma_wait3A_52 : memref<10000x128xf32, #tpu.memory_space<hbm>>) dst(%arg13 : memref<128x128xf32, #tpu.memory_space<vmem>>)
        "tpu.region"() ({
          %run_scoped3A = tpu.sem_alloc : memref<!tpu.dma_semaphore, #tpu.memory_space<semaphore_mem>>
          %dma_start3A_53 = arith.constant 0 : i32
          %dma_start3A_54 = tpu.memref_slice %arg12[%scan3A_42, %dma_start3A_53] : memref<160x128xi32, #tpu.memory_space<vmem>> -> memref<1x128xi32, #tpu.memory_space<vmem>>
          %dma_start3A_55 = tpu.memref_squeeze %dma_start3A_54 : memref<1x128xi32, #tpu.memory_space<vmem>> -> memref<128xi32, #tpu.memory_space<vmem>>
          %dma_start3A_56 = arith.constant 0 : i32
          %dma_start3A_57 = arith.constant 0 : i32
          %dma_start3A_58 = tpu.memref_slice %arg14[%dma_start3A_56, %dma_start3A_57] : memref<5120x128xf32, #tpu.memory_space<vmem_shared>> -> memref<5120x128xf32, #tpu.memory_space<vmem_shared>>
          tpu.enqueue_indirect_dma source(%arg13 : memref<128x128xf32, #tpu.memory_space<vmem>>) target(%dma_start3A_58 : memref<5120x128xf32, #tpu.memory_space<vmem_shared>>) offsets(%dma_start3A_55 : memref<128xi32, #tpu.memory_space<vmem>>) semaphore(%run_scoped3A : memref<!tpu.dma_semaphore, #tpu.memory_space<semaphore_mem>>) {add = true}
          %dma_wait3A_59 = arith.constant 0 : i32
          %dma_wait3A_60 = tpu.memref_slice %arg12[%scan3A_42, %dma_wait3A_59] : memref<160x128xi32, #tpu.memory_space<vmem>> -> memref<1x128xi32, #tpu.memory_space<vmem>>
          %dma_wait3A_61 = tpu.memref_squeeze %dma_wait3A_60 : memref<1x128xi32, #tpu.memory_space<vmem>> -> memref<128xi32, #tpu.memory_space<vmem>>
          %dma_wait3A_62 = arith.constant 0 : i32
          %dma_wait3A_63 = arith.constant 0 : i32
          %dma_wait3A_64 = tpu.memref_slice %arg14[%dma_wait3A_62, %dma_wait3A_63] : memref<5120x128xf32, #tpu.memory_space<vmem_shared>> -> memref<5120x128xf32, #tpu.memory_space<vmem_shared>>
          tpu.wait_indirect_dma semaphore(%run_scoped3A : memref<!tpu.dma_semaphore, #tpu.memory_space<semaphore_mem>>) src(%arg13 : memref<128x128xf32, #tpu.memory_space<vmem>>) dst(%dma_wait3A_64 : memref<5120x128xf32, #tpu.memory_space<vmem_shared>>)
          tpu.yield
        }) : () -> ()
      }
      %scan3A_34 = arith.constant 160 : i32
      %barrier3A_35 = arith.constant 0 : index
      tpu.barrier barrier_id(%barrier3A_35)
      %lt3A_36 = arith.constant 5 : i32
      %lt3A_37 = arith.cmpi slt, %arg1, %lt3A_36 : i32
      %convert_element_type3A_38 = arith.extui %lt3A_37 : i1 to i32
      %cond3A_39 = arith.constant 0 : i32
      %cond3A_40 = arith.cmpi ne, %convert_element_type3A_38, %cond3A_39 : i32
      scf.if %cond3A_40 {
        %mul3A = arith.constant 1000 : i32
        %mul3A_42 = arith.muli %arg1, %mul3A : i32
        %mul3A_43 = arith.constant 1000 : i32
        %mul3A_44 = arith.muli %arg1, %mul3A_43 : i32
        %add3A = arith.constant 5000 : i32
        %add3A_45 = arith.addi %add3A, %mul3A_44 : i32
        "tpu.region"() ({
          %run_scoped3A = tpu.sem_alloc : memref<!tpu.dma_semaphore, #tpu.memory_space<semaphore_mem>>
          %dma_start3A = arith.constant 0 : i32
          %dma_start3A_46 = tpu.memref_slice %arg8[%add3A_45, %dma_start3A] : memref<10000x128xf32, #tpu.memory_space<hbm>> -> memref<1000x128xf32, #tpu.memory_space<hbm>>
          %dma_start3A_47 = arith.constant 0 : i32
          %dma_start3A_48 = tpu.memref_slice %arg14[%mul3A_42, %dma_start3A_47] : memref<5120x128xf32, #tpu.memory_space<vmem_shared>> -> memref<1000x128xf32, #tpu.memory_space<vmem_shared>>
          tpu.enqueue_dma source(%dma_start3A_48 : memref<1000x128xf32, #tpu.memory_space<vmem_shared>>) target(%dma_start3A_46 : memref<1000x128xf32, #tpu.memory_space<hbm>>) target_semaphore(%run_scoped3A : memref<!tpu.dma_semaphore, #tpu.memory_space<semaphore_mem>>)
          %dma_wait3A = arith.constant 0 : i32
          %dma_wait3A_49 = tpu.memref_slice %arg8[%add3A_45, %dma_wait3A] : memref<10000x128xf32, #tpu.memory_space<hbm>> -> memref<1000x128xf32, #tpu.memory_space<hbm>>
          %dma_wait3A_50 = arith.constant 0 : i32
          %dma_wait3A_51 = tpu.memref_slice %arg14[%mul3A_42, %dma_wait3A_50] : memref<5120x128xf32, #tpu.memory_space<vmem_shared>> -> memref<1000x128xf32, #tpu.memory_space<vmem_shared>>
          tpu.wait_dma2 semaphore(%run_scoped3A : memref<!tpu.dma_semaphore, #tpu.memory_space<semaphore_mem>>) src(%dma_wait3A_51 : memref<1000x128xf32, #tpu.memory_space<vmem_shared>>) dst(%dma_wait3A_49 : memref<1000x128xf32, #tpu.memory_space<hbm>>)
          tpu.yield
        }) : () -> ()
      } else {
      }
      %barrier3A_41 = arith.constant 0 : index
      tpu.barrier barrier_id(%barrier3A_41)
    } else {
    }
    %eq3A_2 = arith.constant 1 : i32
    %eq3A_3 = arith.cmpi eq, %arg0, %eq3A_2 : i32
    %convert_element_type3A_4 = arith.extui %eq3A_3 : i1 to i32
    %cond3A_5 = arith.constant 0 : i32
    %cond3A_6 = arith.cmpi ne, %convert_element_type3A_4, %cond3A_5 : i32
    scf.if %cond3A_6 {
      %lt3A = arith.constant 10 : i32
      %lt3A_7 = arith.cmpi slt, %arg1, %lt3A : i32
      %convert_element_type3A_8 = arith.extui %lt3A_7 : i1 to i32
      %cond3A_9 = arith.constant 0 : i32
      %cond3A_10 = arith.cmpi ne, %convert_element_type3A_8, %cond3A_9 : i32
      scf.if %cond3A_10 {
        %scan3A_42 = arith.constant 0 : i32
        %scan3A_43 = arith.constant 0 : i32
        %scan3A_44 = arith.constant 8 : i32
        %scan3A_45 = arith.addi %scan3A_43, %scan3A_44 : i32
        %scan3A_46 = arith.constant 1 : i32
        scf.for %scan3A_48 = %scan3A_43 to %scan3A_45 step %scan3A_46  : i32 {
          %mul3A = arith.constant 512 : i32
          %mul3A_49 = arith.muli %arg1, %mul3A : i32
          %mul3A_50 = arith.constant 64 : i32
          %mul3A_51 = arith.muli %scan3A_48, %mul3A_50 : i32
          %add3A = arith.addi %mul3A_49, %mul3A_51 : i32
          "tpu.region"() ({
            %run_scoped3A = tpu.sem_alloc : memref<!tpu.dma_semaphore, #tpu.memory_space<semaphore_mem>>
            %dma_start3A = arith.constant 0 : i32
            %dma_start3A_52 = tpu.memref_slice %arg14[%add3A, %dma_start3A] : memref<5120x128xf32, #tpu.memory_space<vmem_shared>> -> memref<64x128xf32, #tpu.memory_space<vmem_shared>>
            tpu.enqueue_dma source(%arg7 : memref<64x128xf32, #tpu.memory_space<hbm>>) target(%dma_start3A_52 : memref<64x128xf32, #tpu.memory_space<vmem_shared>>) target_semaphore(%run_scoped3A : memref<!tpu.dma_semaphore, #tpu.memory_space<semaphore_mem>>)
            %dma_wait3A = arith.constant 0 : i32
            %dma_wait3A_53 = tpu.memref_slice %arg14[%add3A, %dma_wait3A] : memref<5120x128xf32, #tpu.memory_space<vmem_shared>> -> memref<64x128xf32, #tpu.memory_space<vmem_shared>>
            tpu.wait_dma2 semaphore(%run_scoped3A : memref<!tpu.dma_semaphore, #tpu.memory_space<semaphore_mem>>) src(%arg7 : memref<64x128xf32, #tpu.memory_space<hbm>>) dst(%dma_wait3A_53 : memref<64x128xf32, #tpu.memory_space<vmem_shared>>)
            tpu.yield
          }) : () -> ()
        }
        %scan3A_47 = arith.constant 8 : i32
      } else {
      }
      %barrier3A = arith.constant 0 : index
      tpu.barrier barrier_id(%barrier3A)
      %scan3A = arith.constant 0 : i32
      %scan3A_11 = arith.constant 0 : i32
      %scan3A_12 = arith.constant 160 : i32
      %scan3A_13 = arith.addi %scan3A_11, %scan3A_12 : i32
      %scan3A_14 = arith.constant 1 : i32
      scf.for %scan3A_42 = %scan3A_11 to %scan3A_13 step %scan3A_14  : i32 {
        %dma_start3A = arith.constant 0 : i32
        %dma_start3A_43 = tpu.memref_slice %arg10[%scan3A_42, %dma_start3A] : memref<160x128xi32, #tpu.memory_space<vmem>> -> memref<1x128xi32, #tpu.memory_space<vmem>>
        %dma_start3A_44 = tpu.memref_squeeze %dma_start3A_43 : memref<1x128xi32, #tpu.memory_space<vmem>> -> memref<128xi32, #tpu.memory_space<vmem>>
        %dma_start3A_45 = arith.constant 0 : i32
        %dma_start3A_46 = arith.constant 0 : i32
        %dma_start3A_47 = tpu.memref_slice %arg3[%dma_start3A_45, %dma_start3A_46] : memref<10000x128xf32, #tpu.memory_space<hbm>> -> memref<10000x128xf32, #tpu.memory_space<hbm>>
        tpu.enqueue_indirect_dma source(%dma_start3A_47 : memref<10000x128xf32, #tpu.memory_space<hbm>>) target(%arg13 : memref<128x128xf32, #tpu.memory_space<vmem>>) offsets(%dma_start3A_44 : memref<128xi32, #tpu.memory_space<vmem>>) semaphore(%arg15 : memref<!tpu.dma_semaphore, #tpu.memory_space<semaphore_mem>>)
        %dma_wait3A = arith.constant 0 : i32
        %dma_wait3A_48 = tpu.memref_slice %arg10[%scan3A_42, %dma_wait3A] : memref<160x128xi32, #tpu.memory_space<vmem>> -> memref<1x128xi32, #tpu.memory_space<vmem>>
        %dma_wait3A_49 = tpu.memref_squeeze %dma_wait3A_48 : memref<1x128xi32, #tpu.memory_space<vmem>> -> memref<128xi32, #tpu.memory_space<vmem>>
        %dma_wait3A_50 = arith.constant 0 : i32
        %dma_wait3A_51 = arith.constant 0 : i32
        %dma_wait3A_52 = tpu.memref_slice %arg3[%dma_wait3A_50, %dma_wait3A_51] : memref<10000x128xf32, #tpu.memory_space<hbm>> -> memref<10000x128xf32, #tpu.memory_space<hbm>>
        tpu.wait_indirect_dma semaphore(%arg15 : memref<!tpu.dma_semaphore, #tpu.memory_space<semaphore_mem>>) src(%dma_wait3A_52 : memref<10000x128xf32, #tpu.memory_space<hbm>>) dst(%arg13 : memref<128x128xf32, #tpu.memory_space<vmem>>)
        "tpu.region"() ({
          %run_scoped3A = tpu.sem_alloc : memref<!tpu.dma_semaphore, #tpu.memory_space<semaphore_mem>>
          %dma_start3A_53 = arith.constant 0 : i32
          %dma_start3A_54 = tpu.memref_slice %arg11[%scan3A_42, %dma_start3A_53] : memref<160x128xi32, #tpu.memory_space<vmem>> -> memref<1x128xi32, #tpu.memory_space<vmem>>
          %dma_start3A_55 = tpu.memref_squeeze %dma_start3A_54 : memref<1x128xi32, #tpu.memory_space<vmem>> -> memref<128xi32, #tpu.memory_space<vmem>>
          %dma_start3A_56 = arith.constant 0 : i32
          %dma_start3A_57 = arith.constant 0 : i32
          %dma_start3A_58 = tpu.memref_slice %arg14[%dma_start3A_56, %dma_start3A_57] : memref<5120x128xf32, #tpu.memory_space<vmem_shared>> -> memref<5120x128xf32, #tpu.memory_space<vmem_shared>>
          tpu.enqueue_indirect_dma source(%arg13 : memref<128x128xf32, #tpu.memory_space<vmem>>) target(%dma_start3A_58 : memref<5120x128xf32, #tpu.memory_space<vmem_shared>>) offsets(%dma_start3A_55 : memref<128xi32, #tpu.memory_space<vmem>>) semaphore(%run_scoped3A : memref<!tpu.dma_semaphore, #tpu.memory_space<semaphore_mem>>) {add = true}
          %dma_wait3A_59 = arith.constant 0 : i32
          %dma_wait3A_60 = tpu.memref_slice %arg11[%scan3A_42, %dma_wait3A_59] : memref<160x128xi32, #tpu.memory_space<vmem>> -> memref<1x128xi32, #tpu.memory_space<vmem>>
          %dma_wait3A_61 = tpu.memref_squeeze %dma_wait3A_60 : memref<1x128xi32, #tpu.memory_space<vmem>> -> memref<128xi32, #tpu.memory_space<vmem>>
          %dma_wait3A_62 = arith.constant 0 : i32
          %dma_wait3A_63 = arith.constant 0 : i32
          %dma_wait3A_64 = tpu.memref_slice %arg14[%dma_wait3A_62, %dma_wait3A_63] : memref<5120x128xf32, #tpu.memory_space<vmem_shared>> -> memref<5120x128xf32, #tpu.memory_space<vmem_shared>>
          tpu.wait_indirect_dma semaphore(%run_scoped3A : memref<!tpu.dma_semaphore, #tpu.memory_space<semaphore_mem>>) src(%arg13 : memref<128x128xf32, #tpu.memory_space<vmem>>) dst(%dma_wait3A_64 : memref<5120x128xf32, #tpu.memory_space<vmem_shared>>)
          tpu.yield
        }) : () -> ()
      }
      %scan3A_15 = arith.constant 160 : i32
      %barrier3A_16 = arith.constant 0 : index
      tpu.barrier barrier_id(%barrier3A_16)
      %lt3A_17 = arith.constant 5 : i32
      %lt3A_18 = arith.cmpi slt, %arg1, %lt3A_17 : i32
      %convert_element_type3A_19 = arith.extui %lt3A_18 : i1 to i32
      %cond3A_20 = arith.constant 0 : i32
      %cond3A_21 = arith.cmpi ne, %convert_element_type3A_19, %cond3A_20 : i32
      scf.if %cond3A_21 {
        %mul3A = arith.constant 1000 : i32
        %mul3A_42 = arith.muli %arg1, %mul3A : i32
        %mul3A_43 = arith.constant 1000 : i32
        %mul3A_44 = arith.muli %arg1, %mul3A_43 : i32
        %add3A = arith.constant 0 : i32
        %add3A_45 = arith.addi %add3A, %mul3A_44 : i32
        "tpu.region"() ({
          %run_scoped3A = tpu.sem_alloc : memref<!tpu.dma_semaphore, #tpu.memory_space<semaphore_mem>>
          %dma_start3A = arith.constant 0 : i32
          %dma_start3A_46 = tpu.memref_slice %arg9[%add3A_45, %dma_start3A] : memref<10000x128xf32, #tpu.memory_space<hbm>> -> memref<1000x128xf32, #tpu.memory_space<hbm>>
          %dma_start3A_47 = arith.constant 0 : i32
          %dma_start3A_48 = tpu.memref_slice %arg14[%mul3A_42, %dma_start3A_47] : memref<5120x128xf32, #tpu.memory_space<vmem_shared>> -> memref<1000x128xf32, #tpu.memory_space<vmem_shared>>
          tpu.enqueue_dma source(%dma_start3A_48 : memref<1000x128xf32, #tpu.memory_space<vmem_shared>>) target(%dma_start3A_46 : memref<1000x128xf32, #tpu.memory_space<hbm>>) target_semaphore(%run_scoped3A : memref<!tpu.dma_semaphore, #tpu.memory_space<semaphore_mem>>)
          %dma_wait3A = arith.constant 0 : i32
          %dma_wait3A_49 = tpu.memref_slice %arg9[%add3A_45, %dma_wait3A] : memref<10000x128xf32, #tpu.memory_space<hbm>> -> memref<1000x128xf32, #tpu.memory_space<hbm>>
          %dma_wait3A_50 = arith.constant 0 : i32
          %dma_wait3A_51 = tpu.memref_slice %arg14[%mul3A_42, %dma_wait3A_50] : memref<5120x128xf32, #tpu.memory_space<vmem_shared>> -> memref<1000x128xf32, #tpu.memory_space<vmem_shared>>
          tpu.wait_dma2 semaphore(%run_scoped3A : memref<!tpu.dma_semaphore, #tpu.memory_space<semaphore_mem>>) src(%dma_wait3A_51 : memref<1000x128xf32, #tpu.memory_space<vmem_shared>>) dst(%dma_wait3A_49 : memref<1000x128xf32, #tpu.memory_space<hbm>>)
          tpu.yield
        }) : () -> ()
      } else {
      }
      %barrier3A_22 = arith.constant 0 : index
      tpu.barrier barrier_id(%barrier3A_22)
      %lt3A_23 = arith.constant 10 : i32
      %lt3A_24 = arith.cmpi slt, %arg1, %lt3A_23 : i32
      %convert_element_type3A_25 = arith.extui %lt3A_24 : i1 to i32
      %cond3A_26 = arith.constant 0 : i32
      %cond3A_27 = arith.cmpi ne, %convert_element_type3A_25, %cond3A_26 : i32
      scf.if %cond3A_27 {
        %scan3A_42 = arith.constant 0 : i32
        %scan3A_43 = arith.constant 0 : i32
        %scan3A_44 = arith.constant 8 : i32
        %scan3A_45 = arith.addi %scan3A_43, %scan3A_44 : i32
        %scan3A_46 = arith.constant 1 : i32
        scf.for %scan3A_48 = %scan3A_43 to %scan3A_45 step %scan3A_46  : i32 {
          %mul3A = arith.constant 512 : i32
          %mul3A_49 = arith.muli %arg1, %mul3A : i32
          %mul3A_50 = arith.constant 64 : i32
          %mul3A_51 = arith.muli %scan3A_48, %mul3A_50 : i32
          %add3A = arith.addi %mul3A_49, %mul3A_51 : i32
          "tpu.region"() ({
            %run_scoped3A = tpu.sem_alloc : memref<!tpu.dma_semaphore, #tpu.memory_space<semaphore_mem>>
            %dma_start3A = arith.constant 0 : i32
            %dma_start3A_52 = tpu.memref_slice %arg14[%add3A, %dma_start3A] : memref<5120x128xf32, #tpu.memory_space<vmem_shared>> -> memref<64x128xf32, #tpu.memory_space<vmem_shared>>
            tpu.enqueue_dma source(%arg7 : memref<64x128xf32, #tpu.memory_space<hbm>>) target(%dma_start3A_52 : memref<64x128xf32, #tpu.memory_space<vmem_shared>>) target_semaphore(%run_scoped3A : memref<!tpu.dma_semaphore, #tpu.memory_space<semaphore_mem>>)
            %dma_wait3A = arith.constant 0 : i32
            %dma_wait3A_53 = tpu.memref_slice %arg14[%add3A, %dma_wait3A] : memref<5120x128xf32, #tpu.memory_space<vmem_shared>> -> memref<64x128xf32, #tpu.memory_space<vmem_shared>>
            tpu.wait_dma2 semaphore(%run_scoped3A : memref<!tpu.dma_semaphore, #tpu.memory_space<semaphore_mem>>) src(%arg7 : memref<64x128xf32, #tpu.memory_space<hbm>>) dst(%dma_wait3A_53 : memref<64x128xf32, #tpu.memory_space<vmem_shared>>)
            tpu.yield
          }) : () -> ()
        }
        %scan3A_47 = arith.constant 8 : i32
      } else {
      }
      %barrier3A_28 = arith.constant 0 : index
      tpu.barrier barrier_id(%barrier3A_28)
      %scan3A_29 = arith.constant 0 : i32
      %scan3A_30 = arith.constant 0 : i32
      %scan3A_31 = arith.constant 160 : i32
      %scan3A_32 = arith.addi %scan3A_30, %scan3A_31 : i32
      %scan3A_33 = arith.constant 1 : i32
      scf.for %scan3A_42 = %scan3A_30 to %scan3A_32 step %scan3A_33  : i32 {
        %dma_start3A = arith.constant 0 : i32
        %dma_start3A_43 = tpu.memref_slice %arg10[%scan3A_42, %dma_start3A] : memref<160x128xi32, #tpu.memory_space<vmem>> -> memref<1x128xi32, #tpu.memory_space<vmem>>
        %dma_start3A_44 = tpu.memref_squeeze %dma_start3A_43 : memref<1x128xi32, #tpu.memory_space<vmem>> -> memref<128xi32, #tpu.memory_space<vmem>>
        %dma_start3A_45 = arith.constant 0 : i32
        %dma_start3A_46 = arith.constant 0 : i32
        %dma_start3A_47 = tpu.memref_slice %arg3[%dma_start3A_45, %dma_start3A_46] : memref<10000x128xf32, #tpu.memory_space<hbm>> -> memref<10000x128xf32, #tpu.memory_space<hbm>>
        tpu.enqueue_indirect_dma source(%dma_start3A_47 : memref<10000x128xf32, #tpu.memory_space<hbm>>) target(%arg13 : memref<128x128xf32, #tpu.memory_space<vmem>>) offsets(%dma_start3A_44 : memref<128xi32, #tpu.memory_space<vmem>>) semaphore(%arg15 : memref<!tpu.dma_semaphore, #tpu.memory_space<semaphore_mem>>)
        %dma_wait3A = arith.constant 0 : i32
        %dma_wait3A_48 = tpu.memref_slice %arg10[%scan3A_42, %dma_wait3A] : memref<160x128xi32, #tpu.memory_space<vmem>> -> memref<1x128xi32, #tpu.memory_space<vmem>>
        %dma_wait3A_49 = tpu.memref_squeeze %dma_wait3A_48 : memref<1x128xi32, #tpu.memory_space<vmem>> -> memref<128xi32, #tpu.memory_space<vmem>>
        %dma_wait3A_50 = arith.constant 0 : i32
        %dma_wait3A_51 = arith.constant 0 : i32
        %dma_wait3A_52 = tpu.memref_slice %arg3[%dma_wait3A_50, %dma_wait3A_51] : memref<10000x128xf32, #tpu.memory_space<hbm>> -> memref<10000x128xf32, #tpu.memory_space<hbm>>
        tpu.wait_indirect_dma semaphore(%arg15 : memref<!tpu.dma_semaphore, #tpu.memory_space<semaphore_mem>>) src(%dma_wait3A_52 : memref<10000x128xf32, #tpu.memory_space<hbm>>) dst(%arg13 : memref<128x128xf32, #tpu.memory_space<vmem>>)
        "tpu.region"() ({
          %run_scoped3A = tpu.sem_alloc : memref<!tpu.dma_semaphore, #tpu.memory_space<semaphore_mem>>
          %dma_start3A_53 = arith.constant 0 : i32
          %dma_start3A_54 = tpu.memref_slice %arg12[%scan3A_42, %dma_start3A_53] : memref<160x128xi32, #tpu.memory_space<vmem>> -> memref<1x128xi32, #tpu.memory_space<vmem>>
          %dma_start3A_55 = tpu.memref_squeeze %dma_start3A_54 : memref<1x128xi32, #tpu.memory_space<vmem>> -> memref<128xi32, #tpu.memory_space<vmem>>
          %dma_start3A_56 = arith.constant 0 : i32
          %dma_start3A_57 = arith.constant 0 : i32
          %dma_start3A_58 = tpu.memref_slice %arg14[%dma_start3A_56, %dma_start3A_57] : memref<5120x128xf32, #tpu.memory_space<vmem_shared>> -> memref<5120x128xf32, #tpu.memory_space<vmem_shared>>
          tpu.enqueue_indirect_dma source(%arg13 : memref<128x128xf32, #tpu.memory_space<vmem>>) target(%dma_start3A_58 : memref<5120x128xf32, #tpu.memory_space<vmem_shared>>) offsets(%dma_start3A_55 : memref<128xi32, #tpu.memory_space<vmem>>) semaphore(%run_scoped3A : memref<!tpu.dma_semaphore, #tpu.memory_space<semaphore_mem>>) {add = true}
          %dma_wait3A_59 = arith.constant 0 : i32
          %dma_wait3A_60 = tpu.memref_slice %arg12[%scan3A_42, %dma_wait3A_59] : memref<160x128xi32, #tpu.memory_space<vmem>> -> memref<1x128xi32, #tpu.memory_space<vmem>>
          %dma_wait3A_61 = tpu.memref_squeeze %dma_wait3A_60 : memref<1x128xi32, #tpu.memory_space<vmem>> -> memref<128xi32, #tpu.memory_space<vmem>>
          %dma_wait3A_62 = arith.constant 0 : i32
          %dma_wait3A_63 = arith.constant 0 : i32
          %dma_wait3A_64 = tpu.memref_slice %arg14[%dma_wait3A_62, %dma_wait3A_63] : memref<5120x128xf32, #tpu.memory_space<vmem_shared>> -> memref<5120x128xf32, #tpu.memory_space<vmem_shared>>
          tpu.wait_indirect_dma semaphore(%run_scoped3A : memref<!tpu.dma_semaphore, #tpu.memory_space<semaphore_mem>>) src(%arg13 : memref<128x128xf32, #tpu.memory_space<vmem>>) dst(%dma_wait3A_64 : memref<5120x128xf32, #tpu.memory_space<vmem_shared>>)
          tpu.yield
        }) : () -> ()
      }
      %scan3A_34 = arith.constant 160 : i32
      %barrier3A_35 = arith.constant 0 : index
      tpu.barrier barrier_id(%barrier3A_35)
      %lt3A_36 = arith.constant 5 : i32
      %lt3A_37 = arith.cmpi slt, %arg1, %lt3A_36 : i32
      %convert_element_type3A_38 = arith.extui %lt3A_37 : i1 to i32
      %cond3A_39 = arith.constant 0 : i32
      %cond3A_40 = arith.cmpi ne, %convert_element_type3A_38, %cond3A_39 : i32
      scf.if %cond3A_40 {
        %mul3A = arith.constant 1000 : i32
        %mul3A_42 = arith.muli %arg1, %mul3A : i32
        %mul3A_43 = arith.constant 1000 : i32
        %mul3A_44 = arith.muli %arg1, %mul3A_43 : i32
        %add3A = arith.constant 5000 : i32
        %add3A_45 = arith.addi %add3A, %mul3A_44 : i32
        "tpu.region"() ({
          %run_scoped3A = tpu.sem_alloc : memref<!tpu.dma_semaphore, #tpu.memory_space<semaphore_mem>>
          %dma_start3A = arith.constant 0 : i32
          %dma_start3A_46 = tpu.memref_slice %arg9[%add3A_45, %dma_start3A] : memref<10000x128xf32, #tpu.memory_space<hbm>> -> memref<1000x128xf32, #tpu.memory_space<hbm>>
          %dma_start3A_47 = arith.constant 0 : i32
          %dma_start3A_48 = tpu.memref_slice %arg14[%mul3A_42, %dma_start3A_47] : memref<5120x128xf32, #tpu.memory_space<vmem_shared>> -> memref<1000x128xf32, #tpu.memory_space<vmem_shared>>
          tpu.enqueue_dma source(%dma_start3A_48 : memref<1000x128xf32, #tpu.memory_space<vmem_shared>>) target(%dma_start3A_46 : memref<1000x128xf32, #tpu.memory_space<hbm>>) target_semaphore(%run_scoped3A : memref<!tpu.dma_semaphore, #tpu.memory_space<semaphore_mem>>)
          %dma_wait3A = arith.constant 0 : i32
          %dma_wait3A_49 = tpu.memref_slice %arg9[%add3A_45, %dma_wait3A] : memref<10000x128xf32, #tpu.memory_space<hbm>> -> memref<1000x128xf32, #tpu.memory_space<hbm>>
          %dma_wait3A_50 = arith.constant 0 : i32
          %dma_wait3A_51 = tpu.memref_slice %arg14[%mul3A_42, %dma_wait3A_50] : memref<5120x128xf32, #tpu.memory_space<vmem_shared>> -> memref<1000x128xf32, #tpu.memory_space<vmem_shared>>
          tpu.wait_dma2 semaphore(%run_scoped3A : memref<!tpu.dma_semaphore, #tpu.memory_space<semaphore_mem>>) src(%dma_wait3A_51 : memref<1000x128xf32, #tpu.memory_space<vmem_shared>>) dst(%dma_wait3A_49 : memref<1000x128xf32, #tpu.memory_space<hbm>>)
          tpu.yield
        }) : () -> ()
      } else {
      }
      %barrier3A_41 = arith.constant 0 : index
      tpu.barrier barrier_id(%barrier3A_41)
    } else {
    }
    return
  }
}

module attributes {stable_mosaic.version = 14 : i64} {
  func.func @_k1_body(%arg0: i32, %arg1: memref<1000x128xf32, #tpu.memory_space<vmem>>, %arg2: memref<128x128xf32, #tpu.memory_space<vmem>>, %arg3: memref<1x128xf32, #tpu.memory_space<vmem>>, %arg4: memref<128x128xf32, #tpu.memory_space<vmem>>, %arg5: memref<1000x128xf32, #tpu.memory_space<vmem>>, %arg6: memref<1000x128xf32, #tpu.memory_space<vmem>>) attributes {dimension_semantics = [#tpu.dimension_semantics<arbitrary>], iteration_bounds = array<i64: 10>, scalar_prefetch = 0 : i64, scratch_operands = 0 : i64, tpu.core_type = #tpu.core_type<tc>, window_params = [{transform_indices = @transform_0, window_bounds = array<i64: 1000, 128>}, {pipeline_mode = #tpu.pipeline_mode<synchronous>, transform_indices = @transform_1, window_bounds = array<i64: 128, 128>}, {pipeline_mode = #tpu.pipeline_mode<synchronous>, transform_indices = @transform_2, window_bounds = array<i64: 1, 128>}, {pipeline_mode = #tpu.pipeline_mode<synchronous>, transform_indices = @transform_3, window_bounds = array<i64: 128, 128>}, {transform_indices = @transform_4, window_bounds = array<i64: 1000, 128>}, {transform_indices = @transform_5, window_bounds = array<i64: 1000, 128>}]} {
    %get3A = arith.constant 0 : index
    %get3A_0 = arith.constant 0 : index
    %get3A_1 = vector.load %arg1[%get3A, %get3A_0] : memref<1000x128xf32, #tpu.memory_space<vmem>>, vector<1000x128xf32>
    %get3A_2 = arith.constant 0 : index
    %get3A_3 = arith.constant 0 : index
    %get3A_4 = vector.load %arg2[%get3A_2, %get3A_3] : memref<128x128xf32, #tpu.memory_space<vmem>>, vector<128x128xf32>
    %mul3A = arith.constant 6.553700e+04 : f32
    %mul3A_5 = vector.broadcast %mul3A : f32 to vector<1000x128xf32>
    %mul3A_6 = arith.mulf %get3A_1, %mul3A_5 : vector<1000x128xf32>
    %sub3A = arith.subf %mul3A_6, %get3A_1 : vector<1000x128xf32>
    %sub3A_7 = arith.subf %mul3A_6, %sub3A : vector<1000x128xf32>
    %sub3A_8 = arith.subf %get3A_1, %sub3A_7 : vector<1000x128xf32>
    %mul3A_9 = arith.constant 6.553700e+04 : f32
    %mul3A_10 = vector.broadcast %mul3A_9 : f32 to vector<128x128xf32>
    %mul3A_11 = arith.mulf %get3A_4, %mul3A_10 : vector<128x128xf32>
    %sub3A_12 = arith.subf %mul3A_11, %get3A_4 : vector<128x128xf32>
    %sub3A_13 = arith.subf %mul3A_11, %sub3A_12 : vector<128x128xf32>
    %sub3A_14 = arith.subf %get3A_4, %sub3A_13 : vector<128x128xf32>
    %dot_general3A = arith.constant dense<0.000000e+00> : vector<1000x128xf32>
    %dot_general3A_15 = tpu.matmul %sub3A_7, %sub3A_13, %dot_general3A {dimension_numbers = #tpu.dot_dimension_numbers<[1], [0], [0], [1], [0, 0, 1, 1], [], []>, transpose_lhs_hint = false} : vector<1000x128xf32>, vector<128x128xf32>, vector<1000x128xf32> -> vector<1000x128xf32>
    %dot_general3A_16 = arith.constant dense<0.000000e+00> : vector<1000x128xf32>
    %dot_general3A_17 = tpu.matmul %sub3A_7, %sub3A_14, %dot_general3A_16 {dimension_numbers = #tpu.dot_dimension_numbers<[1], [0], [0], [1], [0, 0, 1, 1], [], []>, transpose_lhs_hint = false} : vector<1000x128xf32>, vector<128x128xf32>, vector<1000x128xf32> -> vector<1000x128xf32>
    %dot_general3A_18 = arith.constant dense<0.000000e+00> : vector<1000x128xf32>
    %dot_general3A_19 = tpu.matmul %sub3A_8, %sub3A_13, %dot_general3A_18 {dimension_numbers = #tpu.dot_dimension_numbers<[1], [0], [0], [1], [0, 0, 1, 1], [], []>, transpose_lhs_hint = false} : vector<1000x128xf32>, vector<128x128xf32>, vector<1000x128xf32> -> vector<1000x128xf32>
    %add3A = arith.addf %dot_general3A_17, %dot_general3A_19 : vector<1000x128xf32>
    %add3A_20 = arith.addf %dot_general3A_15, %add3A : vector<1000x128xf32>
    %get3A_21 = arith.constant 0 : index
    %get3A_22 = arith.constant 0 : index
    %get3A_23 = vector.load %arg3[%get3A_21, %get3A_22] : memref<1x128xf32, #tpu.memory_space<vmem>>, vector<1x128xf32>
    %add3A_24 = vector.broadcast %get3A_23 : vector<1x128xf32> to vector<1000x128xf32>
    %add3A_25 = arith.addf %add3A_20, %add3A_24 : vector<1000x128xf32>
    %max3A = arith.constant 0.000000e+00 : f32
    %max3A_26 = vector.broadcast %max3A : f32 to vector<1000x128xf32>
    %max3A_27 = arith.maximumf %add3A_25, %max3A_26 : vector<1000x128xf32>
    %swap3A = arith.constant 0 : index
    %swap3A_28 = arith.constant 0 : index
    %swap3A_29 = vector.load %arg5[%swap3A, %swap3A_28] : memref<1000x128xf32, #tpu.memory_space<vmem>>, vector<1000x128xf32>
    tpu.vector_store %arg5[%swap3A, %swap3A_28], %max3A_27 {strides = array<i32>} : memref<1000x128xf32, #tpu.memory_space<vmem>>, vector<1000x128xf32>,
    %get3A_30 = arith.constant 0 : index
    %get3A_31 = arith.constant 0 : index
    %get3A_32 = vector.load %arg4[%get3A_30, %get3A_31] : memref<128x128xf32, #tpu.memory_space<vmem>>, vector<128x128xf32>
    %mul3A_33 = arith.constant 6.553700e+04 : f32
    %mul3A_34 = vector.broadcast %mul3A_33 : f32 to vector<1000x128xf32>
    %mul3A_35 = arith.mulf %max3A_27, %mul3A_34 : vector<1000x128xf32>
    %sub3A_36 = arith.subf %mul3A_35, %max3A_27 : vector<1000x128xf32>
    %sub3A_37 = arith.subf %mul3A_35, %sub3A_36 : vector<1000x128xf32>
    %sub3A_38 = arith.subf %max3A_27, %sub3A_37 : vector<1000x128xf32>
    %mul3A_39 = arith.constant 6.553700e+04 : f32
    %mul3A_40 = vector.broadcast %mul3A_39 : f32 to vector<128x128xf32>
    %mul3A_41 = arith.mulf %get3A_32, %mul3A_40 : vector<128x128xf32>
    %sub3A_42 = arith.subf %mul3A_41, %get3A_32 : vector<128x128xf32>
    %sub3A_43 = arith.subf %mul3A_41, %sub3A_42 : vector<128x128xf32>
    %sub3A_44 = arith.subf %get3A_32, %sub3A_43 : vector<128x128xf32>
    %dot_general3A_45 = arith.constant dense<0.000000e+00> : vector<1000x128xf32>
    %dot_general3A_46 = tpu.matmul %sub3A_37, %sub3A_43, %dot_general3A_45 {dimension_numbers = #tpu.dot_dimension_numbers<[1], [0], [0], [1], [0, 0, 1, 1], [], []>, transpose_lhs_hint = false} : vector<1000x128xf32>, vector<128x128xf32>, vector<1000x128xf32> -> vector<1000x128xf32>
    %dot_general3A_47 = arith.constant dense<0.000000e+00> : vector<1000x128xf32>
    %dot_general3A_48 = tpu.matmul %sub3A_37, %sub3A_44, %dot_general3A_47 {dimension_numbers = #tpu.dot_dimension_numbers<[1], [0], [0], [1], [0, 0, 1, 1], [], []>, transpose_lhs_hint = false} : vector<1000x128xf32>, vector<128x128xf32>, vector<1000x128xf32> -> vector<1000x128xf32>
    %dot_general3A_49 = arith.constant dense<0.000000e+00> : vector<1000x128xf32>
    %dot_general3A_50 = tpu.matmul %sub3A_38, %sub3A_43, %dot_general3A_49 {dimension_numbers = #tpu.dot_dimension_numbers<[1], [0], [0], [1], [0, 0, 1, 1], [], []>, transpose_lhs_hint = false} : vector<1000x128xf32>, vector<128x128xf32>, vector<1000x128xf32> -> vector<1000x128xf32>
    %add3A_51 = arith.addf %dot_general3A_48, %dot_general3A_50 : vector<1000x128xf32>
    %add3A_52 = arith.addf %dot_general3A_46, %add3A_51 : vector<1000x128xf32>
    %swap3A_53 = arith.constant 0 : index
    %swap3A_54 = arith.constant 0 : index
    %swap3A_55 = vector.load %arg6[%swap3A_53, %swap3A_54] : memref<1000x128xf32, #tpu.memory_space<vmem>>, vector<1000x128xf32>
    tpu.vector_store %arg6[%swap3A_53, %swap3A_54], %add3A_52 {strides = array<i32>} : memref<1000x128xf32, #tpu.memory_space<vmem>>, vector<1000x128xf32>,
    return
  }
  func.func @transform_0(%arg0: i32) -> (i32, i32) {
    %c0_i32 = arith.constant 0 : i32
    %c0_i32_0 = arith.constant 0 : i32
    return %arg0, %c0_i32 : i32, i32
  }
  func.func @transform_1(%arg0: i32) -> (i32, i32) {
    %c0_i32 = arith.constant 0 : i32
    %c0_i32_0 = arith.constant 0 : i32
    %c0_i32_1 = arith.constant 0 : i32
    return %c0_i32, %c0_i32_0 : i32, i32
  }
  func.func @transform_2(%arg0: i32) -> (i32, i32) {
    %c0_i32 = arith.constant 0 : i32
    %c0_i32_0 = arith.constant 0 : i32
    %c0_i32_1 = arith.constant 0 : i32
    return %c0_i32, %c0_i32_0 : i32, i32
  }
  func.func @transform_3(%arg0: i32) -> (i32, i32) {
    %c0_i32 = arith.constant 0 : i32
    %c0_i32_0 = arith.constant 0 : i32
    %c0_i32_1 = arith.constant 0 : i32
    return %c0_i32, %c0_i32_0 : i32, i32
  }
  func.func @transform_4(%arg0: i32) -> (i32, i32) {
    %c0_i32 = arith.constant 0 : i32
    %c0_i32_0 = arith.constant 0 : i32
    return %arg0, %c0_i32 : i32, i32
  }
  func.func @transform_5(%arg0: i32) -> (i32, i32) {
    %c0_i32 = arith.constant 0 : i32
    %c0_i32_0 = arith.constant 0 : i32
    return %arg0, %c0_i32 : i32, i32
  }
}

module attributes {stable_mosaic.version = 14 : i64} {
  func.func @_k2_body(%arg0: i32, %arg1: memref<1000x128xf32, #tpu.memory_space<vmem>>, %arg2: memref<1000x128xf32, #tpu.memory_space<vmem>>, %arg3: memref<1000x128xf32, #tpu.memory_space<vmem>>, %arg4: memref<1000x16xf32, #tpu.memory_space<vmem>>, %arg5: memref<1000x16xf32, #tpu.memory_space<vmem>>) attributes {dimension_semantics = [#tpu.dimension_semantics<arbitrary>], iteration_bounds = array<i64: 10>, scalar_prefetch = 0 : i64, scratch_operands = 0 : i64, tpu.core_type = #tpu.core_type<tc>, window_params = [{transform_indices = @transform_0, window_bounds = array<i64: 1000, 128>}, {transform_indices = @transform_1, window_bounds = array<i64: 1000, 128>}, {transform_indices = @transform_2, window_bounds = array<i64: 1000, 128>}, {transform_indices = @transform_3, window_bounds = array<i64: 1000, 16>}, {transform_indices = @transform_4, window_bounds = array<i64: 1000, 16>}]} {
    %get3A = arith.constant 0 : index
    %get3A_0 = arith.constant 0 : index
    %get3A_1 = vector.load %arg1[%get3A, %get3A_0] : memref<1000x128xf32, #tpu.memory_space<vmem>>, vector<1000x128xf32>
    %slice3A = vector.extract_strided_slice %get3A_1 {offsets = [0, 0], sizes = [1000, 16], strides = [1, 1]} : vector<1000x128xf32> to vector<1000x16xf32>
    %add3A = arith.constant 1.000000e+00 : f32
    %add3A_2 = vector.broadcast %add3A : f32 to vector<1000x16xf32>
    %add3A_3 = arith.addf %slice3A, %add3A_2 : vector<1000x16xf32>
    %sqrt3A = math.sqrt %add3A_3 : vector<1000x16xf32>
    %div3A = arith.constant 1.000000e+00 : f32
    %div3A_4 = vector.broadcast %div3A : f32 to vector<1000x16xf32>
    %div3A_5 = arith.divf %div3A_4, %sqrt3A : vector<1000x16xf32>
    %swap3A = arith.constant 0 : index
    %swap3A_6 = arith.constant 0 : index
    %swap3A_7 = vector.load %arg4[%swap3A, %swap3A_6] : memref<1000x16xf32, #tpu.memory_space<vmem>>, vector<1000x16xf32>
    tpu.vector_store %arg4[%swap3A, %swap3A_6], %div3A_5 {strides = array<i32>} : memref<1000x16xf32, #tpu.memory_space<vmem>>, vector<1000x16xf32>,
    %max3A = arith.constant 1.000000e+00 : f32
    %max3A_8 = vector.broadcast %max3A : f32 to vector<1000x16xf32>
    %max3A_9 = arith.maximumf %slice3A, %max3A_8 : vector<1000x16xf32>
    %div3A_10 = arith.constant 1.000000e+00 : f32
    %div3A_11 = vector.broadcast %div3A_10 : f32 to vector<1000x16xf32>
    %div3A_12 = arith.divf %div3A_11, %max3A_9 : vector<1000x16xf32>
    %swap3A_13 = arith.constant 0 : index
    %swap3A_14 = arith.constant 0 : index
    %swap3A_15 = vector.load %arg5[%swap3A_13, %swap3A_14] : memref<1000x16xf32, #tpu.memory_space<vmem>>, vector<1000x16xf32>
    tpu.vector_store %arg5[%swap3A_13, %swap3A_14], %div3A_12 {strides = array<i32>} : memref<1000x16xf32, #tpu.memory_space<vmem>>, vector<1000x16xf32>,
    %get3A_16 = arith.constant 0 : index
    %get3A_17 = arith.constant 0 : index
    %get3A_18 = vector.load %arg2[%get3A_16, %get3A_17] : memref<1000x128xf32, #tpu.memory_space<vmem>>, vector<1000x128xf32>
    %slice3A_19 = vector.extract_strided_slice %div3A_5 {offsets = [0, 0], sizes = [1000, 1], strides = [1, 1]} : vector<1000x16xf32> to vector<1000x1xf32>
    %mul3A = vector.broadcast %slice3A_19 : vector<1000x1xf32> to vector<1000x128xf32>
    %mul3A_20 = arith.mulf %get3A_18, %mul3A : vector<1000x128xf32>
    %swap3A_21 = arith.constant 0 : index
    %swap3A_22 = arith.constant 0 : index
    %swap3A_23 = vector.load %arg3[%swap3A_21, %swap3A_22] : memref<1000x128xf32, #tpu.memory_space<vmem>>, vector<1000x128xf32>
    tpu.vector_store %arg3[%swap3A_21, %swap3A_22], %mul3A_20 {strides = array<i32>} : memref<1000x128xf32, #tpu.memory_space<vmem>>, vector<1000x128xf32>,
    return
  }
  func.func @transform_0(%arg0: i32) -> (i32, i32) {
    %c0_i32 = arith.constant 0 : i32
    %c0_i32_0 = arith.constant 0 : i32
    return %arg0, %c0_i32 : i32, i32
  }
  func.func @transform_1(%arg0: i32) -> (i32, i32) {
    %c0_i32 = arith.constant 0 : i32
    %c0_i32_0 = arith.constant 0 : i32
    return %arg0, %c0_i32 : i32, i32
  }
  func.func @transform_2(%arg0: i32) -> (i32, i32) {
    %c0_i32 = arith.constant 0 : i32
    %c0_i32_0 = arith.constant 0 : i32
    return %arg0, %c0_i32 : i32, i32
  }
  func.func @transform_3(%arg0: i32) -> (i32, i32) {
    %c0_i32 = arith.constant 0 : i32
    %c0_i32_0 = arith.constant 0 : i32
    return %arg0, %c0_i32 : i32, i32
  }
  func.func @transform_4(%arg0: i32) -> (i32, i32) {
    %c0_i32 = arith.constant 0 : i32
    %c0_i32_0 = arith.constant 0 : i32
    return %arg0, %c0_i32 : i32, i32
  }
}

module attributes {stable_mosaic.version = 14 : i64} {
  func.func @_k3_body(%arg0: i32, %arg1: memref<1000x128xf32, #tpu.memory_space<vmem>>, %arg2: memref<1000x128xf32, #tpu.memory_space<vmem>>, %arg3: memref<1000x16xf32, #tpu.memory_space<vmem>>, %arg4: memref<1x128xf32, #tpu.memory_space<vmem>>, %arg5: memref<1000x128xf32, #tpu.memory_space<vmem>>, %arg6: memref<1000x16xf32, #tpu.memory_space<vmem>>, %arg7: memref<1000x128xf32, #tpu.memory_space<vmem>>, %arg8: memref<128x128xf32, #tpu.memory_space<vmem>>, %arg9: memref<128x128xf32, #tpu.memory_space<vmem>>, %arg10: memref<1x128xf32, #tpu.memory_space<vmem>>, %arg11: memref<1000x128xf32, #tpu.memory_space<vmem>>, %arg12: memref<1000x128xf32, #tpu.memory_space<vmem>>, %arg13: memref<4x128xf32, #tpu.memory_space<vmem>>) attributes {dimension_semantics = [#tpu.dimension_semantics<arbitrary>], iteration_bounds = array<i64: 10>, scalar_prefetch = 0 : i64, scratch_operands = 0 : i64, tpu.core_type = #tpu.core_type<tc>, window_params = [{transform_indices = @transform_0, window_bounds = array<i64: 1000, 128>}, {transform_indices = @transform_1, window_bounds = array<i64: 1000, 128>}, {transform_indices = @transform_2, window_bounds = array<i64: 1000, 16>}, {pipeline_mode = #tpu.pipeline_mode<synchronous>, transform_indices = @transform_3, window_bounds = array<i64: 1, 128>}, {transform_indices = @transform_4, window_bounds = array<i64: 1000, 128>}, {transform_indices = @transform_5, window_bounds = array<i64: 1000, 16>}, {transform_indices = @transform_6, window_bounds = array<i64: 1000, 128>}, {pipeline_mode = #tpu.pipeline_mode<synchronous>, transform_indices = @transform_7, window_bounds = array<i64: 128, 128>}, {pipeline_mode = #tpu.pipeline_mode<synchronous>, transform_indices = @transform_8, window_bounds = array<i64: 128, 128>}, {pipeline_mode = #tpu.pipeline_mode<synchronous>, transform_indices = @transform_9, window_bounds = array<i64: 1, 128>}, {transform_indices = @transform_10, window_bounds = array<i64: 1000, 128>}, {transform_indices = @transform_11, window_bounds = array<i64: 1000, 128>}, {pipeline_mode = #tpu.pipeline_mode<synchronous>, transform_indices = @transform_12, window_bounds = array<i64: 4, 128>}]} {
    %get3A = arith.constant 0 : index
    %get3A_0 = arith.constant 0 : index
    %get3A_1 = vector.load %arg1[%get3A, %get3A_0] : memref<1000x128xf32, #tpu.memory_space<vmem>>, vector<1000x128xf32>
    %get3A_2 = arith.constant 0 : index
    %get3A_3 = arith.constant 0 : index
    %get3A_4 = vector.load %arg2[%get3A_2, %get3A_3] : memref<1000x128xf32, #tpu.memory_space<vmem>>, vector<1000x128xf32>
    %add3A = arith.addf %get3A_1, %get3A_4 : vector<1000x128xf32>
    %get3A_5 = arith.constant 0 : index
    %get3A_6 = arith.constant 0 : index
    %get3A_7 = vector.load %arg3[%get3A_5, %get3A_6] : memref<1000x16xf32, #tpu.memory_space<vmem>>, vector<1000x16xf32>
    %slice3A = vector.extract_strided_slice %get3A_7 {offsets = [0, 0], sizes = [1000, 1], strides = [1, 1]} : vector<1000x16xf32> to vector<1000x1xf32>
    %mul3A = vector.broadcast %slice3A : vector<1000x1xf32> to vector<1000x128xf32>
    %mul3A_8 = arith.mulf %add3A, %mul3A : vector<1000x128xf32>
    %get3A_9 = arith.constant 0 : index
    %get3A_10 = arith.constant 0 : index
    %get3A_11 = vector.load %arg4[%get3A_9, %get3A_10] : memref<1x128xf32, #tpu.memory_space<vmem>>, vector<1x128xf32>
    %add3A_12 = vector.broadcast %get3A_11 : vector<1x128xf32> to vector<1000x128xf32>
    %add3A_13 = arith.addf %mul3A_8, %add3A_12 : vector<1000x128xf32>
    %get3A_14 = arith.constant 0 : index
    %get3A_15 = arith.constant 0 : index
    %get3A_16 = vector.load %arg5[%get3A_14, %get3A_15] : memref<1000x128xf32, #tpu.memory_space<vmem>>, vector<1000x128xf32>
    %get3A_17 = arith.constant 0 : index
    %get3A_18 = arith.constant 0 : index
    %get3A_19 = vector.load %arg6[%get3A_17, %get3A_18] : memref<1000x16xf32, #tpu.memory_space<vmem>>, vector<1000x16xf32>
    %slice3A_20 = vector.extract_strided_slice %get3A_19 {offsets = [0, 0], sizes = [1000, 1], strides = [1, 1]} : vector<1000x16xf32> to vector<1000x1xf32>
    %mul3A_21 = vector.broadcast %slice3A_20 : vector<1000x1xf32> to vector<1000x128xf32>
    %mul3A_22 = arith.mulf %get3A_16, %mul3A_21 : vector<1000x128xf32>
    %get3A_23 = arith.constant 0 : index
    %get3A_24 = arith.constant 0 : index
    %get3A_25 = vector.load %arg8[%get3A_23, %get3A_24] : memref<128x128xf32, #tpu.memory_space<vmem>>, vector<128x128xf32>
    %mul3A_26 = arith.constant 6.553700e+04 : f32
    %mul3A_27 = vector.broadcast %mul3A_26 : f32 to vector<1000x128xf32>
    %mul3A_28 = arith.mulf %mul3A_22, %mul3A_27 : vector<1000x128xf32>
    %sub3A = arith.subf %mul3A_28, %mul3A_22 : vector<1000x128xf32>
    %sub3A_29 = arith.subf %mul3A_28, %sub3A : vector<1000x128xf32>
    %sub3A_30 = arith.subf %mul3A_22, %sub3A_29 : vector<1000x128xf32>
    %mul3A_31 = arith.constant 6.553700e+04 : f32
    %mul3A_32 = vector.broadcast %mul3A_31 : f32 to vector<128x128xf32>
    %mul3A_33 = arith.mulf %get3A_25, %mul3A_32 : vector<128x128xf32>
    %sub3A_34 = arith.subf %mul3A_33, %get3A_25 : vector<128x128xf32>
    %sub3A_35 = arith.subf %mul3A_33, %sub3A_34 : vector<128x128xf32>
    %sub3A_36 = arith.subf %get3A_25, %sub3A_35 : vector<128x128xf32>
    %dot_general3A = arith.constant dense<0.000000e+00> : vector<1000x128xf32>
    %dot_general3A_37 = tpu.matmul %sub3A_29, %sub3A_35, %dot_general3A {dimension_numbers = #tpu.dot_dimension_numbers<[1], [0], [0], [1], [0, 0, 1, 1], [], []>, transpose_lhs_hint = false} : vector<1000x128xf32>, vector<128x128xf32>, vector<1000x128xf32> -> vector<1000x128xf32>
    %dot_general3A_38 = arith.constant dense<0.000000e+00> : vector<1000x128xf32>
    %dot_general3A_39 = tpu.matmul %sub3A_29, %sub3A_36, %dot_general3A_38 {dimension_numbers = #tpu.dot_dimension_numbers<[1], [0], [0], [1], [0, 0, 1, 1], [], []>, transpose_lhs_hint = false} : vector<1000x128xf32>, vector<128x128xf32>, vector<1000x128xf32> -> vector<1000x128xf32>
    %dot_general3A_40 = arith.constant dense<0.000000e+00> : vector<1000x128xf32>
    %dot_general3A_41 = tpu.matmul %sub3A_30, %sub3A_35, %dot_general3A_40 {dimension_numbers = #tpu.dot_dimension_numbers<[1], [0], [0], [1], [0, 0, 1, 1], [], []>, transpose_lhs_hint = false} : vector<1000x128xf32>, vector<128x128xf32>, vector<1000x128xf32> -> vector<1000x128xf32>
    %add3A_42 = arith.addf %dot_general3A_39, %dot_general3A_41 : vector<1000x128xf32>
    %add3A_43 = arith.addf %dot_general3A_37, %add3A_42 : vector<1000x128xf32>
    %get3A_44 = arith.constant 0 : index
    %get3A_45 = arith.constant 0 : index
    %get3A_46 = vector.load %arg7[%get3A_44, %get3A_45] : memref<1000x128xf32, #tpu.memory_space<vmem>>, vector<1000x128xf32>
    %get3A_47 = arith.constant 0 : index
    %get3A_48 = arith.constant 0 : index
    %get3A_49 = vector.load %arg9[%get3A_47, %get3A_48] : memref<128x128xf32, #tpu.memory_space<vmem>>, vector<128x128xf32>
    %mul3A_50 = arith.constant 6.553700e+04 : f32
    %mul3A_51 = vector.broadcast %mul3A_50 : f32 to vector<1000x128xf32>
    %mul3A_52 = arith.mulf %get3A_46, %mul3A_51 : vector<1000x128xf32>
    %sub3A_53 = arith.subf %mul3A_52, %get3A_46 : vector<1000x128xf32>
    %sub3A_54 = arith.subf %mul3A_52, %sub3A_53 : vector<1000x128xf32>
    %sub3A_55 = arith.subf %get3A_46, %sub3A_54 : vector<1000x128xf32>
    %mul3A_56 = arith.constant 6.553700e+04 : f32
    %mul3A_57 = vector.broadcast %mul3A_56 : f32 to vector<128x128xf32>
    %mul3A_58 = arith.mulf %get3A_49, %mul3A_57 : vector<128x128xf32>
    %sub3A_59 = arith.subf %mul3A_58, %get3A_49 : vector<128x128xf32>
    %sub3A_60 = arith.subf %mul3A_58, %sub3A_59 : vector<128x128xf32>
    %sub3A_61 = arith.subf %get3A_49, %sub3A_60 : vector<128x128xf32>
    %dot_general3A_62 = arith.constant dense<0.000000e+00> : vector<1000x128xf32>
    %dot_general3A_63 = tpu.matmul %sub3A_54, %sub3A_60, %dot_general3A_62 {dimension_numbers = #tpu.dot_dimension_numbers<[1], [0], [0], [1], [0, 0, 1, 1], [], []>, transpose_lhs_hint = false} : vector<1000x128xf32>, vector<128x128xf32>, vector<1000x128xf32> -> vector<1000x128xf32>
    %dot_general3A_64 = arith.constant dense<0.000000e+00> : vector<1000x128xf32>
    %dot_general3A_65 = tpu.matmul %sub3A_54, %sub3A_61, %dot_general3A_64 {dimension_numbers = #tpu.dot_dimension_numbers<[1], [0], [0], [1], [0, 0, 1, 1], [], []>, transpose_lhs_hint = false} : vector<1000x128xf32>, vector<128x128xf32>, vector<1000x128xf32> -> vector<1000x128xf32>
    %dot_general3A_66 = arith.constant dense<0.000000e+00> : vector<1000x128xf32>
    %dot_general3A_67 = tpu.matmul %sub3A_55, %sub3A_60, %dot_general3A_66 {dimension_numbers = #tpu.dot_dimension_numbers<[1], [0], [0], [1], [0, 0, 1, 1], [], []>, transpose_lhs_hint = false} : vector<1000x128xf32>, vector<128x128xf32>, vector<1000x128xf32> -> vector<1000x128xf32>
    %add3A_68 = arith.addf %dot_general3A_65, %dot_general3A_67 : vector<1000x128xf32>
    %add3A_69 = arith.addf %dot_general3A_63, %add3A_68 : vector<1000x128xf32>
    %add3A_70 = arith.addf %add3A_43, %add3A_69 : vector<1000x128xf32>
    %get3A_71 = arith.constant 0 : index
    %get3A_72 = arith.constant 0 : index
    %get3A_73 = vector.load %arg10[%get3A_71, %get3A_72] : memref<1x128xf32, #tpu.memory_space<vmem>>, vector<1x128xf32>
    %add3A_74 = vector.broadcast %get3A_73 : vector<1x128xf32> to vector<1000x128xf32>
    %add3A_75 = arith.addf %add3A_70, %add3A_74 : vector<1000x128xf32>
    %swap3A = arith.constant 0 : index
    %swap3A_76 = arith.constant 0 : index
    %swap3A_77 = vector.load %arg11[%swap3A, %swap3A_76] : memref<1000x128xf32, #tpu.memory_space<vmem>>, vector<1000x128xf32>
    tpu.vector_store %arg11[%swap3A, %swap3A_76], %add3A_13 {strides = array<i32>} : memref<1000x128xf32, #tpu.memory_space<vmem>>, vector<1000x128xf32>,
    %swap3A_78 = arith.constant 0 : index
    %swap3A_79 = arith.constant 0 : index
    %swap3A_80 = vector.load %arg12[%swap3A_78, %swap3A_79] : memref<1000x128xf32, #tpu.memory_space<vmem>>, vector<1000x128xf32>
    tpu.vector_store %arg12[%swap3A_78, %swap3A_79], %add3A_75 {strides = array<i32>} : memref<1000x128xf32, #tpu.memory_space<vmem>>, vector<1000x128xf32>,
    %reduce_sum3A = arith.constant dense<0.000000e+00> : vector<128xf32>
    %reduce_sum3A_81 = vector.multi_reduction <add>, %add3A_13, %reduce_sum3A [0] : vector<1000x128xf32> to vector<128xf32>
    %broadcast_in_dim3A = vector.shape_cast %reduce_sum3A_81 : vector<128xf32> to vector<1x128xf32>
    %mul3A_82 = arith.mulf %add3A_13, %add3A_13 : vector<1000x128xf32>
    %reduce_sum3A_83 = arith.constant dense<0.000000e+00> : vector<128xf32>
    %reduce_sum3A_84 = vector.multi_reduction <add>, %mul3A_82, %reduce_sum3A_83 [0] : vector<1000x128xf32> to vector<128xf32>
    %broadcast_in_dim3A_85 = vector.shape_cast %reduce_sum3A_84 : vector<128xf32> to vector<1x128xf32>
    %reduce_sum3A_86 = arith.constant dense<0.000000e+00> : vector<128xf32>
    %reduce_sum3A_87 = vector.multi_reduction <add>, %add3A_75, %reduce_sum3A_86 [0] : vector<1000x128xf32> to vector<128xf32>
    %broadcast_in_dim3A_88 = vector.shape_cast %reduce_sum3A_87 : vector<128xf32> to vector<1x128xf32>
    %mul3A_89 = arith.mulf %add3A_75, %add3A_75 : vector<1000x128xf32>
    %reduce_sum3A_90 = arith.constant dense<0.000000e+00> : vector<128xf32>
    %reduce_sum3A_91 = vector.multi_reduction <add>, %mul3A_89, %reduce_sum3A_90 [0] : vector<1000x128xf32> to vector<128xf32>
    %broadcast_in_dim3A_92 = vector.shape_cast %reduce_sum3A_91 : vector<128xf32> to vector<1x128xf32>
    %concatenate3A = tpu.concatenate %broadcast_in_dim3A, %broadcast_in_dim3A_85, %broadcast_in_dim3A_88, %broadcast_in_dim3A_92 in 0 : vector<1x128xf32>, vector<1x128xf32>, vector<1x128xf32>, vector<1x128xf32> -> vector<4x128xf32>
    %eq3A = arith.constant 0 : i32
    %eq3A_93 = arith.cmpi eq, %arg0, %eq3A : i32
    %convert_element_type3A = arith.extui %eq3A_93 : i1 to i32
    %cond3A = arith.constant 0 : i32
    %cond3A_94 = arith.cmpi ne, %convert_element_type3A, %cond3A : i32
    scf.if %cond3A_94 {
      %swap3A_99 = arith.constant 0 : index
      %swap3A_100 = arith.constant 0 : index
      %swap3A_101 = vector.load %arg13[%swap3A_99, %swap3A_100] : memref<4x128xf32, #tpu.memory_space<vmem>>, vector<4x128xf32>
      tpu.vector_store %arg13[%swap3A_99, %swap3A_100], %concatenate3A {strides = array<i32>} : memref<4x128xf32, #tpu.memory_space<vmem>>, vector<4x128xf32>,
    } else {
    }
    %gt3A = arith.constant 0 : i32
    %gt3A_95 = arith.cmpi sgt, %arg0, %gt3A : i32
    %convert_element_type3A_96 = arith.extui %gt3A_95 : i1 to i32
    %cond3A_97 = arith.constant 0 : i32
    %cond3A_98 = arith.cmpi ne, %convert_element_type3A_96, %cond3A_97 : i32
    scf.if %cond3A_98 {
      %get3A_99 = arith.constant 0 : index
      %get3A_100 = arith.constant 0 : index
      %get3A_101 = vector.load %arg13[%get3A_99, %get3A_100] : memref<4x128xf32, #tpu.memory_space<vmem>>, vector<4x128xf32>
      %add3A_102 = arith.addf %get3A_101, %concatenate3A : vector<4x128xf32>
      %swap3A_103 = arith.constant 0 : index
      %swap3A_104 = arith.constant 0 : index
      %swap3A_105 = vector.load %arg13[%swap3A_103, %swap3A_104] : memref<4x128xf32, #tpu.memory_space<vmem>>, vector<4x128xf32>
      tpu.vector_store %arg13[%swap3A_103, %swap3A_104], %add3A_102 {strides = array<i32>} : memref<4x128xf32, #tpu.memory_space<vmem>>, vector<4x128xf32>,
    } else {
    }
    return
  }
  func.func @transform_0(%arg0: i32) -> (i32, i32) {
    %c0_i32 = arith.constant 0 : i32
    %c0_i32_0 = arith.constant 0 : i32
    return %arg0, %c0_i32 : i32, i32
  }
  func.func @transform_1(%arg0: i32) -> (i32, i32) {
    %c0_i32 = arith.constant 0 : i32
    %c0_i32_0 = arith.constant 0 : i32
    return %arg0, %c0_i32 : i32, i32
  }
  func.func @transform_2(%arg0: i32) -> (i32, i32) {
    %c0_i32 = arith.constant 0 : i32
    %c0_i32_0 = arith.constant 0 : i32
    return %arg0, %c0_i32 : i32, i32
  }
  func.func @transform_3(%arg0: i32) -> (i32, i32) {
    %c0_i32 = arith.constant 0 : i32
    %c0_i32_0 = arith.constant 0 : i32
    %c0_i32_1 = arith.constant 0 : i32
    return %c0_i32, %c0_i32_0 : i32, i32
  }
  func.func @transform_4(%arg0: i32) -> (i32, i32) {
    %c0_i32 = arith.constant 0 : i32
    %c0_i32_0 = arith.constant 0 : i32
    return %arg0, %c0_i32 : i32, i32
  }
  func.func @transform_5(%arg0: i32) -> (i32, i32) {
    %c0_i32 = arith.constant 0 : i32
    %c0_i32_0 = arith.constant 0 : i32
    return %arg0, %c0_i32 : i32, i32
  }
  func.func @transform_6(%arg0: i32) -> (i32, i32) {
    %c0_i32 = arith.constant 0 : i32
    %c0_i32_0 = arith.constant 0 : i32
    return %arg0, %c0_i32 : i32, i32
  }
  func.func @transform_7(%arg0: i32) -> (i32, i32) {
    %c0_i32 = arith.constant 0 : i32
    %c0_i32_0 = arith.constant 0 : i32
    %c0_i32_1 = arith.constant 0 : i32
    return %c0_i32, %c0_i32_0 : i32, i32
  }
  func.func @transform_8(%arg0: i32) -> (i32, i32) {
    %c0_i32 = arith.constant 0 : i32
    %c0_i32_0 = arith.constant 0 : i32
    %c0_i32_1 = arith.constant 0 : i32
    return %c0_i32, %c0_i32_0 : i32, i32
  }
  func.func @transform_9(%arg0: i32) -> (i32, i32) {
    %c0_i32 = arith.constant 0 : i32
    %c0_i32_0 = arith.constant 0 : i32
    %c0_i32_1 = arith.constant 0 : i32
    return %c0_i32, %c0_i32_0 : i32, i32
  }
  func.func @transform_10(%arg0: i32) -> (i32, i32) {
    %c0_i32 = arith.constant 0 : i32
    %c0_i32_0 = arith.constant 0 : i32
    return %arg0, %c0_i32 : i32, i32
  }
  func.func @transform_11(%arg0: i32) -> (i32, i32) {
    %c0_i32 = arith.constant 0 : i32
    %c0_i32_0 = arith.constant 0 : i32
    return %arg0, %c0_i32 : i32, i32
  }
  func.func @transform_12(%arg0: i32) -> (i32, i32) {
    %c0_i32 = arith.constant 0 : i32
    %c0_i32_0 = arith.constant 0 : i32
    %c0_i32_1 = arith.constant 0 : i32
    return %c0_i32, %c0_i32_0 : i32, i32
  }
}

module attributes {stable_mosaic.version = 14 : i64} {
  func.func @_k4_body(%arg0: i32, %arg1: memref<1000x128xf32, #tpu.memory_space<vmem>>, %arg2: memref<1000x128xf32, #tpu.memory_space<vmem>>, %arg3: memref<4x128xf32, #tpu.memory_space<vmem>>, %arg4: memref<1x128xf32, #tpu.memory_space<vmem>>, %arg5: memref<1x128xf32, #tpu.memory_space<vmem>>, %arg6: memref<1x128xf32, #tpu.memory_space<vmem>>, %arg7: memref<1x128xf32, #tpu.memory_space<vmem>>, %arg8: memref<128x128xf32, #tpu.memory_space<vmem>>, %arg9: memref<1000x16xf32, #tpu.memory_space<vmem>>, %arg10: memref<1000x128xf32, #tpu.memory_space<vmem>>, %arg11: memref<1000x128xf32, #tpu.memory_space<vmem>>) attributes {dimension_semantics = [#tpu.dimension_semantics<arbitrary>], iteration_bounds = array<i64: 10>, scalar_prefetch = 0 : i64, scratch_operands = 0 : i64, tpu.core_type = #tpu.core_type<tc>, window_params = [{transform_indices = @transform_0, window_bounds = array<i64: 1000, 128>}, {transform_indices = @transform_1, window_bounds = array<i64: 1000, 128>}, {pipeline_mode = #tpu.pipeline_mode<synchronous>, transform_indices = @transform_2, window_bounds = array<i64: 4, 128>}, {pipeline_mode = #tpu.pipeline_mode<synchronous>, transform_indices = @transform_3, window_bounds = array<i64: 1, 128>}, {pipeline_mode = #tpu.pipeline_mode<synchronous>, transform_indices = @transform_4, window_bounds = array<i64: 1, 128>}, {pipeline_mode = #tpu.pipeline_mode<synchronous>, transform_indices = @transform_5, window_bounds = array<i64: 1, 128>}, {pipeline_mode = #tpu.pipeline_mode<synchronous>, transform_indices = @transform_6, window_bounds = array<i64: 1, 128>}, {pipeline_mode = #tpu.pipeline_mode<synchronous>, transform_indices = @transform_7, window_bounds = array<i64: 128, 128>}, {transform_indices = @transform_8, window_bounds = array<i64: 1000, 16>}, {transform_indices = @transform_9, window_bounds = array<i64: 1000, 128>}, {transform_indices = @transform_10, window_bounds = array<i64: 1000, 128>}]} {
    %get3A = arith.constant 0 : index
    %get3A_0 = arith.constant 0 : index
    %get3A_1 = vector.load %arg3[%get3A, %get3A_0] : memref<4x128xf32, #tpu.memory_space<vmem>>, vector<4x128xf32>
    %get3A_2 = arith.constant 0 : index
    %get3A_3 = arith.constant 0 : index
    %get3A_4 = vector.load %arg1[%get3A_2, %get3A_3] : memref<1000x128xf32, #tpu.memory_space<vmem>>, vector<1000x128xf32>
    %slice3A = vector.extract_strided_slice %get3A_1 {offsets = [0, 0], sizes = [1, 128], strides = [1, 1]} : vector<4x128xf32> to vector<1x128xf32>
    %slice3A_5 = vector.extract_strided_slice %get3A_1 {offsets = [1, 0], sizes = [1, 128], strides = [1, 1]} : vector<4x128xf32> to vector<1x128xf32>
    %get3A_6 = arith.constant 0 : index
    %get3A_7 = arith.constant 0 : index
    %get3A_8 = vector.load %arg4[%get3A_6, %get3A_7] : memref<1x128xf32, #tpu.memory_space<vmem>>, vector<1x128xf32>
    %get3A_9 = arith.constant 0 : index
    %get3A_10 = arith.constant 0 : index
    %get3A_11 = vector.load %arg5[%get3A_9, %get3A_10] : memref<1x128xf32, #tpu.memory_space<vmem>>, vector<1x128xf32>
    %mul3A = arith.constant 9.99999974E-5 : f32
    %mul3A_12 = vector.broadcast %mul3A : f32 to vector<1x128xf32>
    %mul3A_13 = arith.mulf %slice3A, %mul3A_12 : vector<1x128xf32>
    %mul3A_14 = arith.constant 9.99999974E-5 : f32
    %mul3A_15 = vector.broadcast %mul3A_14 : f32 to vector<1x128xf32>
    %mul3A_16 = arith.mulf %slice3A_5, %mul3A_15 : vector<1x128xf32>
    %mul3A_17 = arith.mulf %mul3A_13, %mul3A_13 : vector<1x128xf32>
    %sub3A = arith.subf %mul3A_16, %mul3A_17 : vector<1x128xf32>
    %sub3A_18 = vector.broadcast %mul3A_13 : vector<1x128xf32> to vector<1000x128xf32>
    %sub3A_19 = arith.subf %get3A_4, %sub3A_18 : vector<1000x128xf32>
    %add3A = arith.constant 9.99999974E-6 : f32
    %add3A_20 = vector.broadcast %add3A : f32 to vector<1x128xf32>
    %add3A_21 = arith.addf %sub3A, %add3A_20 : vector<1x128xf32>
    %sqrt3A = math.sqrt %add3A_21 : vector<1x128xf32>
    %div3A = vector.broadcast %sqrt3A : vector<1x128xf32> to vector<1000x128xf32>
    %div3A_22 = arith.divf %sub3A_19, %div3A : vector<1000x128xf32>
    %mul3A_23 = vector.broadcast %get3A_8 : vector<1x128xf32> to vector<1000x128xf32>
    %mul3A_24 = arith.mulf %div3A_22, %mul3A_23 : vector<1000x128xf32>
    %add3A_25 = vector.broadcast %get3A_11 : vector<1x128xf32> to vector<1000x128xf32>
    %add3A_26 = arith.addf %mul3A_24, %add3A_25 : vector<1000x128xf32>
    %max3A = arith.constant 0.000000e+00 : f32
    %max3A_27 = vector.broadcast %max3A : f32 to vector<1000x128xf32>
    %max3A_28 = arith.maximumf %add3A_26, %max3A_27 : vector<1000x128xf32>
    %get3A_29 = arith.constant 0 : index
    %get3A_30 = arith.constant 0 : index
    %get3A_31 = vector.load %arg8[%get3A_29, %get3A_30] : memref<128x128xf32, #tpu.memory_space<vmem>>, vector<128x128xf32>
    %mul3A_32 = arith.constant 6.553700e+04 : f32
    %mul3A_33 = vector.broadcast %mul3A_32 : f32 to vector<1000x128xf32>
    %mul3A_34 = arith.mulf %max3A_28, %mul3A_33 : vector<1000x128xf32>
    %sub3A_35 = arith.subf %mul3A_34, %max3A_28 : vector<1000x128xf32>
    %sub3A_36 = arith.subf %mul3A_34, %sub3A_35 : vector<1000x128xf32>
    %sub3A_37 = arith.subf %max3A_28, %sub3A_36 : vector<1000x128xf32>
    %mul3A_38 = arith.constant 6.553700e+04 : f32
    %mul3A_39 = vector.broadcast %mul3A_38 : f32 to vector<128x128xf32>
    %mul3A_40 = arith.mulf %get3A_31, %mul3A_39 : vector<128x128xf32>
    %sub3A_41 = arith.subf %mul3A_40, %get3A_31 : vector<128x128xf32>
    %sub3A_42 = arith.subf %mul3A_40, %sub3A_41 : vector<128x128xf32>
    %sub3A_43 = arith.subf %get3A_31, %sub3A_42 : vector<128x128xf32>
    %dot_general3A = arith.constant dense<0.000000e+00> : vector<1000x128xf32>
    %dot_general3A_44 = tpu.matmul %sub3A_36, %sub3A_42, %dot_general3A {dimension_numbers = #tpu.dot_dimension_numbers<[1], [0], [0], [1], [0, 0, 1, 1], [], []>, transpose_lhs_hint = false} : vector<1000x128xf32>, vector<128x128xf32>, vector<1000x128xf32> -> vector<1000x128xf32>
    %dot_general3A_45 = arith.constant dense<0.000000e+00> : vector<1000x128xf32>
    %dot_general3A_46 = tpu.matmul %sub3A_36, %sub3A_43, %dot_general3A_45 {dimension_numbers = #tpu.dot_dimension_numbers<[1], [0], [0], [1], [0, 0, 1, 1], [], []>, transpose_lhs_hint = false} : vector<1000x128xf32>, vector<128x128xf32>, vector<1000x128xf32> -> vector<1000x128xf32>
    %dot_general3A_47 = arith.constant dense<0.000000e+00> : vector<1000x128xf32>
    %dot_general3A_48 = tpu.matmul %sub3A_37, %sub3A_42, %dot_general3A_47 {dimension_numbers = #tpu.dot_dimension_numbers<[1], [0], [0], [1], [0, 0, 1, 1], [], []>, transpose_lhs_hint = false} : vector<1000x128xf32>, vector<128x128xf32>, vector<1000x128xf32> -> vector<1000x128xf32>
    %add3A_49 = arith.addf %dot_general3A_46, %dot_general3A_48 : vector<1000x128xf32>
    %add3A_50 = arith.addf %dot_general3A_44, %add3A_49 : vector<1000x128xf32>
    %get3A_51 = arith.constant 0 : index
    %get3A_52 = arith.constant 0 : index
    %get3A_53 = vector.load %arg9[%get3A_51, %get3A_52] : memref<1000x16xf32, #tpu.memory_space<vmem>>, vector<1000x16xf32>
    %slice3A_54 = vector.extract_strided_slice %get3A_53 {offsets = [0, 0], sizes = [1000, 1], strides = [1, 1]} : vector<1000x16xf32> to vector<1000x1xf32>
    %mul3A_55 = vector.broadcast %slice3A_54 : vector<1000x1xf32> to vector<1000x128xf32>
    %mul3A_56 = arith.mulf %add3A_50, %mul3A_55 : vector<1000x128xf32>
    %swap3A = arith.constant 0 : index
    %swap3A_57 = arith.constant 0 : index
    %swap3A_58 = vector.load %arg10[%swap3A, %swap3A_57] : memref<1000x128xf32, #tpu.memory_space<vmem>>, vector<1000x128xf32>
    tpu.vector_store %arg10[%swap3A, %swap3A_57], %mul3A_56 {strides = array<i32>} : memref<1000x128xf32, #tpu.memory_space<vmem>>, vector<1000x128xf32>,
    %get3A_59 = arith.constant 0 : index
    %get3A_60 = arith.constant 0 : index
    %get3A_61 = vector.load %arg2[%get3A_59, %get3A_60] : memref<1000x128xf32, #tpu.memory_space<vmem>>, vector<1000x128xf32>
    %slice3A_62 = vector.extract_strided_slice %get3A_1 {offsets = [2, 0], sizes = [1, 128], strides = [1, 1]} : vector<4x128xf32> to vector<1x128xf32>
    %slice3A_63 = vector.extract_strided_slice %get3A_1 {offsets = [3, 0], sizes = [1, 128], strides = [1, 1]} : vector<4x128xf32> to vector<1x128xf32>
    %get3A_64 = arith.constant 0 : index
    %get3A_65 = arith.constant 0 : index
    %get3A_66 = vector.load %arg6[%get3A_64, %get3A_65] : memref<1x128xf32, #tpu.memory_space<vmem>>, vector<1x128xf32>
    %get3A_67 = arith.constant 0 : index
    %get3A_68 = arith.constant 0 : index
    %get3A_69 = vector.load %arg7[%get3A_67, %get3A_68] : memref<1x128xf32, #tpu.memory_space<vmem>>, vector<1x128xf32>
    %mul3A_70 = arith.constant 9.99999974E-5 : f32
    %mul3A_71 = vector.broadcast %mul3A_70 : f32 to vector<1x128xf32>
    %mul3A_72 = arith.mulf %slice3A_62, %mul3A_71 : vector<1x128xf32>
    %mul3A_73 = arith.constant 9.99999974E-5 : f32
    %mul3A_74 = vector.broadcast %mul3A_73 : f32 to vector<1x128xf32>
    %mul3A_75 = arith.mulf %slice3A_63, %mul3A_74 : vector<1x128xf32>
    %mul3A_76 = arith.mulf %mul3A_72, %mul3A_72 : vector<1x128xf32>
    %sub3A_77 = arith.subf %mul3A_75, %mul3A_76 : vector<1x128xf32>
    %sub3A_78 = vector.broadcast %mul3A_72 : vector<1x128xf32> to vector<1000x128xf32>
    %sub3A_79 = arith.subf %get3A_61, %sub3A_78 : vector<1000x128xf32>
    %add3A_80 = arith.constant 9.99999974E-6 : f32
    %add3A_81 = vector.broadcast %add3A_80 : f32 to vector<1x128xf32>
    %add3A_82 = arith.addf %sub3A_77, %add3A_81 : vector<1x128xf32>
    %sqrt3A_83 = math.sqrt %add3A_82 : vector<1x128xf32>
    %div3A_84 = vector.broadcast %sqrt3A_83 : vector<1x128xf32> to vector<1000x128xf32>
    %div3A_85 = arith.divf %sub3A_79, %div3A_84 : vector<1000x128xf32>
    %mul3A_86 = vector.broadcast %get3A_66 : vector<1x128xf32> to vector<1000x128xf32>
    %mul3A_87 = arith.mulf %div3A_85, %mul3A_86 : vector<1000x128xf32>
    %add3A_88 = vector.broadcast %get3A_69 : vector<1x128xf32> to vector<1000x128xf32>
    %add3A_89 = arith.addf %mul3A_87, %add3A_88 : vector<1000x128xf32>
    %max3A_90 = arith.constant 0.000000e+00 : f32
    %max3A_91 = vector.broadcast %max3A_90 : f32 to vector<1000x128xf32>
    %max3A_92 = arith.maximumf %add3A_89, %max3A_91 : vector<1000x128xf32>
    %swap3A_93 = arith.constant 0 : index
    %swap3A_94 = arith.constant 0 : index
    %swap3A_95 = vector.load %arg11[%swap3A_93, %swap3A_94] : memref<1000x128xf32, #tpu.memory_space<vmem>>, vector<1000x128xf32>
    tpu.vector_store %arg11[%swap3A_93, %swap3A_94], %max3A_92 {strides = array<i32>} : memref<1000x128xf32, #tpu.memory_space<vmem>>, vector<1000x128xf32>,
    return
  }
  func.func @transform_0(%arg0: i32) -> (i32, i32) {
    %c0_i32 = arith.constant 0 : i32
    %c0_i32_0 = arith.constant 0 : i32
    return %arg0, %c0_i32 : i32, i32
  }
  func.func @transform_1(%arg0: i32) -> (i32, i32) {
    %c0_i32 = arith.constant 0 : i32
    %c0_i32_0 = arith.constant 0 : i32
    return %arg0, %c0_i32 : i32, i32
  }
  func.func @transform_2(%arg0: i32) -> (i32, i32) {
    %c0_i32 = arith.constant 0 : i32
    %c0_i32_0 = arith.constant 0 : i32
    %c0_i32_1 = arith.constant 0 : i32
    return %c0_i32, %c0_i32_0 : i32, i32
  }
  func.func @transform_3(%arg0: i32) -> (i32, i32) {
    %c0_i32 = arith.constant 0 : i32
    %c0_i32_0 = arith.constant 0 : i32
    %c0_i32_1 = arith.constant 0 : i32
    return %c0_i32, %c0_i32_0 : i32, i32
  }
  func.func @transform_4(%arg0: i32) -> (i32, i32) {
    %c0_i32 = arith.constant 0 : i32
    %c0_i32_0 = arith.constant 0 : i32
    %c0_i32_1 = arith.constant 0 : i32
    return %c0_i32, %c0_i32_0 : i32, i32
  }
  func.func @transform_5(%arg0: i32) -> (i32, i32) {
    %c0_i32 = arith.constant 0 : i32
    %c0_i32_0 = arith.constant 0 : i32
    %c0_i32_1 = arith.constant 0 : i32
    return %c0_i32, %c0_i32_0 : i32, i32
  }
  func.func @transform_6(%arg0: i32) -> (i32, i32) {
    %c0_i32 = arith.constant 0 : i32
    %c0_i32_0 = arith.constant 0 : i32
    %c0_i32_1 = arith.constant 0 : i32
    return %c0_i32, %c0_i32_0 : i32, i32
  }
  func.func @transform_7(%arg0: i32) -> (i32, i32) {
    %c0_i32 = arith.constant 0 : i32
    %c0_i32_0 = arith.constant 0 : i32
    %c0_i32_1 = arith.constant 0 : i32
    return %c0_i32, %c0_i32_0 : i32, i32
  }
  func.func @transform_8(%arg0: i32) -> (i32, i32) {
    %c0_i32 = arith.constant 0 : i32
    %c0_i32_0 = arith.constant 0 : i32
    return %arg0, %c0_i32 : i32, i32
  }
  func.func @transform_9(%arg0: i32) -> (i32, i32) {
    %c0_i32 = arith.constant 0 : i32
    %c0_i32_0 = arith.constant 0 : i32
    return %arg0, %c0_i32 : i32, i32
  }
  func.func @transform_10(%arg0: i32) -> (i32, i32) {
    %c0_i32 = arith.constant 0 : i32
    %c0_i32_0 = arith.constant 0 : i32
    return %arg0, %c0_i32 : i32, i32
  }
}

module attributes {stable_mosaic.version = 14 : i64} {
  func.func @_k6_body(%arg0: i32, %arg1: memref<1000x128xf32, #tpu.memory_space<vmem>>, %arg2: memref<1000x128xf32, #tpu.memory_space<vmem>>, %arg3: memref<4x128xf32, #tpu.memory_space<vmem>>, %arg4: memref<1x128xf32, #tpu.memory_space<vmem>>, %arg5: memref<1x128xf32, #tpu.memory_space<vmem>>, %arg6: memref<1x128xf32, #tpu.memory_space<vmem>>, %arg7: memref<1x128xf32, #tpu.memory_space<vmem>>, %arg8: memref<1x1x1000xi32, #tpu.memory_space<vmem>>, %arg9: memref<64x128xf32, #tpu.memory_space<vmem>>, %arg10: memref<64x128xf32, #tpu.memory_space<vmem>>, %arg11: memref<64x128xf32, #tpu.memory_space<vmem>>) attributes {dimension_semantics = [#tpu.dimension_semantics<arbitrary>], iteration_bounds = array<i64: 10>, scalar_prefetch = 0 : i64, scratch_operands = 0 : i64, tpu.core_type = #tpu.core_type<tc>, window_params = [{transform_indices = @transform_0, window_bounds = array<i64: 1000, 128>}, {transform_indices = @transform_1, window_bounds = array<i64: 1000, 128>}, {pipeline_mode = #tpu.pipeline_mode<synchronous>, transform_indices = @transform_2, window_bounds = array<i64: 4, 128>}, {pipeline_mode = #tpu.pipeline_mode<synchronous>, transform_indices = @transform_3, window_bounds = array<i64: 1, 128>}, {pipeline_mode = #tpu.pipeline_mode<synchronous>, transform_indices = @transform_4, window_bounds = array<i64: 1, 128>}, {pipeline_mode = #tpu.pipeline_mode<synchronous>, transform_indices = @transform_5, window_bounds = array<i64: 1, 128>}, {pipeline_mode = #tpu.pipeline_mode<synchronous>, transform_indices = @transform_6, window_bounds = array<i64: 1, 128>}, {transform_indices = @transform_7, window_bounds = array<i64: 1, 1, 1000>}, {pipeline_mode = #tpu.pipeline_mode<synchronous>, transform_indices = @transform_8, window_bounds = array<i64: 64, 128>}, {pipeline_mode = #tpu.pipeline_mode<synchronous>, transform_indices = @transform_9, window_bounds = array<i64: 64, 128>}, {pipeline_mode = #tpu.pipeline_mode<synchronous>, transform_indices = @transform_10, window_bounds = array<i64: 64, 128>}]} {
    %get3A = arith.constant 0 : index
    %get3A_0 = arith.constant 0 : index
    %get3A_1 = vector.load %arg3[%get3A, %get3A_0] : memref<4x128xf32, #tpu.memory_space<vmem>>, vector<4x128xf32>
    %get3A_2 = arith.constant 0 : index
    %get3A_3 = arith.constant 0 : index
    %get3A_4 = vector.load %arg1[%get3A_2, %get3A_3] : memref<1000x128xf32, #tpu.memory_space<vmem>>, vector<1000x128xf32>
    %slice3A = vector.extract_strided_slice %get3A_1 {offsets = [0, 0], sizes = [1, 128], strides = [1, 1]} : vector<4x128xf32> to vector<1x128xf32>
    %slice3A_5 = vector.extract_strided_slice %get3A_1 {offsets = [1, 0], sizes = [1, 128], strides = [1, 1]} : vector<4x128xf32> to vector<1x128xf32>
    %get3A_6 = arith.constant 0 : index
    %get3A_7 = arith.constant 0 : index
    %get3A_8 = vector.load %arg4[%get3A_6, %get3A_7] : memref<1x128xf32, #tpu.memory_space<vmem>>, vector<1x128xf32>
    %get3A_9 = arith.constant 0 : index
    %get3A_10 = arith.constant 0 : index
    %get3A_11 = vector.load %arg5[%get3A_9, %get3A_10] : memref<1x128xf32, #tpu.memory_space<vmem>>, vector<1x128xf32>
    %mul3A = arith.constant 9.99999974E-5 : f32
    %mul3A_12 = vector.broadcast %mul3A : f32 to vector<1x128xf32>
    %mul3A_13 = arith.mulf %slice3A, %mul3A_12 : vector<1x128xf32>
    %mul3A_14 = arith.constant 9.99999974E-5 : f32
    %mul3A_15 = vector.broadcast %mul3A_14 : f32 to vector<1x128xf32>
    %mul3A_16 = arith.mulf %slice3A_5, %mul3A_15 : vector<1x128xf32>
    %mul3A_17 = arith.mulf %mul3A_13, %mul3A_13 : vector<1x128xf32>
    %sub3A = arith.subf %mul3A_16, %mul3A_17 : vector<1x128xf32>
    %sub3A_18 = vector.broadcast %mul3A_13 : vector<1x128xf32> to vector<1000x128xf32>
    %sub3A_19 = arith.subf %get3A_4, %sub3A_18 : vector<1000x128xf32>
    %add3A = arith.constant 9.99999974E-6 : f32
    %add3A_20 = vector.broadcast %add3A : f32 to vector<1x128xf32>
    %add3A_21 = arith.addf %sub3A, %add3A_20 : vector<1x128xf32>
    %sqrt3A = math.sqrt %add3A_21 : vector<1x128xf32>
    %div3A = vector.broadcast %sqrt3A : vector<1x128xf32> to vector<1000x128xf32>
    %div3A_22 = arith.divf %sub3A_19, %div3A : vector<1000x128xf32>
    %mul3A_23 = vector.broadcast %get3A_8 : vector<1x128xf32> to vector<1000x128xf32>
    %mul3A_24 = arith.mulf %div3A_22, %mul3A_23 : vector<1000x128xf32>
    %add3A_25 = vector.broadcast %get3A_11 : vector<1x128xf32> to vector<1000x128xf32>
    %add3A_26 = arith.addf %mul3A_24, %add3A_25 : vector<1000x128xf32>
    %max3A = arith.constant 0.000000e+00 : f32
    %max3A_27 = vector.broadcast %max3A : f32 to vector<1000x128xf32>
    %max3A_28 = arith.maximumf %add3A_26, %max3A_27 : vector<1000x128xf32>
    %get3A_29 = arith.constant 0 : index
    %get3A_30 = arith.constant 0 : index
    %get3A_31 = vector.load %arg2[%get3A_29, %get3A_30] : memref<1000x128xf32, #tpu.memory_space<vmem>>, vector<1000x128xf32>
    %slice3A_32 = vector.extract_strided_slice %get3A_1 {offsets = [2, 0], sizes = [1, 128], strides = [1, 1]} : vector<4x128xf32> to vector<1x128xf32>
    %slice3A_33 = vector.extract_strided_slice %get3A_1 {offsets = [3, 0], sizes = [1, 128], strides = [1, 1]} : vector<4x128xf32> to vector<1x128xf32>
    %get3A_34 = arith.constant 0 : index
    %get3A_35 = arith.constant 0 : index
    %get3A_36 = vector.load %arg6[%get3A_34, %get3A_35] : memref<1x128xf32, #tpu.memory_space<vmem>>, vector<1x128xf32>
    %get3A_37 = arith.constant 0 : index
    %get3A_38 = arith.constant 0 : index
    %get3A_39 = vector.load %arg7[%get3A_37, %get3A_38] : memref<1x128xf32, #tpu.memory_space<vmem>>, vector<1x128xf32>
    %mul3A_40 = arith.constant 9.99999974E-5 : f32
    %mul3A_41 = vector.broadcast %mul3A_40 : f32 to vector<1x128xf32>
    %mul3A_42 = arith.mulf %slice3A_32, %mul3A_41 : vector<1x128xf32>
    %mul3A_43 = arith.constant 9.99999974E-5 : f32
    %mul3A_44 = vector.broadcast %mul3A_43 : f32 to vector<1x128xf32>
    %mul3A_45 = arith.mulf %slice3A_33, %mul3A_44 : vector<1x128xf32>
    %mul3A_46 = arith.mulf %mul3A_42, %mul3A_42 : vector<1x128xf32>
    %sub3A_47 = arith.subf %mul3A_45, %mul3A_46 : vector<1x128xf32>
    %sub3A_48 = vector.broadcast %mul3A_42 : vector<1x128xf32> to vector<1000x128xf32>
    %sub3A_49 = arith.subf %get3A_31, %sub3A_48 : vector<1000x128xf32>
    %add3A_50 = arith.constant 9.99999974E-6 : f32
    %add3A_51 = vector.broadcast %add3A_50 : f32 to vector<1x128xf32>
    %add3A_52 = arith.addf %sub3A_47, %add3A_51 : vector<1x128xf32>
    %sqrt3A_53 = math.sqrt %add3A_52 : vector<1x128xf32>
    %div3A_54 = vector.broadcast %sqrt3A_53 : vector<1x128xf32> to vector<1000x128xf32>
    %div3A_55 = arith.divf %sub3A_49, %div3A_54 : vector<1000x128xf32>
    %mul3A_56 = vector.broadcast %get3A_36 : vector<1x128xf32> to vector<1000x128xf32>
    %mul3A_57 = arith.mulf %div3A_55, %mul3A_56 : vector<1000x128xf32>
    %add3A_58 = vector.broadcast %get3A_39 : vector<1x128xf32> to vector<1000x128xf32>
    %add3A_59 = arith.addf %mul3A_57, %add3A_58 : vector<1000x128xf32>
    %max3A_60 = arith.constant 0.000000e+00 : f32
    %max3A_61 = vector.broadcast %max3A_60 : f32 to vector<1000x128xf32>
    %max3A_62 = arith.maximumf %add3A_59, %max3A_61 : vector<1000x128xf32>
    %get3A_63 = arith.constant 0 : index
    %get3A_64 = arith.constant 0 : index
    %get3A_65 = arith.constant 0 : index
    %get3A_66 = vector.load %arg8[%get3A_63, %get3A_64, %get3A_65] : memref<1x1x1000xi32, #tpu.memory_space<vmem>>, vector<1x1x1000xi32>
    %get3A_67 = vector.shape_cast %get3A_66 : vector<1x1x1000xi32> to vector<1x1000xi32>
    %iota3A = tpu.iota {dimensions = array<i32: 0>} : vector<64x1000xi32>
    %eq3A = vector.broadcast %get3A_67 : vector<1x1000xi32> to vector<64x1000xi32>
    %eq3A_68 = arith.cmpi eq, %iota3A, %eq3A : vector<64x1000xi32>
    %convert_element_type3A = arith.extui %eq3A_68 : vector<64x1000xi1> to vector<64x1000xi32>
    %convert_element_type3A_69 = arith.sitofp %convert_element_type3A : vector<64x1000xi32> to vector<64x1000xf32>
    %mul3A_70 = arith.constant 6.553700e+04 : f32
    %mul3A_71 = vector.broadcast %mul3A_70 : f32 to vector<64x1000xf32>
    %mul3A_72 = arith.mulf %convert_element_type3A_69, %mul3A_71 : vector<64x1000xf32>
    %sub3A_73 = arith.subf %mul3A_72, %convert_element_type3A_69 : vector<64x1000xf32>
    %sub3A_74 = arith.subf %mul3A_72, %sub3A_73 : vector<64x1000xf32>
    %sub3A_75 = arith.subf %convert_element_type3A_69, %sub3A_74 : vector<64x1000xf32>
    %mul3A_76 = arith.constant 6.553700e+04 : f32
    %mul3A_77 = vector.broadcast %mul3A_76 : f32 to vector<1000x128xf32>
    %mul3A_78 = arith.mulf %max3A_28, %mul3A_77 : vector<1000x128xf32>
    %sub3A_79 = arith.subf %mul3A_78, %max3A_28 : vector<1000x128xf32>
    %sub3A_80 = arith.subf %mul3A_78, %sub3A_79 : vector<1000x128xf32>
    %sub3A_81 = arith.subf %max3A_28, %sub3A_80 : vector<1000x128xf32>
    %dot_general3A = arith.constant dense<0.000000e+00> : vector<64x128xf32>
    %dot_general3A_82 = tpu.matmul %sub3A_74, %sub3A_80, %dot_general3A {dimension_numbers = #tpu.dot_dimension_numbers<[1], [0], [0], [1], [0, 0, 1, 1], [], []>, transpose_lhs_hint = false} : vector<64x1000xf32>, vector<1000x128xf32>, vector<64x128xf32> -> vector<64x128xf32>
    %dot_general3A_83 = arith.constant dense<0.000000e+00> : vector<64x128xf32>
    %dot_general3A_84 = tpu.matmul %sub3A_74, %sub3A_81, %dot_general3A_83 {dimension_numbers = #tpu.dot_dimension_numbers<[1], [0], [0], [1], [0, 0, 1, 1], [], []>, transpose_lhs_hint = false} : vector<64x1000xf32>, vector<1000x128xf32>, vector<64x128xf32> -> vector<64x128xf32>
    %dot_general3A_85 = arith.constant dense<0.000000e+00> : vector<64x128xf32>
    %dot_general3A_86 = tpu.matmul %sub3A_75, %sub3A_80, %dot_general3A_85 {dimension_numbers = #tpu.dot_dimension_numbers<[1], [0], [0], [1], [0, 0, 1, 1], [], []>, transpose_lhs_hint = false} : vector<64x1000xf32>, vector<1000x128xf32>, vector<64x128xf32> -> vector<64x128xf32>
    %add3A_87 = arith.addf %dot_general3A_84, %dot_general3A_86 : vector<64x128xf32>
    %add3A_88 = arith.addf %dot_general3A_82, %add3A_87 : vector<64x128xf32>
    %mul3A_89 = arith.constant 6.553700e+04 : f32
    %mul3A_90 = vector.broadcast %mul3A_89 : f32 to vector<64x1000xf32>
    %mul3A_91 = arith.mulf %convert_element_type3A_69, %mul3A_90 : vector<64x1000xf32>
    %sub3A_92 = arith.subf %mul3A_91, %convert_element_type3A_69 : vector<64x1000xf32>
    %sub3A_93 = arith.subf %mul3A_91, %sub3A_92 : vector<64x1000xf32>
    %sub3A_94 = arith.subf %convert_element_type3A_69, %sub3A_93 : vector<64x1000xf32>
    %mul3A_95 = arith.constant 6.553700e+04 : f32
    %mul3A_96 = vector.broadcast %mul3A_95 : f32 to vector<1000x128xf32>
    %mul3A_97 = arith.mulf %max3A_62, %mul3A_96 : vector<1000x128xf32>
    %sub3A_98 = arith.subf %mul3A_97, %max3A_62 : vector<1000x128xf32>
    %sub3A_99 = arith.subf %mul3A_97, %sub3A_98 : vector<1000x128xf32>
    %sub3A_100 = arith.subf %max3A_62, %sub3A_99 : vector<1000x128xf32>
    %dot_general3A_101 = arith.constant dense<0.000000e+00> : vector<64x128xf32>
    %dot_general3A_102 = tpu.matmul %sub3A_93, %sub3A_99, %dot_general3A_101 {dimension_numbers = #tpu.dot_dimension_numbers<[1], [0], [0], [1], [0, 0, 1, 1], [], []>, transpose_lhs_hint = false} : vector<64x1000xf32>, vector<1000x128xf32>, vector<64x128xf32> -> vector<64x128xf32>
    %dot_general3A_103 = arith.constant dense<0.000000e+00> : vector<64x128xf32>
    %dot_general3A_104 = tpu.matmul %sub3A_93, %sub3A_100, %dot_general3A_103 {dimension_numbers = #tpu.dot_dimension_numbers<[1], [0], [0], [1], [0, 0, 1, 1], [], []>, transpose_lhs_hint = false} : vector<64x1000xf32>, vector<1000x128xf32>, vector<64x128xf32> -> vector<64x128xf32>
    %dot_general3A_105 = arith.constant dense<0.000000e+00> : vector<64x128xf32>
    %dot_general3A_106 = tpu.matmul %sub3A_94, %sub3A_99, %dot_general3A_105 {dimension_numbers = #tpu.dot_dimension_numbers<[1], [0], [0], [1], [0, 0, 1, 1], [], []>, transpose_lhs_hint = false} : vector<64x1000xf32>, vector<1000x128xf32>, vector<64x128xf32> -> vector<64x128xf32>
    %add3A_107 = arith.addf %dot_general3A_104, %dot_general3A_106 : vector<64x128xf32>
    %add3A_108 = arith.addf %dot_general3A_102, %add3A_107 : vector<64x128xf32>
    %broadcast_in_dim3A = arith.constant 1.000000e+00 : f32
    %broadcast_in_dim3A_109 = vector.broadcast %broadcast_in_dim3A : f32 to vector<1000x128xf32>
    %mul3A_110 = arith.constant 6.553700e+04 : f32
    %mul3A_111 = vector.broadcast %mul3A_110 : f32 to vector<64x1000xf32>
    %mul3A_112 = arith.mulf %convert_element_type3A_69, %mul3A_111 : vector<64x1000xf32>
    %sub3A_113 = arith.subf %mul3A_112, %convert_element_type3A_69 : vector<64x1000xf32>
    %sub3A_114 = arith.subf %mul3A_112, %sub3A_113 : vector<64x1000xf32>
    %sub3A_115 = arith.subf %convert_element_type3A_69, %sub3A_114 : vector<64x1000xf32>
    %mul3A_116 = arith.constant 6.553700e+04 : f32
    %mul3A_117 = vector.broadcast %mul3A_116 : f32 to vector<1000x128xf32>
    %mul3A_118 = arith.mulf %broadcast_in_dim3A_109, %mul3A_117 : vector<1000x128xf32>
    %sub3A_119 = arith.subf %mul3A_118, %broadcast_in_dim3A_109 : vector<1000x128xf32>
    %sub3A_120 = arith.subf %mul3A_118, %sub3A_119 : vector<1000x128xf32>
    %sub3A_121 = arith.subf %broadcast_in_dim3A_109, %sub3A_120 : vector<1000x128xf32>
    %dot_general3A_122 = arith.constant dense<0.000000e+00> : vector<64x128xf32>
    %dot_general3A_123 = tpu.matmul %sub3A_114, %sub3A_120, %dot_general3A_122 {dimension_numbers = #tpu.dot_dimension_numbers<[1], [0], [0], [1], [0, 0, 1, 1], [], []>, transpose_lhs_hint = false} : vector<64x1000xf32>, vector<1000x128xf32>, vector<64x128xf32> -> vector<64x128xf32>
    %dot_general3A_124 = arith.constant dense<0.000000e+00> : vector<64x128xf32>
    %dot_general3A_125 = tpu.matmul %sub3A_114, %sub3A_121, %dot_general3A_124 {dimension_numbers = #tpu.dot_dimension_numbers<[1], [0], [0], [1], [0, 0, 1, 1], [], []>, transpose_lhs_hint = false} : vector<64x1000xf32>, vector<1000x128xf32>, vector<64x128xf32> -> vector<64x128xf32>
    %dot_general3A_126 = arith.constant dense<0.000000e+00> : vector<64x128xf32>
    %dot_general3A_127 = tpu.matmul %sub3A_115, %sub3A_120, %dot_general3A_126 {dimension_numbers = #tpu.dot_dimension_numbers<[1], [0], [0], [1], [0, 0, 1, 1], [], []>, transpose_lhs_hint = false} : vector<64x1000xf32>, vector<1000x128xf32>, vector<64x128xf32> -> vector<64x128xf32>
    %add3A_128 = arith.addf %dot_general3A_125, %dot_general3A_127 : vector<64x128xf32>
    %add3A_129 = arith.addf %dot_general3A_123, %add3A_128 : vector<64x128xf32>
    %eq3A_130 = arith.constant 0 : i32
    %eq3A_131 = arith.cmpi eq, %arg0, %eq3A_130 : i32
    %convert_element_type3A_132 = arith.extui %eq3A_131 : i1 to i32
    %cond3A = arith.constant 0 : i32
    %cond3A_133 = arith.cmpi ne, %convert_element_type3A_132, %cond3A : i32
    scf.if %cond3A_133 {
      %swap3A = arith.constant 0 : index
      %swap3A_138 = arith.constant 0 : index
      %swap3A_139 = vector.load %arg9[%swap3A, %swap3A_138] : memref<64x128xf32, #tpu.memory_space<vmem>>, vector<64x128xf32>
      tpu.vector_store %arg9[%swap3A, %swap3A_138], %add3A_88 {strides = array<i32>} : memref<64x128xf32, #tpu.memory_space<vmem>>, vector<64x128xf32>,
      %swap3A_140 = arith.constant 0 : index
      %swap3A_141 = arith.constant 0 : index
      %swap3A_142 = vector.load %arg10[%swap3A_140, %swap3A_141] : memref<64x128xf32, #tpu.memory_space<vmem>>, vector<64x128xf32>
      tpu.vector_store %arg10[%swap3A_140, %swap3A_141], %add3A_108 {strides = array<i32>} : memref<64x128xf32, #tpu.memory_space<vmem>>, vector<64x128xf32>,
      %swap3A_143 = arith.constant 0 : index
      %swap3A_144 = arith.constant 0 : index
      %swap3A_145 = vector.load %arg11[%swap3A_143, %swap3A_144] : memref<64x128xf32, #tpu.memory_space<vmem>>, vector<64x128xf32>
      tpu.vector_store %arg11[%swap3A_143, %swap3A_144], %add3A_129 {strides = array<i32>} : memref<64x128xf32, #tpu.memory_space<vmem>>, vector<64x128xf32>,
    } else {
    }
    %gt3A = arith.constant 0 : i32
    %gt3A_134 = arith.cmpi sgt, %arg0, %gt3A : i32
    %convert_element_type3A_135 = arith.extui %gt3A_134 : i1 to i32
    %cond3A_136 = arith.constant 0 : i32
    %cond3A_137 = arith.cmpi ne, %convert_element_type3A_135, %cond3A_136 : i32
    scf.if %cond3A_137 {
      %get3A_138 = arith.constant 0 : index
      %get3A_139 = arith.constant 0 : index
      %get3A_140 = vector.load %arg9[%get3A_138, %get3A_139] : memref<64x128xf32, #tpu.memory_space<vmem>>, vector<64x128xf32>
      %add3A_141 = arith.addf %get3A_140, %add3A_88 : vector<64x128xf32>
      %swap3A = arith.constant 0 : index
      %swap3A_142 = arith.constant 0 : index
      %swap3A_143 = vector.load %arg9[%swap3A, %swap3A_142] : memref<64x128xf32, #tpu.memory_space<vmem>>, vector<64x128xf32>
      tpu.vector_store %arg9[%swap3A, %swap3A_142], %add3A_141 {strides = array<i32>} : memref<64x128xf32, #tpu.memory_space<vmem>>, vector<64x128xf32>,
      %get3A_144 = arith.constant 0 : index
      %get3A_145 = arith.constant 0 : index
      %get3A_146 = vector.load %arg10[%get3A_144, %get3A_145] : memref<64x128xf32, #tpu.memory_space<vmem>>, vector<64x128xf32>
      %add3A_147 = arith.addf %get3A_146, %add3A_108 : vector<64x128xf32>
      %swap3A_148 = arith.constant 0 : index
      %swap3A_149 = arith.constant 0 : index
      %swap3A_150 = vector.load %arg10[%swap3A_148, %swap3A_149] : memref<64x128xf32, #tpu.memory_space<vmem>>, vector<64x128xf32>
      tpu.vector_store %arg10[%swap3A_148, %swap3A_149], %add3A_147 {strides = array<i32>} : memref<64x128xf32, #tpu.memory_space<vmem>>, vector<64x128xf32>,
      %get3A_151 = arith.constant 0 : index
      %get3A_152 = arith.constant 0 : index
      %get3A_153 = vector.load %arg11[%get3A_151, %get3A_152] : memref<64x128xf32, #tpu.memory_space<vmem>>, vector<64x128xf32>
      %add3A_154 = arith.addf %get3A_153, %add3A_129 : vector<64x128xf32>
      %swap3A_155 = arith.constant 0 : index
      %swap3A_156 = arith.constant 0 : index
      %swap3A_157 = vector.load %arg11[%swap3A_155, %swap3A_156] : memref<64x128xf32, #tpu.memory_space<vmem>>, vector<64x128xf32>
      tpu.vector_store %arg11[%swap3A_155, %swap3A_156], %add3A_154 {strides = array<i32>} : memref<64x128xf32, #tpu.memory_space<vmem>>, vector<64x128xf32>,
    } else {
    }
    return
  }
  func.func @transform_0(%arg0: i32) -> (i32, i32) {
    %c0_i32 = arith.constant 0 : i32
    %c0_i32_0 = arith.constant 0 : i32
    return %arg0, %c0_i32 : i32, i32
  }
  func.func @transform_1(%arg0: i32) -> (i32, i32) {
    %c0_i32 = arith.constant 0 : i32
    %c0_i32_0 = arith.constant 0 : i32
    return %arg0, %c0_i32 : i32, i32
  }
  func.func @transform_2(%arg0: i32) -> (i32, i32) {
    %c0_i32 = arith.constant 0 : i32
    %c0_i32_0 = arith.constant 0 : i32
    %c0_i32_1 = arith.constant 0 : i32
    return %c0_i32, %c0_i32_0 : i32, i32
  }
  func.func @transform_3(%arg0: i32) -> (i32, i32) {
    %c0_i32 = arith.constant 0 : i32
    %c0_i32_0 = arith.constant 0 : i32
    %c0_i32_1 = arith.constant 0 : i32
    return %c0_i32, %c0_i32_0 : i32, i32
  }
  func.func @transform_4(%arg0: i32) -> (i32, i32) {
    %c0_i32 = arith.constant 0 : i32
    %c0_i32_0 = arith.constant 0 : i32
    %c0_i32_1 = arith.constant 0 : i32
    return %c0_i32, %c0_i32_0 : i32, i32
  }
  func.func @transform_5(%arg0: i32) -> (i32, i32) {
    %c0_i32 = arith.constant 0 : i32
    %c0_i32_0 = arith.constant 0 : i32
    %c0_i32_1 = arith.constant 0 : i32
    return %c0_i32, %c0_i32_0 : i32, i32
  }
  func.func @transform_6(%arg0: i32) -> (i32, i32) {
    %c0_i32 = arith.constant 0 : i32
    %c0_i32_0 = arith.constant 0 : i32
    %c0_i32_1 = arith.constant 0 : i32
    return %c0_i32, %c0_i32_0 : i32, i32
  }
  func.func @transform_7(%arg0: i32) -> (i32, i32, i32) {
    %c0_i32 = arith.constant 0 : i32
    %c0_i32_0 = arith.constant 0 : i32
    %c0_i32_1 = arith.constant 0 : i32
    return %arg0, %c0_i32, %c0_i32_0 : i32, i32, i32
  }
  func.func @transform_8(%arg0: i32) -> (i32, i32) {
    %c0_i32 = arith.constant 0 : i32
    %c0_i32_0 = arith.constant 0 : i32
    %c0_i32_1 = arith.constant 0 : i32
    return %c0_i32, %c0_i32_0 : i32, i32
  }
  func.func @transform_9(%arg0: i32) -> (i32, i32) {
    %c0_i32 = arith.constant 0 : i32
    %c0_i32_0 = arith.constant 0 : i32
    %c0_i32_1 = arith.constant 0 : i32
    return %c0_i32, %c0_i32_0 : i32, i32
  }
  func.func @transform_10(%arg0: i32) -> (i32, i32) {
    %c0_i32 = arith.constant 0 : i32
    %c0_i32_0 = arith.constant 0 : i32
    %c0_i32_1 = arith.constant 0 : i32
    return %c0_i32, %c0_i32_0 : i32, i32
  }
}

module attributes {stable_mosaic.version = 14 : i64} {
  func.func @_k7_body(%arg0: memref<64x128xf32, #tpu.memory_space<vmem>>, %arg1: memref<64x128xf32, #tpu.memory_space<vmem>>, %arg2: memref<64x128xf32, #tpu.memory_space<vmem>>, %arg3: memref<256x128xf32, #tpu.memory_space<vmem>>, %arg4: memref<1x128xf32, #tpu.memory_space<vmem>>, %arg5: memref<1x128xf32, #tpu.memory_space<vmem>>, %arg6: memref<1x128xf32, #tpu.memory_space<vmem>>, %arg7: memref<128x64xf32, #tpu.memory_space<vmem>>, %arg8: memref<1x64xf32, #tpu.memory_space<vmem>>, %arg9: memref<1x64xf32, #tpu.memory_space<vmem>>, %arg10: memref<1x64xf32, #tpu.memory_space<vmem>>, %arg11: memref<64x128xf32, #tpu.memory_space<vmem>>, %arg12: memref<1x128xf32, #tpu.memory_space<vmem>>, %arg13: memref<64x128xf32, #tpu.memory_space<vmem>>) attributes {dimension_semantics = [], scalar_prefetch = 0 : i64, scratch_operands = 0 : i64, tpu.core_type = #tpu.core_type<tc>} {
    %get3A = arith.constant 0 : index
    %get3A_0 = arith.constant 0 : index
    %get3A_1 = vector.load %arg2[%get3A, %get3A_0] : memref<64x128xf32, #tpu.memory_space<vmem>>, vector<64x128xf32>
    %max3A = arith.constant 1.000000e+00 : f32
    %max3A_2 = vector.broadcast %max3A : f32 to vector<64x128xf32>
    %max3A_3 = arith.maximumf %get3A_1, %max3A_2 : vector<64x128xf32>
    %get3A_4 = arith.constant 0 : index
    %get3A_5 = arith.constant 0 : index
    %get3A_6 = vector.load %arg0[%get3A_4, %get3A_5] : memref<64x128xf32, #tpu.memory_space<vmem>>, vector<64x128xf32>
    %div3A = arith.divf %get3A_6, %max3A_3 : vector<64x128xf32>
    %get3A_7 = arith.constant 0 : index
    %get3A_8 = arith.constant 0 : index
    %get3A_9 = vector.load %arg1[%get3A_7, %get3A_8] : memref<64x128xf32, #tpu.memory_space<vmem>>, vector<64x128xf32>
    %div3A_10 = arith.divf %get3A_9, %max3A_3 : vector<64x128xf32>
    %concatenate3A = tpu.concatenate %div3A, %div3A_10 in 1 : vector<64x128xf32>, vector<64x128xf32> -> vector<64x256xf32>
    %get3A_11 = arith.constant 0 : index
    %get3A_12 = arith.constant 0 : index
    %get3A_13 = vector.load %arg3[%get3A_11, %get3A_12] : memref<256x128xf32, #tpu.memory_space<vmem>>, vector<256x128xf32>
    %mul3A = arith.constant 6.553700e+04 : f32
    %mul3A_14 = vector.broadcast %mul3A : f32 to vector<64x256xf32>
    %mul3A_15 = arith.mulf %concatenate3A, %mul3A_14 : vector<64x256xf32>
    %sub3A = arith.subf %mul3A_15, %concatenate3A : vector<64x256xf32>
    %sub3A_16 = arith.subf %mul3A_15, %sub3A : vector<64x256xf32>
    %sub3A_17 = arith.subf %concatenate3A, %sub3A_16 : vector<64x256xf32>
    %mul3A_18 = arith.constant 6.553700e+04 : f32
    %mul3A_19 = vector.broadcast %mul3A_18 : f32 to vector<256x128xf32>
    %mul3A_20 = arith.mulf %get3A_13, %mul3A_19 : vector<256x128xf32>
    %sub3A_21 = arith.subf %mul3A_20, %get3A_13 : vector<256x128xf32>
    %sub3A_22 = arith.subf %mul3A_20, %sub3A_21 : vector<256x128xf32>
    %sub3A_23 = arith.subf %get3A_13, %sub3A_22 : vector<256x128xf32>
    %dot_general3A = arith.constant dense<0.000000e+00> : vector<64x128xf32>
    %dot_general3A_24 = tpu.matmul %sub3A_16, %sub3A_22, %dot_general3A {dimension_numbers = #tpu.dot_dimension_numbers<[1], [0], [0], [1], [0, 0, 1, 1], [], []>, transpose_lhs_hint = false} : vector<64x256xf32>, vector<256x128xf32>, vector<64x128xf32> -> vector<64x128xf32>
    %dot_general3A_25 = arith.constant dense<0.000000e+00> : vector<64x128xf32>
    %dot_general3A_26 = tpu.matmul %sub3A_16, %sub3A_23, %dot_general3A_25 {dimension_numbers = #tpu.dot_dimension_numbers<[1], [0], [0], [1], [0, 0, 1, 1], [], []>, transpose_lhs_hint = false} : vector<64x256xf32>, vector<256x128xf32>, vector<64x128xf32> -> vector<64x128xf32>
    %dot_general3A_27 = arith.constant dense<0.000000e+00> : vector<64x128xf32>
    %dot_general3A_28 = tpu.matmul %sub3A_17, %sub3A_22, %dot_general3A_27 {dimension_numbers = #tpu.dot_dimension_numbers<[1], [0], [0], [1], [0, 0, 1, 1], [], []>, transpose_lhs_hint = false} : vector<64x256xf32>, vector<256x128xf32>, vector<64x128xf32> -> vector<64x128xf32>
    %add3A = arith.addf %dot_general3A_26, %dot_general3A_28 : vector<64x128xf32>
    %add3A_29 = arith.addf %dot_general3A_24, %add3A : vector<64x128xf32>
    %get3A_30 = arith.constant 0 : index
    %get3A_31 = arith.constant 0 : index
    %get3A_32 = vector.load %arg4[%get3A_30, %get3A_31] : memref<1x128xf32, #tpu.memory_space<vmem>>, vector<1x128xf32>
    %add3A_33 = vector.broadcast %get3A_32 : vector<1x128xf32> to vector<64x128xf32>
    %add3A_34 = arith.addf %add3A_29, %add3A_33 : vector<64x128xf32>
    %get3A_35 = arith.constant 0 : index
    %get3A_36 = arith.constant 0 : index
    %get3A_37 = vector.load %arg5[%get3A_35, %get3A_36] : memref<1x128xf32, #tpu.memory_space<vmem>>, vector<1x128xf32>
    %get3A_38 = arith.constant 0 : index
    %get3A_39 = arith.constant 0 : index
    %get3A_40 = vector.load %arg6[%get3A_38, %get3A_39] : memref<1x128xf32, #tpu.memory_space<vmem>>, vector<1x128xf32>
    %reduce_sum3A = arith.constant dense<0.000000e+00> : vector<128xf32>
    %reduce_sum3A_41 = vector.multi_reduction <add>, %add3A_34, %reduce_sum3A [0] : vector<64x128xf32> to vector<128xf32>
    %broadcast_in_dim3A = vector.shape_cast %reduce_sum3A_41 : vector<128xf32> to vector<1x128xf32>
    %div3A_42 = arith.constant 6.400000e+01 : f32
    %div3A_43 = vector.broadcast %div3A_42 : f32 to vector<1x128xf32>
    %div3A_44 = arith.divf %broadcast_in_dim3A, %div3A_43 : vector<1x128xf32>
    %mul3A_45 = arith.mulf %add3A_34, %add3A_34 : vector<64x128xf32>
    %reduce_sum3A_46 = arith.constant dense<0.000000e+00> : vector<128xf32>
    %reduce_sum3A_47 = vector.multi_reduction <add>, %mul3A_45, %reduce_sum3A_46 [0] : vector<64x128xf32> to vector<128xf32>
    %broadcast_in_dim3A_48 = vector.shape_cast %reduce_sum3A_47 : vector<128xf32> to vector<1x128xf32>
    %div3A_49 = arith.constant 6.400000e+01 : f32
    %div3A_50 = vector.broadcast %div3A_49 : f32 to vector<1x128xf32>
    %div3A_51 = arith.divf %broadcast_in_dim3A_48, %div3A_50 : vector<1x128xf32>
    %mul3A_52 = arith.mulf %div3A_44, %div3A_44 : vector<1x128xf32>
    %sub3A_53 = arith.subf %div3A_51, %mul3A_52 : vector<1x128xf32>
    %sub3A_54 = vector.broadcast %div3A_44 : vector<1x128xf32> to vector<64x128xf32>
    %sub3A_55 = arith.subf %add3A_34, %sub3A_54 : vector<64x128xf32>
    %add3A_56 = arith.constant 9.99999974E-6 : f32
    %add3A_57 = vector.broadcast %add3A_56 : f32 to vector<1x128xf32>
    %add3A_58 = arith.addf %sub3A_53, %add3A_57 : vector<1x128xf32>
    %sqrt3A = math.sqrt %add3A_58 : vector<1x128xf32>
    %div3A_59 = vector.broadcast %sqrt3A : vector<1x128xf32> to vector<64x128xf32>
    %div3A_60 = arith.divf %sub3A_55, %div3A_59 : vector<64x128xf32>
    %mul3A_61 = vector.broadcast %get3A_37 : vector<1x128xf32> to vector<64x128xf32>
    %mul3A_62 = arith.mulf %div3A_60, %mul3A_61 : vector<64x128xf32>
    %add3A_63 = vector.broadcast %get3A_40 : vector<1x128xf32> to vector<64x128xf32>
    %add3A_64 = arith.addf %mul3A_62, %add3A_63 : vector<64x128xf32>
    %max3A_65 = arith.constant 0.000000e+00 : f32
    %max3A_66 = vector.broadcast %max3A_65 : f32 to vector<64x128xf32>
    %max3A_67 = arith.maximumf %add3A_64, %max3A_66 : vector<64x128xf32>
    %get3A_68 = arith.constant 0 : index
    %get3A_69 = arith.constant 0 : index
    %get3A_70 = vector.load %arg7[%get3A_68, %get3A_69] : memref<128x64xf32, #tpu.memory_space<vmem>>, vector<128x64xf32>
    %mul3A_71 = arith.constant 6.553700e+04 : f32
    %mul3A_72 = vector.broadcast %mul3A_71 : f32 to vector<64x128xf32>
    %mul3A_73 = arith.mulf %max3A_67, %mul3A_72 : vector<64x128xf32>
    %sub3A_74 = arith.subf %mul3A_73, %max3A_67 : vector<64x128xf32>
    %sub3A_75 = arith.subf %mul3A_73, %sub3A_74 : vector<64x128xf32>
    %sub3A_76 = arith.subf %max3A_67, %sub3A_75 : vector<64x128xf32>
    %mul3A_77 = arith.constant 6.553700e+04 : f32
    %mul3A_78 = vector.broadcast %mul3A_77 : f32 to vector<128x64xf32>
    %mul3A_79 = arith.mulf %get3A_70, %mul3A_78 : vector<128x64xf32>
    %sub3A_80 = arith.subf %mul3A_79, %get3A_70 : vector<128x64xf32>
    %sub3A_81 = arith.subf %mul3A_79, %sub3A_80 : vector<128x64xf32>
    %sub3A_82 = arith.subf %get3A_70, %sub3A_81 : vector<128x64xf32>
    %dot_general3A_83 = arith.constant dense<0.000000e+00> : vector<64x64xf32>
    %dot_general3A_84 = tpu.matmul %sub3A_75, %sub3A_81, %dot_general3A_83 {dimension_numbers = #tpu.dot_dimension_numbers<[1], [0], [0], [1], [0, 0, 1, 1], [], []>, transpose_lhs_hint = false} : vector<64x128xf32>, vector<128x64xf32>, vector<64x64xf32> -> vector<64x64xf32>
    %dot_general3A_85 = arith.constant dense<0.000000e+00> : vector<64x64xf32>
    %dot_general3A_86 = tpu.matmul %sub3A_75, %sub3A_82, %dot_general3A_85 {dimension_numbers = #tpu.dot_dimension_numbers<[1], [0], [0], [1], [0, 0, 1, 1], [], []>, transpose_lhs_hint = false} : vector<64x128xf32>, vector<128x64xf32>, vector<64x64xf32> -> vector<64x64xf32>
    %dot_general3A_87 = arith.constant dense<0.000000e+00> : vector<64x64xf32>
    %dot_general3A_88 = tpu.matmul %sub3A_76, %sub3A_81, %dot_general3A_87 {dimension_numbers = #tpu.dot_dimension_numbers<[1], [0], [0], [1], [0, 0, 1, 1], [], []>, transpose_lhs_hint = false} : vector<64x128xf32>, vector<128x64xf32>, vector<64x64xf32> -> vector<64x64xf32>
    %add3A_89 = arith.addf %dot_general3A_86, %dot_general3A_88 : vector<64x64xf32>
    %add3A_90 = arith.addf %dot_general3A_84, %add3A_89 : vector<64x64xf32>
    %get3A_91 = arith.constant 0 : index
    %get3A_92 = arith.constant 0 : index
    %get3A_93 = vector.load %arg8[%get3A_91, %get3A_92] : memref<1x64xf32, #tpu.memory_space<vmem>>, vector<1x64xf32>
    %add3A_94 = vector.broadcast %get3A_93 : vector<1x64xf32> to vector<64x64xf32>
    %add3A_95 = arith.addf %add3A_90, %add3A_94 : vector<64x64xf32>
    %get3A_96 = arith.constant 0 : index
    %get3A_97 = arith.constant 0 : index
    %get3A_98 = vector.load %arg9[%get3A_96, %get3A_97] : memref<1x64xf32, #tpu.memory_space<vmem>>, vector<1x64xf32>
    %get3A_99 = arith.constant 0 : index
    %get3A_100 = arith.constant 0 : index
    %get3A_101 = vector.load %arg10[%get3A_99, %get3A_100] : memref<1x64xf32, #tpu.memory_space<vmem>>, vector<1x64xf32>
    %reduce_sum3A_102 = arith.constant dense<0.000000e+00> : vector<64xf32>
    %reduce_sum3A_103 = vector.multi_reduction <add>, %add3A_95, %reduce_sum3A_102 [0] : vector<64x64xf32> to vector<64xf32>
    %broadcast_in_dim3A_104 = vector.shape_cast %reduce_sum3A_103 : vector<64xf32> to vector<1x64xf32>
    %div3A_105 = arith.constant 6.400000e+01 : f32
    %div3A_106 = vector.broadcast %div3A_105 : f32 to vector<1x64xf32>
    %div3A_107 = arith.divf %broadcast_in_dim3A_104, %div3A_106 : vector<1x64xf32>
    %mul3A_108 = arith.mulf %add3A_95, %add3A_95 : vector<64x64xf32>
    %reduce_sum3A_109 = arith.constant dense<0.000000e+00> : vector<64xf32>
    %reduce_sum3A_110 = vector.multi_reduction <add>, %mul3A_108, %reduce_sum3A_109 [0] : vector<64x64xf32> to vector<64xf32>
    %broadcast_in_dim3A_111 = vector.shape_cast %reduce_sum3A_110 : vector<64xf32> to vector<1x64xf32>
    %div3A_112 = arith.constant 6.400000e+01 : f32
    %div3A_113 = vector.broadcast %div3A_112 : f32 to vector<1x64xf32>
    %div3A_114 = arith.divf %broadcast_in_dim3A_111, %div3A_113 : vector<1x64xf32>
    %mul3A_115 = arith.mulf %div3A_107, %div3A_107 : vector<1x64xf32>
    %sub3A_116 = arith.subf %div3A_114, %mul3A_115 : vector<1x64xf32>
    %sub3A_117 = vector.broadcast %div3A_107 : vector<1x64xf32> to vector<64x64xf32>
    %sub3A_118 = arith.subf %add3A_95, %sub3A_117 : vector<64x64xf32>
    %add3A_119 = arith.constant 9.99999974E-6 : f32
    %add3A_120 = vector.broadcast %add3A_119 : f32 to vector<1x64xf32>
    %add3A_121 = arith.addf %sub3A_116, %add3A_120 : vector<1x64xf32>
    %sqrt3A_122 = math.sqrt %add3A_121 : vector<1x64xf32>
    %div3A_123 = vector.broadcast %sqrt3A_122 : vector<1x64xf32> to vector<64x64xf32>
    %div3A_124 = arith.divf %sub3A_118, %div3A_123 : vector<64x64xf32>
    %mul3A_125 = vector.broadcast %get3A_98 : vector<1x64xf32> to vector<64x64xf32>
    %mul3A_126 = arith.mulf %div3A_124, %mul3A_125 : vector<64x64xf32>
    %add3A_127 = vector.broadcast %get3A_101 : vector<1x64xf32> to vector<64x64xf32>
    %add3A_128 = arith.addf %mul3A_126, %add3A_127 : vector<64x64xf32>
    %max3A_129 = arith.constant 0.000000e+00 : f32
    %max3A_130 = vector.broadcast %max3A_129 : f32 to vector<64x64xf32>
    %max3A_131 = arith.maximumf %add3A_128, %max3A_130 : vector<64x64xf32>
    %get3A_132 = arith.constant 0 : index
    %get3A_133 = arith.constant 0 : index
    %get3A_134 = vector.load %arg11[%get3A_132, %get3A_133] : memref<64x128xf32, #tpu.memory_space<vmem>>, vector<64x128xf32>
    %mul3A_135 = arith.constant 6.553700e+04 : f32
    %mul3A_136 = vector.broadcast %mul3A_135 : f32 to vector<64x64xf32>
    %mul3A_137 = arith.mulf %max3A_131, %mul3A_136 : vector<64x64xf32>
    %sub3A_138 = arith.subf %mul3A_137, %max3A_131 : vector<64x64xf32>
    %sub3A_139 = arith.subf %mul3A_137, %sub3A_138 : vector<64x64xf32>
    %sub3A_140 = arith.subf %max3A_131, %sub3A_139 : vector<64x64xf32>
    %mul3A_141 = arith.constant 6.553700e+04 : f32
    %mul3A_142 = vector.broadcast %mul3A_141 : f32 to vector<64x128xf32>
    %mul3A_143 = arith.mulf %get3A_134, %mul3A_142 : vector<64x128xf32>
    %sub3A_144 = arith.subf %mul3A_143, %get3A_134 : vector<64x128xf32>
    %sub3A_145 = arith.subf %mul3A_143, %sub3A_144 : vector<64x128xf32>
    %sub3A_146 = arith.subf %get3A_134, %sub3A_145 : vector<64x128xf32>
    %dot_general3A_147 = arith.constant dense<0.000000e+00> : vector<64x128xf32>
    %dot_general3A_148 = tpu.matmul %sub3A_139, %sub3A_145, %dot_general3A_147 {dimension_numbers = #tpu.dot_dimension_numbers<[1], [0], [0], [1], [0, 0, 1, 1], [], []>, transpose_lhs_hint = false} : vector<64x64xf32>, vector<64x128xf32>, vector<64x128xf32> -> vector<64x128xf32>
    %dot_general3A_149 = arith.constant dense<0.000000e+00> : vector<64x128xf32>
    %dot_general3A_150 = tpu.matmul %sub3A_139, %sub3A_146, %dot_general3A_149 {dimension_numbers = #tpu.dot_dimension_numbers<[1], [0], [0], [1], [0, 0, 1, 1], [], []>, transpose_lhs_hint = false} : vector<64x64xf32>, vector<64x128xf32>, vector<64x128xf32> -> vector<64x128xf32>
    %dot_general3A_151 = arith.constant dense<0.000000e+00> : vector<64x128xf32>
    %dot_general3A_152 = tpu.matmul %sub3A_140, %sub3A_145, %dot_general3A_151 {dimension_numbers = #tpu.dot_dimension_numbers<[1], [0], [0], [1], [0, 0, 1, 1], [], []>, transpose_lhs_hint = false} : vector<64x64xf32>, vector<64x128xf32>, vector<64x128xf32> -> vector<64x128xf32>
    %add3A_153 = arith.addf %dot_general3A_150, %dot_general3A_152 : vector<64x128xf32>
    %add3A_154 = arith.addf %dot_general3A_148, %add3A_153 : vector<64x128xf32>
    %get3A_155 = arith.constant 0 : index
    %get3A_156 = arith.constant 0 : index
    %get3A_157 = vector.load %arg12[%get3A_155, %get3A_156] : memref<1x128xf32, #tpu.memory_space<vmem>>, vector<1x128xf32>
    %add3A_158 = vector.broadcast %get3A_157 : vector<1x128xf32> to vector<64x128xf32>
    %add3A_159 = arith.addf %add3A_154, %add3A_158 : vector<64x128xf32>
    %swap3A = arith.constant 0 : index
    %swap3A_160 = arith.constant 0 : index
    %swap3A_161 = vector.load %arg13[%swap3A, %swap3A_160] : memref<64x128xf32, #tpu.memory_space<vmem>>, vector<64x128xf32>
    tpu.vector_store %arg13[%swap3A, %swap3A_160], %add3A_159 {strides = array<i32>} : memref<64x128xf32, #tpu.memory_space<vmem>>, vector<64x128xf32>,
    return
  }
}

</mosaic_0001>

<sc_bundles>
// kernel: kernel.12.cloned.1.call-start
scs
__scs_entry_jumppad:
0x0: {  	(pc) =	sbr.rel $0x88, $3  }
0x1: {  	(tag) =	ssettag $0x0;
	lr =	simm.s32 $0x1  }
0x2: {  	[smem:$0x3F80] =	sst lr;
	_ =	strace $0xD0000000  }
0x3: {  	_ = 	snop  }
0x4: {  	_ = 	snop  }
0x5: {  	_ = 	snop  }
0x6: {  	_ = 	snop  }
0x7: {  	_ = 	snop  }
__scs_overlays_trampoline_lowered:
0x8: {  	[smem:$0x3F8F] =	sst s0  }
0x9: {  	[smem:$0x3F90] =	sst s1  }
0xa: {  	[smem:$0x3F91] =	sst s2  }
0xb: {  	[smem:$0x3F92] =	sst s3  }
0xc: {  	[smem:$0x3F93] =	sst s4  }
0xd: {  	[smem:$0x3F94] =	sst s5  }
0xe: {  	[smem:$0x3F95] =	sst s6  }
0xf: {  	[smem:$0x3F96] =	sst s7  }
0x10: {  	[smem:$0x3F97] =	sst s8  }
0x11: {  	[smem:$0x3F98] =	sst s9;
	s0 =	simm.s32 @!p0 $0x0  }
0x12: {  	s1 =	sld [smem:$0x3F7E];
	s0 =	simm.s32 @p0 $0x1  }
0x13: {  	[smem:$0x3F99] =	sst s0;
	s0 =	simm.s32 @!p1 $0x0  }
0x14: {  	s2 =	sld [smem:$0x3F7D];
	s0 =	simm.s32 @p1 $0x1  }
0x15: {  	[smem:$0x3F9A] =	sst s0;
	s0 =	simm.s32 @!p2 $0x0  }
0x16: {  	s3 =	sld [smem:$0x3FDB];
	s0 =	simm.s32 @p2 $0x1  }
0x17: {  	s4 =	simm.s32 $0x1BF5;
	[smem:$0x3F9C] =	sst s0  }
0x18: {  	s0 =	sld [smem:$0x3F7F];
	_ =	swait.ge [sflag:s4], $0x0  }
0x19: {  	s7 =	sld [smem:$0x3F80]  }
0x1a: {  	s8 =	sadd.s32 $0xFFFFE003, lr  }
0x1b: {  	s9 =	sadd.s32 $0xFFFFFEF7, lr;
	s5 =	simm.s32 $0xFFFFFFFF;
	p2 =	slt.u32 s8, $0xFFFFF086  }
0x1c: {  	p1 =	slt.u32 s9, $0xF7A;
	s5 =	simm.s32 @!p2 $0x0  }
0x1d: {  	s5 =	simm.s32 @p1 $0x1;
	p0 =	seq.s32 s7, s2  }
0x1e: {  	s7 =	smul.u32 @!p0 $0xF7A, s2;
	p2 =	seq.s32 @!p0 s5, $0x0  }
0x1f: {  	s9 =	smul.u32 $0xF7A, s1;
	s8 =	simm.s32 @!p0 $0x1BF5;
	p2 =	por !p2, p0  }
0x20: {  	[sflag:s8] =	ssyncset.s32 @!p0 $0xFFFFF086;
	s6 =	sadd.s32 @!p0 s3, s7;
	s7 =	simm.s32 @!p0 $0x108  }
0x21: {  	s3 =	sadd.s32 s3, s9;
	s6 =	sadd.s32 @!p0 $0x88, s6;
	s7 =	simm.s32 @p2 $0x1082  }
0x22: {  	[simem:s7], [sflag:s8] =	dma.local @!p0 [hbm:s6], $0xF7A  }
0x23: {  	s9 =	sor.u32 $0xD0000000, s2;
	s6 =	simm.s32 $0x108;
	_ =	swait.ge @!p0 [sflag:s8], $0x0  }
0x24: {  	s3 =	sadd.s32 $0x88, s3;
	s6 =	simm.s32 @!p1 $0x1082;
	[sflag:s4] =	ssyncset.s32 $0xFFFFF086  }
0x25: {  	[simem:s6], [sflag:s4] =	dma.local [hbm:s3], $0xF7A  }
0x26: {  	[smem:$0x3F80] =	sst s1;
	(tag) =	ssettag s2;
	_ =	strace s9  }
0x27: {  	s1 =	sld [smem:$0x3F90]  }
0x28: {  	s2 =	sld [smem:$0x3F91]  }
0x29: {  	s4 =	sld [smem:$0x3F93]  }
0x2a: {  	p0 =	seq.s32 s5, $0x0;
	s5 =	sld [smem:$0x3F94]  }
0x2b: {  	s6 =	sld [smem:$0x3F95]  }
0x2c: {  	s7 =	sld [smem:$0x3F96]  }
0x2d: {  	s3 =	simm.s32 $0x108;
	s8 =	sld [smem:$0x3F97]  }
0x2e: {  	s3 =	simm.s32 @!p0 $0x1082;
	s9 =	sld [smem:$0x3F98]  }
0x2f: {  	lr =	sadd.s32 s0, s3;
	s0 =	sld [smem:$0x3F8F]  }
0x30: {  	s3 =	sld [smem:$0x3F92]  }
0x31: {  	[smem:$0x3F9B] =	sst s10  }
0x32: {  	s10 =	sld [smem:$0x3F99];
	_ =	sdelay $0x3  }
0x33: {  	p0 =	seq.s32 s10, $0x1;
	s10 =	sld [smem:$0x3F9B];
	_ =	sdelay $0x3  }
0x34: {  	[smem:$0x3F9B] =	sst s10  }
0x35: {  	s10 =	sld [smem:$0x3F9A];
	_ =	sdelay $0x3  }
0x36: {  	p1 =	seq.s32 s10, $0x1;
	s10 =	sld [smem:$0x3F9B];
	_ =	sdelay $0x3  }
0x37: {  	[smem:$0x3F9B] =	sst s10  }
0x38: {  	s10 =	sld [smem:$0x3F9C]  }
0x39: {  	_ = 	snop;
	(pc) =	sbr.ind lr, $3  }
0x3a: {  	_ = 	snop  }
0x3b: {  	_ = 	snop  }
0x3c: {  	p2 =	seq.s32 s10, $0x1;
	s10 =	sld [smem:$0x3F9B]  }
0x3d: {  	_ =	shalt  }
0x3e: {  	_ =	shalt  }
0x3f: {  	_ =	shalt  }
0x40: {  	_ =	shalt  }
0x41: {  	_ =	shalt  }
0x42: {  	_ =	shalt  }
0x43: {  	_ =	shalt  }
0x44: {  	_ =	shalt  }
0x45: {  	_ =	shalt  }
0x46: {  	_ =	shalt  }
0x47: {  	_ =	shalt  }
0x48: {  	_ =	shalt  }
0x49: {  	_ =	shalt  }
0x4a: {  	_ =	shalt  }
0x4b: {  	_ =	shalt  }
0x4c: {  	_ =	shalt  }
0x4d: {  	_ =	shalt  }
0x4e: {  	_ =	shalt  }
0x4f: {  	_ =	shalt  }
0x50: {  	_ =	shalt  }
0x51: {  	_ =	shalt  }
0x52: {  	_ =	shalt  }
0x53: {  	_ =	shalt  }
0x54: {  	_ =	shalt  }
0x55: {  	_ =	shalt  }
0x56: {  	_ =	shalt  }
0x57: {  	_ =	shalt  }
0x58: {  	_ =	shalt  }
0x59: {  	_ =	shalt  }
0x5a: {  	_ =	shalt  }
0x5b: {  	_ =	shalt  }
0x5c: {  	_ =	shalt  }
0x5d: {  	_ =	shalt  }
0x5e: {  	_ =	shalt  }
0x5f: {  	_ =	shalt  }
0x60: {  	_ =	shalt  }
0x61: {  	_ =	shalt  }
0x62: {  	_ =	shalt  }
0x63: {  	_ =	shalt  }
0x64: {  	_ =	shalt  }
0x65: {  	_ =	shalt  }
0x66: {  	_ =	shalt  }
0x67: {  	_ =	shalt  }
0x68: {  	_ =	shalt  }
0x69: {  	_ =	shalt  }
0x6a: {  	_ =	shalt  }
0x6b: {  	_ =	shalt  }
0x6c: {  	_ =	shalt  }
0x6d: {  	_ =	shalt  }
0x6e: {  	_ =	shalt  }
0x6f: {  	_ =	shalt  }
0x70: {  	_ =	shalt  }
0x71: {  	_ =	shalt  }
0x72: {  	_ =	shalt  }
0x73: {  	_ =	shalt  }
0x74: {  	_ =	shalt  }
0x75: {  	_ =	shalt  }
0x76: {  	_ =	shalt  }
0x77: {  	_ =	shalt  }
0x78: {  	_ =	shalt  }
0x79: {  	_ =	shalt  }
0x7a: {  	_ =	shalt  }
0x7b: {  	_ =	shalt  }
0x7c: {  	_ =	shalt  }
0x7d: {  	_ =	shalt  }
0x7e: {  	_ =	shalt  }
0x7f: {  	_ =	shalt  }
0x80: {  	_ =	shalt  }
0x81: {  	_ =	shalt  }
0x82: {  	_ =	shalt  }
0x83: {  	_ =	shalt  }
0x84: {  	_ =	shalt  }
0x85: {  	_ =	shalt  }
0x86: {  	_ =	shalt  }
0x87: {  	_ =	shalt  }
.Lfunc_end0:
.L_simem_size_0:
called_computation_lowered:
.L_overlay_start_0:
0x88: {  	s2 =	sld [smem:$0x3FD9]  }
0x89: {  	s3 =	sld [smem:$0x3FFE];
	_ =	sdelay $0x1  }
0x8a: {  	s1 =	srdreg.scid  }
0x8b: {  	s0 =	sand.u32 $0x1, s1  }
0x8c: {  	s16 =	sshll.u32 s0, $0xA;
	s2 =	sadd.s32 s3, s2  }
0x8d: {  	s2 =	sadd.s32 s2, s16  }
0x8e: {  	[smem:$0x3FA7] =	sst s2  }
0x8f: {  	_ = 	snop  }
0x90: {  	(tm) =	ssettm $0x1  }
0x91: {  	s17 =	sld [smem:$0x3FFB];
	_ =	sdelay $0x3  }
0x92: {  	_ =	strace s17  }
0x93: {  	s2 =	sld [smem:$0x3FFC];
	_ =	sdelay $0x3  }
0x94: {  	_ =	strace s2  }
0x95: {  	s2 =	sld [smem:$0x3FFD];
	_ =	sdelay $0x3  }
0x96: {  	_ =	strace s2  }
0x97: {  	_ =	strace $0x8FFFFFFF  }
0x98: {  	s18 =	sld [smem:$0x3FDB];
	_ =	sdelay $0x1  }
0x99: {  	s19 =	simm.s32 $_scs_section_size  }
0x9a: {  	s4 =	simm.s32 $_size__tile_overlayer_lowered;
	s5 =	simm.s32 $_tile_overlayer_lowered  }
0x9b: {  	s22 =	simm.s32 $0x1BFF;
	s21 =	sshll.u32 s5, $0x1;
	s2 =	sadd.s32 s19, s18  }
0x9c: {  	s6 =	simm.s32 $0x0;
	s20 =	sshll.u32 s4, $0x1;
	s4 =	sadd.s32 s21, s2  }
0x9d: {  	[timem:s6], [sflag:s22] =	dma.local [hbm:s4], s20  }
0x9e: {  	_ =	swait.ge [sflag:s22], s20  }
0x9f: {  	s3 =	ssub.s32 $0x0, s20;
	[sflag:s22] =	ssyncset.done $0x0  }
0xa0: {  	[sflag:s22] =	ssyncadd.s32 s3;
	_ =	sdelay $0x1  }
0xa1: {  	s23 =	simm.s32 $0x1B8B  }
0xa2: {  	_ =	swait.ge [sflag:s23], $0x1  }
0xa3: {  	[sflag:s23] =	ssyncset.done $0x0  }
0xa4: {  	s25 =	simm.s32 $0x1B8E;
	s24 =	sld [smem:$0x3FFE];
	[sflag:s23] =	ssyncadd.s32 $0xFFFFFFFF  }
0xa5: {  	s26 =	simm.s32 $execute0_lowered;
	[smem:$0x3FD2] =	sst s25  }
0xa6: {  	s4 =	sshll.u32 s26, $0x1;
	_ =	strace $0x80000046;
	[dreg:$0x1] =	wrdreg $0xFFFFFFFF  }
0xa7: {  	s28 =	simm.s32 $_size_execute0_lowered;
	s2 =	sadd.s32 s2, s4;
	[dreg:$0x0] =	wrdreg $0x0  }
0xa8: {  	s4 =	sshll.u32 s28, $0x1;
	[dreg:$0x2] =	wrdreg s2  }
0xa9: {  	[dreg:$0x3] =	wrdreg s4  }
0xaa: {  	[dreg:$0x4] =	wrdreg $0xC0  }
0xab: {  	_ =	task [dreg:s6], $0x5FFFF  }
0xac: {  	[dreg:$0x1] =	wrdreg $0xFFFFFFFF  }
0xad: {  	[dreg:$0x0] =	wrdreg $0x60  }
0xae: {  	[dreg:$0x2] =	wrdreg s24  }
0xaf: {  	[dreg:$0x3] =	wrdreg $0xE0000  }
0xb0: {  	[dreg:$0x4] =	wrdreg $0x9  }
0xb1: {  	_ =	task.clear_ibuf [dreg:s6], $0x5FFFF;
	_ =	strace $0x90000046  }
0xb2: {  	s29 =	simm.s32 $0x9;
	_ =	strace $0x80000048  }
0xb3: {  	_ =	swait.ge [sflag:s29], $0x1  }
0xb4: {  	[sflag:s29] =	ssyncadd.s32 $0xFFFFFFFF  }
0xb5: {  	_ =	strace $0x90000048  }
0xb6: {  	_ =	sfence  }
0xb7: {  	s30 =	sld [smem:$0x0];
	_ =	sdelay $0x2  }
0xb8: {  	s31 =	sshll.u32 s1, $0xD;
	s1 =	sshrl.u32 s1, $0x2  }
0xb9: {  	s3 =	sand.u32 $0x4000, s31;
	s1 =	sadd.s32 s1, s30  }
0xba: {  	s0 =	sor.u32 s3, s0;
	s1 =	sshll.u32 s1, $0x11  }
0xbb: {  	s0 =	sor.u32 s1, s0  }
0xbc: {  	s0 =	sadd.s32 $0x8F2B, s0  }
0xbd: {  	[sflag:s0] =	ssyncadd.remote.s32 $0x1  }
0xbe: {  	_ =	sfence.sel $0xFFFF  }
0xbf: {  	[dreg:$0x0] =	wrdreg $0xFFFFFFFF;
	(pc) =	sbr.abs _section_cstart, $3  }
0xc0: {  	[dreg:$0x1] =	wrdreg $0xFFFFFFFF  }
0xc1: {  	_ =	task.clear_ibuf [dreg:s6], $0x2FFFF;
	_ =	strace $0x9FFFFFFF  }
0xc2: {  	(tm) =	ssettm $0x7FFFFFFF  }
0xc3: {  	_ =	shalt  }
tec
execute0_lowered:
.L_overlay_start_1:
0x0: {  	(tag) =	ssettag $0x1  }
0x1: {  	s1 =	srdreg.scid  }
0x2: {  	s1 =	sand.u32 $0x1, s1  }
0x3: {  	p0 =	seq.s32 s1, $0x1  }
.Ltmp0:
0x4: {  	_ = 	snop;
	(pc) =	sbr.rel @p0 .LBB2_10-.Ltmp0, $4  }
0x5: {  	s4 =	rddreg [dreg:$0x0]  }
0x6: {  	s2 =	rddreg [dreg:$0x1];
	s5 =	simm.s32 $0x0  }
0x7: {  	[smem:$0x7FF] =	sst s5  }
0x8: {  	s0 =	rddreg [dreg:$0x2];
	_ =	strace $0x80000047;
	s1 =	stileid.u32  }
0x9: {  	s3 =	smul.u32 $0xA00, s1  }
0xa: {  	s6 =	sadd.s32 $0x11E00, s4  }
0xb: {  	s8 =	simm.s32 $0x1;
	s6 =	sadd.s32 s6, s3  }
0xc: {  	[tilespmem:s5], [sflag:$0x1] =	stream.linear.gather [hbm4b:s6+s5], $0x5000, $0x38;
	[tilespmem:$0x18000] =	vst v63  }
0xd: {  	_ =	swait.ge [sflag:s8], $0x5000  }
0xe: {  	s21 =	sadd.s32 $0x7E00, s4;
	[sflag:s8] =	ssyncset.done $0x0  }
0xf: {  	s22 =	simm.s32 $0x5000;
	s3 =	sadd.s32 s21, s3;
	[sflag:s8] =	ssyncadd.s32 $0xFFFFB000  }
0x10: {  	[tilespmem:s22], [sflag:$0x1] =	stream.linear.gather [hbm4b:s3+s5], $0x5000, $0x38;
	[tilespmem:$0x18000] =	vst v63  }
0x11: {  	_ =	swait.ge [sflag:s8], $0x5000  }
0x12: {  	s23 =	sadd.s32 $0x1C200, s4;
	s15 =	simm.s32 $0xA000;
	[sflag:s8] =	ssyncset.done $0x0  }
0x13: {  	s24 =	sshll.u32 s1, $0x10;
	p0 =	sgt.u32 s1, $0x9;
	[sflag:s8] =	ssyncadd.s32 $0xFFFFB000  }
0x14: {  	[tilespmem:s15], [sflag:$0x1] =	stream.linear.gather [hbm4b:s23+s5], $0x4000, $0x38;
	[tilespmem:$0x18000] =	vst v63  }
0x15: {  	s16 =	simm.s32 @!p0 $0x1;
	s6 =	sadd.s32 s24, s2;
	_ =	swait.ge [sflag:s8], $0x4000  }
0x16: {  	s7 =	sshrl.u32 @!p0 s6, $0x3;
	s5 =	sshll.u32 @!p0 s1, $0x6;
	[sflag:s8] =	ssyncset.done $0x0  }
0x17: {  	s3 =	sadd.s32 $0x1BE00, s4;
	s5 =	sor.u32 @!p0 $0x1C01, s5;
	[sflag:s8] =	ssyncadd.s32 $0xFFFFC000  }
0x18: {  	[spmem:s7], [sflag:s5] =	dma.local @!p0 [hbm:s3], $0x400  }
0x19: {  	_ =	swait.ge @!p0 [sflag:s16], $0x400  }
0x1a: {  	s7 =	sadd.s32 $0x2000, s6;
	[sflag:s16] =	ssyncset.done @!p0 $0x0  }
0x1b: {  	s9 =	sshrl.u32 @!p0 s7, $0x3;
	[sflag:s16] =	ssyncadd.s32 @!p0 $0xFFFFFC00  }
0x1c: {  	[spmem:s9], [sflag:s5] =	dma.local @!p0 [hbm:s3], $0x400  }
0x1d: {  	_ =	swait.ge @!p0 [sflag:s16], $0x400  }
0x1e: {  	s9 =	sadd.s32 $0x4000, s6;
	[sflag:s16] =	ssyncset.done @!p0 $0x0  }
0x1f: {  	s10 =	sshrl.u32 @!p0 s9, $0x3;
	[sflag:s16] =	ssyncadd.s32 @!p0 $0xFFFFFC00  }
0x20: {  	[spmem:s10], [sflag:s5] =	dma.local @!p0 [hbm:s3], $0x400  }
0x21: {  	_ =	swait.ge @!p0 [sflag:s16], $0x400  }
0x22: {  	s10 =	sadd.s32 $0x6000, s6;
	[sflag:s16] =	ssyncset.done @!p0 $0x0  }
0x23: {  	s11 =	sshrl.u32 @!p0 s10, $0x3;
	[sflag:s16] =	ssyncadd.s32 @!p0 $0xFFFFFC00  }
0x24: {  	[spmem:s11], [sflag:s5] =	dma.local @!p0 [hbm:s3], $0x400  }
0x25: {  	_ =	swait.ge @!p0 [sflag:s16], $0x400  }
0x26: {  	s11 =	sadd.s32 $0x8000, s6;
	[sflag:s16] =	ssyncset.done @!p0 $0x0  }
0x27: {  	s12 =	sshrl.u32 @!p0 s11, $0x3;
	[sflag:s16] =	ssyncadd.s32 @!p0 $0xFFFFFC00  }
0x28: {  	[spmem:s12], [sflag:s5] =	dma.local @!p0 [hbm:s3], $0x400  }
0x29: {  	_ =	swait.ge @!p0 [sflag:s16], $0x400  }
0x2a: {  	s12 =	sadd.s32 $0xA000, s6;
	[sflag:s16] =	ssyncset.done @!p0 $0x0  }
0x2b: {  	s13 =	sshrl.u32 @!p0 s12, $0x3;
	[sflag:s16] =	ssyncadd.s32 @!p0 $0xFFFFFC00  }
0x2c: {  	[spmem:s13], [sflag:s5] =	dma.local @!p0 [hbm:s3], $0x400  }
0x2d: {  	_ =	swait.ge @!p0 [sflag:s16], $0x400  }
0x2e: {  	s13 =	sadd.s32 $0xC000, s6;
	[sflag:s16] =	ssyncset.done @!p0 $0x0  }
0x2f: {  	s14 =	sshrl.u32 @!p0 s13, $0x3;
	[sflag:s16] =	ssyncadd.s32 @!p0 $0xFFFFFC00  }
0x30: {  	[spmem:s14], [sflag:s5] =	dma.local @!p0 [hbm:s3], $0x400  }
0x31: {  	_ =	swait.ge @!p0 [sflag:s16], $0x400  }
0x32: {  	s14 =	sadd.s32 $0xE000, s6;
	[sflag:s16] =	ssyncset.done @!p0 $0x0  }
0x33: {  	s17 =	smul.u32 $0x7D000, s1;
	s18 =	sshrl.u32 @!p0 s14, $0x3;
	[sflag:s16] =	ssyncadd.s32 @!p0 $0xFFFFFC00  }
0x34: {  	[spmem:s18], [sflag:s5] =	dma.local @!p0 [hbm:s3], $0x400  }
0x35: {  	s26 =	smul.u32 $0x1F400, s1;
	s28 =	sadd.s32 $0x1CA00, s4;
	_ =	swait.ge @!p0 [sflag:s16], $0x400  }
0x36: {  	s29 =	smul.u32 $0x3E80, s1;
	s30 =	simm.s32 $0x0;
	[sflag:s16] =	ssyncset.done @!p0 $0x0  }
0x37: {  	s25 =	sshrl.u32 s17, $0x2;
	s19 =	sshrl.u32 s26, $0x3;
	[sflag:s16] =	ssyncadd.s32 @!p0 $0xFFFFFC00  }
0x38: {  	s17 =	simm.s32 $0x80;
	s31 =	sadd.s32 s28, s19;
	[bflag:$0x0] =	sbarrier.arrive $0xFFFF  }
0x39: {  	[spmem:s2] =	stream.indirect.scatter.add.f32 [tilespmem:s15], [sflag:$0x1], $0x80, s30, s17, $0xb8;
	[tilespmem:$0x18000] =	vst v63  }
0x3a: {  	s4 =	sadd.s32 s25, s2;
	s5 =	sadd.s32 $0x13880, s31;
	_ =	swait.ge [sflag:s8], $0x4000  }
0x3b: {  	s18 =	simm.s32 $0x200;
	s16 =	sadd.s32 s28, s29;
	[sflag:s8] =	ssyncset.done $0x0  }
.LBB2_2:
0x3c: {  	s19 =	sshra.s32 s18, $0x2;
	[sflag:s8] =	ssyncadd.s32 $0xFFFFC000;
	p1 =	sne.s32 s18, $0x13E00  }
0x3d: {  	[spmem:s2] =	stream.indirect.scatter.add.f32 [tilespmem:s15], [sflag:$0x1], $0x80, s19, s17, $0xb8;
	[tilespmem:$0x18000] =	vst v63  }
.Ltmp1:
0x3e: {  	_ = 	snop;
	(pc) =	sbr.rel @p1 .LBB2_2-.Ltmp1, $4  }
0x3f: {  	_ = 	snop  }
0x40: {  	s18 =	sadd.s32 $0x200, s18  }
0x41: {  	_ =	swait.ge [sflag:s8], $0x4000  }
0x42: {  	[sflag:s8] =	ssyncset.done $0x0  }
0x43: {  	p1 =	sgt.u32 s1, $0x4  }
.Ltmp2:
0x44: {  	_ = 	snop;
	(pc) =	sbr.rel @p1 .LBB2_5-.Ltmp2, $4  }
0x45: {  	_ = 	snop  }
0x46: {  	[sflag:s8] =	ssyncadd.s32 $0xFFFFC000  }
0x47: {  	s31 =	sshll.u32 s1, $0x6;
	[bflag:$0x0] =	sbarrier.arrive $0xFFFF  }
0x48: {  	s8 =	sor.u32 $0x1C01, s31  }
0x49: {  	s15 =	sshrl.u32 s4, $0x3;
	s31 =	simm.s32 $0x1  }
0x4a: {  	[hbm:s16], [sflag:s8] =	dma.local [spmem:s15], $0x3E80  }
.Ltmp3:
0x4b: {  	_ =	swait.ge [sflag:s31], $0x3E80;
	(pc) =	sbr.rel .LBB2_6-.Ltmp3, $3  }
0x4c: {  	[sflag:s31] =	ssyncset.done $0x0  }
0x4d: {  	[sflag:s31] =	ssyncadd.s32 $0xFFFFC180  }
0x4e: {  	[bflag:$0x0] =	sbarrier.arrive $0xFFFF;
	_ =	sdelay $0x1  }
.LBB2_5:
.Ltmp4:
0x4f: {  	(pc) =	sbr.rel @p0 .LBB2_7-.Ltmp4, $2  }
0x50: {  	_ =	sdelay $0x1  }
0x51: {  	[bflag:$0x0] =	sbarrier.arrive $0xFFFF;
	_ =	sdelay $0x1  }
.LBB2_6:
0x52: {  	s6 =	sshrl.u32 s6, $0x3;
	s24 =	simm.s32 $0x1  }
0x53: {  	[spmem:s6], [sflag:s8] =	dma.local [hbm:s3], $0x400  }
0x54: {  	_ =	swait.ge [sflag:s24], $0x400  }
0x55: {  	[sflag:s24] =	ssyncset.done $0x0  }
0x56: {  	s7 =	sshrl.u32 s7, $0x3;
	[sflag:s24] =	ssyncadd.s32 $0xFFFFFC00  }
0x57: {  	[spmem:s7], [sflag:s8] =	dma.local [hbm:s3], $0x400  }
0x58: {  	_ =	swait.ge [sflag:s24], $0x400  }
0x59: {  	[sflag:s24] =	ssyncset.done $0x0  }
0x5a: {  	s25 =	sshrl.u32 s9, $0x3;
	[sflag:s24] =	ssyncadd.s32 $0xFFFFFC00  }
0x5b: {  	[spmem:s25], [sflag:s8] =	dma.local [hbm:s3], $0x400  }
0x5c: {  	_ =	swait.ge [sflag:s24], $0x400  }
0x5d: {  	[sflag:s24] =	ssyncset.done $0x0  }
0x5e: {  	s26 =	sshrl.u32 s10, $0x3;
	[sflag:s24] =	ssyncadd.s32 $0xFFFFFC00  }
0x5f: {  	[spmem:s26], [sflag:s8] =	dma.local [hbm:s3], $0x400  }
0x60: {  	_ =	swait.ge [sflag:s24], $0x400  }
0x61: {  	[sflag:s24] =	ssyncset.done $0x0  }
0x62: {  	s28 =	sshrl.u32 s11, $0x3;
	[sflag:s24] =	ssyncadd.s32 $0xFFFFFC00  }
0x63: {  	[spmem:s28], [sflag:s8] =	dma.local [hbm:s3], $0x400  }
0x64: {  	_ =	swait.ge [sflag:s24], $0x400  }
0x65: {  	[sflag:s24] =	ssyncset.done $0x0  }
0x66: {  	s29 =	sshrl.u32 s12, $0x3;
	[sflag:s24] =	ssyncadd.s32 $0xFFFFFC00  }
0x67: {  	[spmem:s29], [sflag:s8] =	dma.local [hbm:s3], $0x400  }
0x68: {  	_ =	swait.ge [sflag:s24], $0x400  }
0x69: {  	[sflag:s24] =	ssyncset.done $0x0  }
0x6a: {  	s30 =	sshrl.u32 s13, $0x3;
	[sflag:s24] =	ssyncadd.s32 $0xFFFFFC00  }
0x6b: {  	[spmem:s30], [sflag:s8] =	dma.local [hbm:s3], $0x400  }
0x6c: {  	_ =	swait.ge [sflag:s24], $0x400  }
0x6d: {  	[sflag:s24] =	ssyncset.done $0x0  }
0x6e: {  	s31 =	sshrl.u32 s14, $0x3;
	[sflag:s24] =	ssyncadd.s32 $0xFFFFFC00  }
0x6f: {  	[spmem:s31], [sflag:s8] =	dma.local [hbm:s3], $0x400  }
0x70: {  	_ =	swait.ge [sflag:s24], $0x400  }
0x71: {  	[sflag:s24] =	ssyncset.done $0x0  }
0x72: {  	[sflag:s24] =	ssyncadd.s32 $0xFFFFFC00  }
.LBB2_7:
0x73: {  	[bflag:$0x0] =	sbarrier.arrive $0xFFFF  }
0x74: {  	s3 =	simm.s32 $0x80;
	s6 =	simm.s32 $0xA000;
	s7 =	simm.s32 $0x5000  }
0x75: {  	[spmem:s2] =	stream.indirect.scatter.add.f32 [tilespmem:s6], [sflag:$0x1], $0x80, s7, s3, $0xb8;
	[tilespmem:$0x18000] =	vst v63  }
0x76: {  	s7 =	simm.s32 $0x1  }
0x77: {  	s8 =	simm.s32 $0x200;
	_ =	swait.ge [sflag:s7], $0x4000  }
.LBB2_8:
0x78: {  	s9 =	sshra.s32 s8, $0x2;
	[sflag:s7] =	ssyncset.done $0x0;
	p0 =	sne.s32 s8, $0x13E00  }
.Ltmp5:
0x79: {  	s9 =	sadd.s32 $0x5000, s9;
	[sflag:s7] =	ssyncadd.s32 $0xFFFFC000;
	(pc) =	sbr.rel @p0 .LBB2_8-.Ltmp5, $3  }
0x7a: {  	[spmem:s2] =	stream.indirect.scatter.add.f32 [tilespmem:s6], [sflag:$0x1], $0x80, s9, s3, $0xb8;
	[tilespmem:$0x18000] =	vst v63  }
0x7b: {  	s8 =	sadd.s32 $0x200, s8;
	_ =	sdelay $0x1  }
0x7c: {  	_ =	swait.ge [sflag:s7], $0x4000  }
0x7d: {  	[sflag:s7] =	ssyncset.done $0x0  }
0x7e: {  	s2 =	sshll.u32 @!p1 s1, $0x6;
	[sflag:s7] =	ssyncadd.s32 $0xFFFFC000  }
0x7f: {  	s3 =	sshrl.u32 @!p1 s4, $0x3;
	s2 =	sor.u32 @!p1 $0x1C01, s2;
	[bflag:$0x0] =	sbarrier.arrive $0xFFFF  }
0x80: {  	[hbm:s5], [sflag:s2] =	dma.local @!p1 [spmem:s3], $0x3E80  }
0x81: {  	s2 =	simm.s32 @!p1 $0x1  }
0x82: {  	_ =	swait.ge @!p1 [sflag:s2], $0x3E80  }
0x83: {  	[sflag:s2] =	ssyncset.done @!p1 $0x0  }
0x84: {  	[sflag:s2] =	ssyncadd.s32 @!p1 $0xFFFFC180  }
0x85: {  	[bflag:$0x0] =	sbarrier.arrive $0xFFFF  }
.LBB2_10:
0x86: {  	_ =	sfence.sel $0x180000  }
0x87: {  	[bflag:$0x0] =	sbarrier.arrive $0xFFFF  }
0x88: {  	p0 =	sne.s32 s1, $0x0;
	_ =	strace $0x90000047  }
0x89: {  	s0 =	sadd.s32 @!p0 $0x100000, s0;
	[bflag:$0x2] =	sbarrier.arrive $0xFFFF  }
0x8a: {  	[sflag:s0] =	ssyncadd.tile.s32 @!p0 $0x1;
	_ =	shalt  }
.Lfunc_end2:
_tile_overlayer_lowered:
.L_overlay_start_2:
0x8b: {  	(tag) =	ssettag $0x2  }
0x8c: {  	s0 =	rddreg [dreg:$0x0];
	s2 =	stileid.u32  }
0x8d: {  	s1 =	rddreg [dreg:$0x1];
	p0 =	sne.s32 s2, $0x0  }
0x8e: {  	s3 =	rddreg [dreg:$0x2];
	[bflag:$0x3] =	sbarrier.arrive $0xFFFF;
	s2 =	simm.s32 @!p0 $0x1C01  }
0x8f: {  	[timem:s3], [sflag:s2] =	dma.local @!p0 [hbm:s0], s1  }
0x90: {  	s0 =	simm.s32 @!p0 $0x1  }
0x91: {  	_ =	swait.ge @!p0 [sflag:s0], s1  }
0x92: {  	s1 =	ssub.s32 @!p0 $0x0, s1;
	[sflag:s0] =	ssyncset.done @!p0 $0x0  }
0x93: {  	[sflag:s0] =	ssyncadd.s32 @!p0 s1  }
0x94: {  	[bflag:$0x3] =	sbarrier.arrive $0xFFFF  }
0x95: {  	_ =	shalt  }

// kernel: kernel.15.cloned.1.call-start
scs
__scs_entry_jumppad:
0x0: {  	(pc) =	sbr.rel $0x88, $3  }
0x1: {  	(tag) =	ssettag $0x0;
	lr =	simm.s32 $0x1  }
0x2: {  	[smem:$0x3F80] =	sst lr;
	_ =	strace $0xD0000000  }
0x3: {  	_ = 	snop  }
0x4: {  	_ = 	snop  }
0x5: {  	_ = 	snop  }
0x6: {  	_ = 	snop  }
0x7: {  	_ = 	snop  }
__scs_overlays_trampoline_lowered:
0x8: {  	[smem:$0x3F8F] =	sst s0  }
0x9: {  	[smem:$0x3F90] =	sst s1  }
0xa: {  	[smem:$0x3F91] =	sst s2  }
0xb: {  	[smem:$0x3F92] =	sst s3  }
0xc: {  	[smem:$0x3F93] =	sst s4  }
0xd: {  	[smem:$0x3F94] =	sst s5  }
0xe: {  	[smem:$0x3F95] =	sst s6  }
0xf: {  	[smem:$0x3F96] =	sst s7  }
0x10: {  	[smem:$0x3F97] =	sst s8  }
0x11: {  	[smem:$0x3F98] =	sst s9;
	s0 =	simm.s32 @!p0 $0x0  }
0x12: {  	s1 =	sld [smem:$0x3F7E];
	s0 =	simm.s32 @p0 $0x1  }
0x13: {  	[smem:$0x3F99] =	sst s0;
	s0 =	simm.s32 @!p1 $0x0  }
0x14: {  	s2 =	sld [smem:$0x3F7D];
	s0 =	simm.s32 @p1 $0x1  }
0x15: {  	[smem:$0x3F9A] =	sst s0;
	s0 =	simm.s32 @!p2 $0x0  }
0x16: {  	s3 =	sld [smem:$0x3FDB];
	s0 =	simm.s32 @p2 $0x1  }
0x17: {  	s4 =	simm.s32 $0x1BF5;
	[smem:$0x3F9C] =	sst s0  }
0x18: {  	s0 =	sld [smem:$0x3F7F];
	_ =	swait.ge [sflag:s4], $0x0  }
0x19: {  	s7 =	sld [smem:$0x3F80]  }
0x1a: {  	s8 =	sadd.s32 $0xFFFFE003, lr  }
0x1b: {  	s9 =	sadd.s32 $0xFFFFFEF7, lr;
	s5 =	simm.s32 $0xFFFFFFFF;
	p2 =	slt.u32 s8, $0xFFFFF086  }
0x1c: {  	p1 =	slt.u32 s9, $0xF7A;
	s5 =	simm.s32 @!p2 $0x0  }
0x1d: {  	s5 =	simm.s32 @p1 $0x1;
	p0 =	seq.s32 s7, s2  }
0x1e: {  	s7 =	smul.u32 @!p0 $0xF7A, s2;
	p2 =	seq.s32 @!p0 s5, $0x0  }
0x1f: {  	s9 =	smul.u32 $0xF7A, s1;
	s8 =	simm.s32 @!p0 $0x1BF5;
	p2 =	por !p2, p0  }
0x20: {  	[sflag:s8] =	ssyncset.s32 @!p0 $0xFFFFF086;
	s6 =	sadd.s32 @!p0 s3, s7;
	s7 =	simm.s32 @!p0 $0x108  }
0x21: {  	s3 =	sadd.s32 s3, s9;
	s6 =	sadd.s32 @!p0 $0x88, s6;
	s7 =	simm.s32 @p2 $0x1082  }
0x22: {  	[simem:s7], [sflag:s8] =	dma.local @!p0 [hbm:s6], $0xF7A  }
0x23: {  	s9 =	sor.u32 $0xD0000000, s2;
	s6 =	simm.s32 $0x108;
	_ =	swait.ge @!p0 [sflag:s8], $0x0  }
0x24: {  	s3 =	sadd.s32 $0x88, s3;
	s6 =	simm.s32 @!p1 $0x1082;
	[sflag:s4] =	ssyncset.s32 $0xFFFFF086  }
0x25: {  	[simem:s6], [sflag:s4] =	dma.local [hbm:s3], $0xF7A  }
0x26: {  	[smem:$0x3F80] =	sst s1;
	(tag) =	ssettag s2;
	_ =	strace s9  }
0x27: {  	s1 =	sld [smem:$0x3F90]  }
0x28: {  	s2 =	sld [smem:$0x3F91]  }
0x29: {  	s4 =	sld [smem:$0x3F93]  }
0x2a: {  	p0 =	seq.s32 s5, $0x0;
	s5 =	sld [smem:$0x3F94]  }
0x2b: {  	s6 =	sld [smem:$0x3F95]  }
0x2c: {  	s7 =	sld [smem:$0x3F96]  }
0x2d: {  	s3 =	simm.s32 $0x108;
	s8 =	sld [smem:$0x3F97]  }
0x2e: {  	s3 =	simm.s32 @!p0 $0x1082;
	s9 =	sld [smem:$0x3F98]  }
0x2f: {  	lr =	sadd.s32 s0, s3;
	s0 =	sld [smem:$0x3F8F]  }
0x30: {  	s3 =	sld [smem:$0x3F92]  }
0x31: {  	[smem:$0x3F9B] =	sst s10  }
0x32: {  	s10 =	sld [smem:$0x3F99];
	_ =	sdelay $0x3  }
0x33: {  	p0 =	seq.s32 s10, $0x1;
	s10 =	sld [smem:$0x3F9B];
	_ =	sdelay $0x3  }
0x34: {  	[smem:$0x3F9B] =	sst s10  }
0x35: {  	s10 =	sld [smem:$0x3F9A];
	_ =	sdelay $0x3  }
0x36: {  	p1 =	seq.s32 s10, $0x1;
	s10 =	sld [smem:$0x3F9B];
	_ =	sdelay $0x3  }
0x37: {  	[smem:$0x3F9B] =	sst s10  }
0x38: {  	s10 =	sld [smem:$0x3F9C]  }
0x39: {  	_ = 	snop;
	(pc) =	sbr.ind lr, $3  }
0x3a: {  	_ = 	snop  }
0x3b: {  	_ = 	snop  }
0x3c: {  	p2 =	seq.s32 s10, $0x1;
	s10 =	sld [smem:$0x3F9B]  }
0x3d: {  	_ =	shalt  }
0x3e: {  	_ =	shalt  }
0x3f: {  	_ =	shalt  }
0x40: {  	_ =	shalt  }
0x41: {  	_ =	shalt  }
0x42: {  	_ =	shalt  }
0x43: {  	_ =	shalt  }
0x44: {  	_ =	shalt  }
0x45: {  	_ =	shalt  }
0x46: {  	_ =	shalt  }
0x47: {  	_ =	shalt  }
0x48: {  	_ =	shalt  }
0x49: {  	_ =	shalt  }
0x4a: {  	_ =	shalt  }
0x4b: {  	_ =	shalt  }
0x4c: {  	_ =	shalt  }
0x4d: {  	_ =	shalt  }
0x4e: {  	_ =	shalt  }
0x4f: {  	_ =	shalt  }
0x50: {  	_ =	shalt  }
0x51: {  	_ =	shalt  }
0x52: {  	_ =	shalt  }
0x53: {  	_ =	shalt  }
0x54: {  	_ =	shalt  }
0x55: {  	_ =	shalt  }
0x56: {  	_ =	shalt  }
0x57: {  	_ =	shalt  }
0x58: {  	_ =	shalt  }
0x59: {  	_ =	shalt  }
0x5a: {  	_ =	shalt  }
0x5b: {  	_ =	shalt  }
0x5c: {  	_ =	shalt  }
0x5d: {  	_ =	shalt  }
0x5e: {  	_ =	shalt  }
0x5f: {  	_ =	shalt  }
0x60: {  	_ =	shalt  }
0x61: {  	_ =	shalt  }
0x62: {  	_ =	shalt  }
0x63: {  	_ =	shalt  }
0x64: {  	_ =	shalt  }
0x65: {  	_ =	shalt  }
0x66: {  	_ =	shalt  }
0x67: {  	_ =	shalt  }
0x68: {  	_ =	shalt  }
0x69: {  	_ =	shalt  }
0x6a: {  	_ =	shalt  }
0x6b: {  	_ =	shalt  }
0x6c: {  	_ =	shalt  }
0x6d: {  	_ =	shalt  }
0x6e: {  	_ =	shalt  }
0x6f: {  	_ =	shalt  }
0x70: {  	_ =	shalt  }
0x71: {  	_ =	shalt  }
0x72: {  	_ =	shalt  }
0x73: {  	_ =	shalt  }
0x74: {  	_ =	shalt  }
0x75: {  	_ =	shalt  }
0x76: {  	_ =	shalt  }
0x77: {  	_ =	shalt  }
0x78: {  	_ =	shalt  }
0x79: {  	_ =	shalt  }
0x7a: {  	_ =	shalt  }
0x7b: {  	_ =	shalt  }
0x7c: {  	_ =	shalt  }
0x7d: {  	_ =	shalt  }
0x7e: {  	_ =	shalt  }
0x7f: {  	_ =	shalt  }
0x80: {  	_ =	shalt  }
0x81: {  	_ =	shalt  }
0x82: {  	_ =	shalt  }
0x83: {  	_ =	shalt  }
0x84: {  	_ =	shalt  }
0x85: {  	_ =	shalt  }
0x86: {  	_ =	shalt  }
0x87: {  	_ =	shalt  }
.Lfunc_end0:
.L_simem_size_0:
called_computation.1_lowered:
.L_overlay_start_0:
0x88: {  	s2 =	sld [smem:$0x3FD9]  }
0x89: {  	s3 =	sld [smem:$0x3FFE];
	_ =	sdelay $0x1  }
0x8a: {  	s1 =	srdreg.scid  }
0x8b: {  	s0 =	sand.u32 $0x1, s1  }
0x8c: {  	s16 =	sshll.u32 s0, $0xA;
	s2 =	sadd.s32 s3, s2  }
0x8d: {  	s2 =	sadd.s32 s2, s16  }
0x8e: {  	[smem:$0x3FA7] =	sst s2  }
0x8f: {  	_ = 	snop  }
0x90: {  	(tm) =	ssettm $0x1  }
0x91: {  	s17 =	sld [smem:$0x3FFB];
	_ =	sdelay $0x3  }
0x92: {  	_ =	strace s17  }
0x93: {  	s2 =	sld [smem:$0x3FFC];
	_ =	sdelay $0x3  }
0x94: {  	_ =	strace s2  }
0x95: {  	s2 =	sld [smem:$0x3FFD];
	_ =	sdelay $0x3  }
0x96: {  	_ =	strace s2  }
0x97: {  	_ =	strace $0x8FFFFFFF  }
0x98: {  	s18 =	sld [smem:$0x3FDB];
	_ =	sdelay $0x1  }
0x99: {  	s19 =	simm.s32 $_scs_section_size  }
0x9a: {  	s4 =	simm.s32 $_size__tile_overlayer_lowered;
	s5 =	simm.s32 $_tile_overlayer_lowered  }
0x9b: {  	s22 =	simm.s32 $0x1BFF;
	s21 =	sshll.u32 s5, $0x1;
	s2 =	sadd.s32 s19, s18  }
0x9c: {  	s6 =	simm.s32 $0x0;
	s20 =	sshll.u32 s4, $0x1;
	s4 =	sadd.s32 s21, s2  }
0x9d: {  	[timem:s6], [sflag:s22] =	dma.local [hbm:s4], s20  }
0x9e: {  	_ =	swait.ge [sflag:s22], s20  }
0x9f: {  	s3 =	ssub.s32 $0x0, s20;
	[sflag:s22] =	ssyncset.done $0x0  }
0xa0: {  	[sflag:s22] =	ssyncadd.s32 s3;
	_ =	sdelay $0x1  }
0xa1: {  	s23 =	simm.s32 $0x1B8B  }
0xa2: {  	_ =	swait.ge [sflag:s23], $0x1  }
0xa3: {  	[sflag:s23] =	ssyncset.done $0x0  }
0xa4: {  	s25 =	simm.s32 $0x1B8E;
	s24 =	sld [smem:$0x3FFE];
	[sflag:s23] =	ssyncadd.s32 $0xFFFFFFFF  }
0xa5: {  	s26 =	simm.s32 $execute0_lowered;
	[smem:$0x3FD2] =	sst s25  }
0xa6: {  	s4 =	sshll.u32 s26, $0x1;
	_ =	strace $0x80000049;
	[dreg:$0x1] =	wrdreg $0xFFFFFFFF  }
0xa7: {  	s28 =	simm.s32 $_size_execute0_lowered;
	s2 =	sadd.s32 s2, s4;
	[dreg:$0x0] =	wrdreg $0x0  }
0xa8: {  	s4 =	sshll.u32 s28, $0x1;
	[dreg:$0x2] =	wrdreg s2  }
0xa9: {  	[dreg:$0x3] =	wrdreg s4  }
0xaa: {  	[dreg:$0x4] =	wrdreg $0xC0  }
0xab: {  	_ =	task [dreg:s6], $0x5FFFF  }
0xac: {  	[dreg:$0x1] =	wrdreg $0xFFFFFFFF  }
0xad: {  	[dreg:$0x0] =	wrdreg $0x60  }
0xae: {  	[dreg:$0x2] =	wrdreg s24  }
0xaf: {  	[dreg:$0x3] =	wrdreg $0x130000  }
0xb0: {  	[dreg:$0x4] =	wrdreg $0x9  }
0xb1: {  	_ =	task.clear_ibuf [dreg:s6], $0x5FFFF;
	_ =	strace $0x90000049  }
0xb2: {  	s29 =	simm.s32 $0x9;
	_ =	strace $0x8000004B  }
0xb3: {  	_ =	swait.ge [sflag:s29], $0x1  }
0xb4: {  	[sflag:s29] =	ssyncadd.s32 $0xFFFFFFFF  }
0xb5: {  	_ =	strace $0x9000004B  }
0xb6: {  	_ =	sfence  }
0xb7: {  	s30 =	sld [smem:$0x0];
	_ =	sdelay $0x2  }
0xb8: {  	s31 =	sshll.u32 s1, $0xD;
	s1 =	sshrl.u32 s1, $0x2  }
0xb9: {  	s3 =	sand.u32 $0x4000, s31;
	s1 =	sadd.s32 s1, s30  }
0xba: {  	s0 =	sor.u32 s3, s0;
	s1 =	sshll.u32 s1, $0x11  }
0xbb: {  	s0 =	sor.u32 s1, s0  }
0xbc: {  	s0 =	sadd.s32 $0x8F2B, s0  }
0xbd: {  	[sflag:s0] =	ssyncadd.remote.s32 $0x1  }
0xbe: {  	_ =	sfence.sel $0xFFFF  }
0xbf: {  	[dreg:$0x0] =	wrdreg $0xFFFFFFFF;
	(pc) =	sbr.abs _section_cstart, $3  }
0xc0: {  	[dreg:$0x1] =	wrdreg $0xFFFFFFFF  }
0xc1: {  	_ =	task.clear_ibuf [dreg:s6], $0x2FFFF;
	_ =	strace $0x9FFFFFFF  }
0xc2: {  	(tm) =	ssettm $0x7FFFFFFF  }
0xc3: {  	_ =	shalt  }
tec
execute0_lowered:
.L_overlay_start_1:
0x0: {  	(tag) =	ssettag $0x1  }
0x1: {  	s0 =	rddreg [dreg:$0x0]  }
0x2: {  	s2 =	rddreg [dreg:$0x1];
	s3 =	simm.s32 $0x0  }
0x3: {  	s1 =	stileid.u32;
	s4 =	srdreg.scid;
	s29 =	simm.s32 $0x80  }
0x4: {  	s30 =	simm.s32 $0xF000;
	s31 =	simm.s32 $0x1;
	[smem:$0x7FF] =	sst s3  }
0x5: {  	s6 =	smul.u32 $0xA00, s1;
	s7 =	sand.u32 $0x1, s4;
	s4 =	sadd.s32 $0x1C200, s0  }
0x6: {  	s5 =	sadd.s32 $0x4DC00, s0;
	s14 =	sadd.s32 $0xC3200, s0;
	s22 =	smul.u32 $0x7D000, s1  }
0x7: {  	s15 =	sadd.s32 $0xEA400, s0;
	s23 =	smul.u32 $0x1F400, s1;
	s24 =	sshll.u32 s1, $0x10  }
0x8: {  	s25 =	smul.u32 $0x3E80, s1;
	p1 =	sgt.u32 s1, $0x9;
	p2 =	sgt.u32 s1, $0x4  }
0x9: {  	p3 =	slt.u32 s1, $0x5;
	_ =	strace $0x8000004A;
	s8 =	ssub.s32 $0x2, s7  }
0xa: {  	p0 =	seq.s32 s7, $0x1;
	s12 =	sadd.s32 s24, s2;
	[dreg:$0x3] =	wrdreg s14  }
0xb: {  	[dreg:$0x4] =	wrdreg s15;
	s9 =	sadd.s32 s6, s0;
	s6 =	sadd.s32 $0x1BE00, s0  }
0xc: {  	s10 =	sshrl.u32 s8, $0x1;
	s7 =	sshrl.u32 s23, $0x3;
	s26 =	sadd.s32 s14, s25  }
0xd: {  	s28 =	sadd.s32 s15, s25;
	s18 =	sadd.s32 $0x2000, s12;
	s23 =	sadd.s32 $0xC000, s12  }
0xe: {  	s24 =	sadd.s32 $0xE000, s12;
	s25 =	simm.s32 $0x2;
	s0 =	simm.s32 $0x0  }
0xf: {  	s19 =	ssub.s32 s8, s10;
	s20 =	sadd.s32 $0x43C00, s9;
	[dreg:$0x7] =	wrdreg s26  }
.Ltmp0:
0x10: {  	s21 =	sadd.s32 $0x11E00, s9;
	[dreg:$0x9] =	wrdreg s28;
	(pc) =	sbr.rel .LBB2_1-.Ltmp0, $4  }
0x11: {  	s11 =	sadd.s32 $0x7E00, s9;
	s8 =	sshrl.u32 s22, $0x2;
	[dreg:$0x5] =	wrdreg s20  }
0x12: {  	s7 =	sadd.s32 $0x13880, s7;
	s22 =	sadd.s32 $0xA000, s12;
	[dreg:$0x6] =	wrdreg s21  }
0x13: {  	s13 =	sadd.s32 s8, s2;
	[dreg:$0x8] =	wrdreg s7;
	s17 =	smax.u32 s19, $0x1  }
0x14: {  	s19 =	sadd.s32 $0x4000, s12;
	s20 =	sadd.s32 $0x6000, s12;
	s21 =	sadd.s32 $0x8000, s12  }
.LBB2_20:
0x15: {  	s8 =	sshll.u32 s1, $0x6;
	s9 =	rddreg [dreg:$0x8]  }
0x16: {  	s28 =	sshrl.u32 s13, $0x3;
	s7 =	sadd.s32 s7, s9;
	s8 =	sor.u32 $0x1C02, s8  }
0x17: {  	[hbm:s7], [sflag:s8] =	dma.local [spmem:s28], $0x3E80  }
0x18: {  	_ =	swait.ge [sflag:s25], $0x3E80  }
0x19: {  	[sflag:s25] =	ssyncset.done $0x0  }
0x1a: {  	[sflag:s25] =	ssyncadd.s32 $0xFFFFC180  }
.LBB2_21:
0x1b: {  	s0 =	sadd.s32 $0x1, s0  }
0x1c: {  	p4 =	sne.s32 s0, s17  }
.Ltmp1:
0x1d: {  	_ = 	snop;
	(pc) =	sbr.rel @!p4 .LBB2_22-.Ltmp1, $2  }
0x1e: {  	_ =	sdelay $0x1  }
0x1f: {  	[bflag:$0x0] =	sbarrier.arrive $0xFFFF;
	_ =	sdelay $0x1  }
.LBB2_1:
0x20: {  	s7 =	rddreg [dreg:$0x5]  }
0x21: {  	[tilespmem:s3], [sflag:$0x2] =	stream.linear.gather [hbm4b:s7+s3], $0x5000, $0x38;
	[tilespmem:$0x1D000] =	vst v63  }
0x22: {  	_ =	swait.ge [sflag:s25], $0x5000  }
0x23: {  	[sflag:s25] =	ssyncset.done $0x0  }
0x24: {  	s8 =	simm.s32 $0x5000;
	s16 =	rddreg [dreg:$0x6];
	[sflag:s25] =	ssyncadd.s32 $0xFFFFB000  }
0x25: {  	[tilespmem:s8], [sflag:$0x2] =	stream.linear.gather [hbm4b:s16+s3], $0x5000, $0x38;
	[tilespmem:$0x1D000] =	vst v63  }
0x26: {  	s26 =	simm.s32 $0xA000;
	s10 =	sshrl.u32 @!p1 s12, $0x3;
	_ =	swait.ge [sflag:s25], $0x5000  }
0x27: {  	s9 =	sshrl.u32 @!p1 s18, $0x3;
	s28 =	sshrl.u32 @!p1 s21, $0x3;
	[sflag:s25] =	ssyncset.done $0x0  }
.Ltmp2:
0x28: {  	s15 =	sshrl.u32 @!p1 s22, $0x3;
	[sflag:s25] =	ssyncadd.s32 $0xFFFFB000;
	(pc) =	sbr.rel @!p0 .LBB2_2-.Ltmp2, $4  }
0x29: {  	[tilespmem:s26], [sflag:$0x2] =	stream.linear.gather [hbm4b:s11+s3], $0x5000, $0x38;
	[tilespmem:$0x1D000] =	vst v63  }
0x2a: {  	s14 =	sshrl.u32 @!p1 s24, $0x3;
	s7 =	sshrl.u32 @!p1 s20, $0x3;
	_ =	swait.ge [sflag:s25], $0x5000  }
0x2b: {  	s16 =	sshll.u32 @!p1 s1, $0x6;
	s8 =	sshrl.u32 @!p1 s19, $0x3;
	[sflag:s25] =	ssyncset.done $0x0  }
0x2c: {  	s16 =	sor.u32 @!p1 $0x1C02, s16;
	s26 =	sshrl.u32 @!p1 s23, $0x3;
	[sflag:s25] =	ssyncadd.s32 $0xFFFFB000  }
0x2d: {  	[spmem:s10], [sflag:s16] =	dma.local @!p1 [hbm:s6], $0x400  }
0x2e: {  	s10 =	simm.s32 @!p1 $0x2  }
0x2f: {  	_ =	swait.ge @!p1 [sflag:s10], $0x400  }
0x30: {  	[sflag:s10] =	ssyncset.done @!p1 $0x0  }
0x31: {  	[sflag:s10] =	ssyncadd.s32 @!p1 $0xFFFFFC00  }
0x32: {  	[spmem:s9], [sflag:s16] =	dma.local @!p1 [hbm:s6], $0x400  }
0x33: {  	_ =	swait.ge @!p1 [sflag:s10], $0x400  }
0x34: {  	[sflag:s10] =	ssyncset.done @!p1 $0x0  }
0x35: {  	[sflag:s10] =	ssyncadd.s32 @!p1 $0xFFFFFC00  }
0x36: {  	[spmem:s8], [sflag:s16] =	dma.local @!p1 [hbm:s6], $0x400  }
0x37: {  	_ =	swait.ge @!p1 [sflag:s10], $0x400  }
0x38: {  	[sflag:s10] =	ssyncset.done @!p1 $0x0  }
0x39: {  	[sflag:s10] =	ssyncadd.s32 @!p1 $0xFFFFFC00  }
0x3a: {  	[spmem:s7], [sflag:s16] =	dma.local @!p1 [hbm:s6], $0x400  }
0x3b: {  	_ =	swait.ge @!p1 [sflag:s10], $0x400  }
0x3c: {  	[sflag:s10] =	ssyncset.done @!p1 $0x0  }
0x3d: {  	[sflag:s10] =	ssyncadd.s32 @!p1 $0xFFFFFC00  }
0x3e: {  	[spmem:s28], [sflag:s16] =	dma.local @!p1 [hbm:s6], $0x400  }
0x3f: {  	_ =	swait.ge @!p1 [sflag:s10], $0x400  }
0x40: {  	[sflag:s10] =	ssyncset.done @!p1 $0x0  }
0x41: {  	[sflag:s10] =	ssyncadd.s32 @!p1 $0xFFFFFC00  }
0x42: {  	[spmem:s15], [sflag:s16] =	dma.local @!p1 [hbm:s6], $0x400  }
0x43: {  	_ =	swait.ge @!p1 [sflag:s10], $0x400  }
0x44: {  	[sflag:s10] =	ssyncset.done @!p1 $0x0  }
0x45: {  	[sflag:s10] =	ssyncadd.s32 @!p1 $0xFFFFFC00  }
0x46: {  	[spmem:s26], [sflag:s16] =	dma.local @!p1 [hbm:s6], $0x400  }
0x47: {  	_ =	swait.ge @!p1 [sflag:s10], $0x400  }
0x48: {  	[sflag:s10] =	ssyncset.done @!p1 $0x0  }
0x49: {  	[sflag:s10] =	ssyncadd.s32 @!p1 $0xFFFFFC00  }
0x4a: {  	[spmem:s14], [sflag:s16] =	dma.local @!p1 [hbm:s6], $0x400  }
0x4b: {  	_ =	swait.ge @!p1 [sflag:s10], $0x400  }
0x4c: {  	[sflag:s10] =	ssyncset.done @!p1 $0x0  }
0x4d: {  	[sflag:s10] =	ssyncadd.s32 @!p1 $0xFFFFFC00  }
0x4e: {  	s26 =	simm.s32 $0x0;
	[bflag:$0x0] =	sbarrier.arrive $0xFFFF  }
0x4f: {  	[tilespmem:s30], [sflag:$0x1] =	stream.indirect.gather [hbm4b:s5+s29], $0x80, s26, s29, $0xb8;
	[tilespmem:$0x1D000] =	vst v63  }
0x50: {  	_ =	swait.ge [sflag:s31], $0x4000  }
0x51: {  	[sflag:s31] =	ssyncset.done $0x0  }
0x52: {  	s28 =	simm.s32 $0x5000;
	[sflag:s31] =	ssyncadd.s32 $0xFFFFC000  }
0x53: {  	[spmem:s2] =	stream.indirect.scatter.add.f32 [tilespmem:s30], [sflag:$0x2], $0x80, s28, s29, $0xb8;
	[tilespmem:$0x1D000] =	vst v63  }
0x54: {  	_ =	swait.ge [sflag:s25], $0x4000  }
0x55: {  	s8 =	simm.s32 $0x400;
	s7 =	simm.s32 $0x200;
	[sflag:s25] =	ssyncset.done $0x0  }
.LBB2_12:
0x56: {  	s9 =	sshra.s32 s7, $0x2  }
0x57: {  	[sflag:s25] =	ssyncadd.s32 $0xFFFFC000;
	s7 =	smov.u32 s8;
	s10 =	sadd.s32 $0x200, s8  }
0x58: {  	[tilespmem:s30], [sflag:$0x1] =	stream.indirect.gather [hbm4b:s5+s29], $0x80, s9, s29, $0xb8;
	[tilespmem:$0x1D000] =	vst v63  }
0x59: {  	p4 =	sne.s32 s8, $0x13E00;
	_ =	swait.ge [sflag:s31], $0x4000  }
.Ltmp3:
0x5a: {  	[sflag:s31] =	ssyncset.done $0x0;
	(pc) =	sbr.rel @p4 .LBB2_12-.Ltmp3, $4  }
0x5b: {  	s8 =	sadd.s32 $0x5000, s9;
	[sflag:s31] =	ssyncadd.s32 $0xFFFFC000  }
0x5c: {  	[spmem:s2] =	stream.indirect.scatter.add.f32 [tilespmem:s30], [sflag:$0x2], $0x80, s8, s29, $0xb8;
	[tilespmem:$0x1D000] =	vst v63  }
0x5d: {  	_ =	swait.ge [sflag:s25], $0x4000  }
0x5e: {  	s8 =	smov.u32 s10;
	[sflag:s25] =	ssyncset.done $0x0  }
0x5f: {  	s7 =	sshra.s32 s7, $0x2;
	[sflag:s25] =	ssyncadd.s32 $0xFFFFC000  }
0x60: {  	[tilespmem:s30], [sflag:$0x1] =	stream.indirect.gather [hbm4b:s5+s29], $0x80, s7, s29, $0xb8;
	[tilespmem:$0x1D000] =	vst v63  }
0x61: {  	_ =	swait.ge [sflag:s31], $0x4000  }
0x62: {  	[sflag:s31] =	ssyncset.done $0x0  }
0x63: {  	s7 =	sadd.s32 $0x5000, s7;
	[sflag:s31] =	ssyncadd.s32 $0xFFFFC000  }
0x64: {  	[spmem:s2] =	stream.indirect.scatter.add.f32 [tilespmem:s30], [sflag:$0x2], $0x80, s7, s29, $0xb8;
	[tilespmem:$0x1D000] =	vst v63  }
.Ltmp4:
0x65: {  	_ =	swait.ge [sflag:s25], $0x4000;
	(pc) =	sbr.rel @p2 .LBB2_15-.Ltmp4, $3  }
0x66: {  	[sflag:s25] =	ssyncset.done $0x0  }
0x67: {  	[sflag:s25] =	ssyncadd.s32 $0xFFFFC000  }
0x68: {  	[bflag:$0x0] =	sbarrier.arrive $0xFFFF;
	_ =	sdelay $0x1  }
0x69: {  	s7 =	sshll.u32 s1, $0x6  }
0x6a: {  	s8 =	sshrl.u32 s13, $0x3;
	s9 =	rddreg [dreg:$0x9];
	s7 =	sor.u32 $0x1C02, s7  }
0x6b: {  	[hbm:s9], [sflag:s7] =	dma.local [spmem:s8], $0x3E80  }
.Ltmp5:
0x6c: {  	_ =	swait.ge [sflag:s25], $0x3E80;
	(pc) =	sbr.rel .LBB2_16-.Ltmp5, $3  }
0x6d: {  	[sflag:s25] =	ssyncset.done $0x0  }
0x6e: {  	[sflag:s25] =	ssyncadd.s32 $0xFFFFC180  }
0x6f: {  	[bflag:$0x0] =	sbarrier.arrive $0xFFFF;
	_ =	sdelay $0x1  }
.LBB2_2:
0x70: {  	[spmem:s10], [sflag:s16] =	dma.local @!p1 [hbm:s6], $0x400  }
0x71: {  	s10 =	simm.s32 @!p1 $0x2  }
0x72: {  	_ =	swait.ge @!p1 [sflag:s10], $0x400  }
0x73: {  	[sflag:s10] =	ssyncset.done @!p1 $0x0  }
0x74: {  	[sflag:s10] =	ssyncadd.s32 @!p1 $0xFFFFFC00  }
0x75: {  	[spmem:s9], [sflag:s16] =	dma.local @!p1 [hbm:s6], $0x400  }
0x76: {  	_ =	swait.ge @!p1 [sflag:s10], $0x400  }
0x77: {  	[sflag:s10] =	ssyncset.done @!p1 $0x0  }
0x78: {  	[sflag:s10] =	ssyncadd.s32 @!p1 $0xFFFFFC00  }
0x79: {  	[spmem:s8], [sflag:s16] =	dma.local @!p1 [hbm:s6], $0x400  }
0x7a: {  	_ =	swait.ge @!p1 [sflag:s10], $0x400  }
0x7b: {  	[sflag:s10] =	ssyncset.done @!p1 $0x0  }
0x7c: {  	[sflag:s10] =	ssyncadd.s32 @!p1 $0xFFFFFC00  }
0x7d: {  	[spmem:s7], [sflag:s16] =	dma.local @!p1 [hbm:s6], $0x400  }
0x7e: {  	_ =	swait.ge @!p1 [sflag:s10], $0x400  }
0x7f: {  	[sflag:s10] =	ssyncset.done @!p1 $0x0  }
0x80: {  	[sflag:s10] =	ssyncadd.s32 @!p1 $0xFFFFFC00  }
0x81: {  	[spmem:s28], [sflag:s16] =	dma.local @!p1 [hbm:s6], $0x400  }
0x82: {  	_ =	swait.ge @!p1 [sflag:s10], $0x400  }
0x83: {  	[sflag:s10] =	ssyncset.done @!p1 $0x0  }
0x84: {  	[sflag:s10] =	ssyncadd.s32 @!p1 $0xFFFFFC00  }
0x85: {  	[spmem:s15], [sflag:s16] =	dma.local @!p1 [hbm:s6], $0x400  }
0x86: {  	_ =	swait.ge @!p1 [sflag:s10], $0x400  }
0x87: {  	[sflag:s10] =	ssyncset.done @!p1 $0x0  }
0x88: {  	[sflag:s10] =	ssyncadd.s32 @!p1 $0xFFFFFC00  }
0x89: {  	[spmem:s26], [sflag:s16] =	dma.local @!p1 [hbm:s6], $0x400  }
0x8a: {  	_ =	swait.ge @!p1 [sflag:s10], $0x400  }
0x8b: {  	[sflag:s10] =	ssyncset.done @!p1 $0x0  }
0x8c: {  	[sflag:s10] =	ssyncadd.s32 @!p1 $0xFFFFFC00  }
0x8d: {  	[spmem:s14], [sflag:s16] =	dma.local @!p1 [hbm:s6], $0x400  }
0x8e: {  	_ =	swait.ge @!p1 [sflag:s10], $0x400  }
0x8f: {  	[sflag:s10] =	ssyncset.done @!p1 $0x0  }
0x90: {  	[sflag:s10] =	ssyncadd.s32 @!p1 $0xFFFFFC00  }
0x91: {  	s26 =	simm.s32 $0x0;
	[bflag:$0x0] =	sbarrier.arrive $0xFFFF  }
0x92: {  	[tilespmem:s30], [sflag:$0x1] =	stream.indirect.gather [hbm4b:s4+s29], $0x80, s26, s29, $0xb8;
	[tilespmem:$0x1D000] =	vst v63  }
0x93: {  	_ =	swait.ge [sflag:s31], $0x4000  }
0x94: {  	[sflag:s31] =	ssyncset.done $0x0  }
0x95: {  	s28 =	simm.s32 $0x5000;
	[sflag:s31] =	ssyncadd.s32 $0xFFFFC000  }
0x96: {  	[spmem:s2] =	stream.indirect.scatter.add.f32 [tilespmem:s30], [sflag:$0x2], $0x80, s28, s29, $0xb8;
	[tilespmem:$0x1D000] =	vst v63  }
0x97: {  	_ =	swait.ge [sflag:s25], $0x4000  }
0x98: {  	s8 =	simm.s32 $0x400;
	s7 =	simm.s32 $0x200;
	[sflag:s25] =	ssyncset.done $0x0  }
.LBB2_3:
0x99: {  	s9 =	sshra.s32 s7, $0x2  }
0x9a: {  	[sflag:s25] =	ssyncadd.s32 $0xFFFFC000;
	s7 =	smov.u32 s8;
	s10 =	sadd.s32 $0x200, s8  }
0x9b: {  	[tilespmem:s30], [sflag:$0x1] =	stream.indirect.gather [hbm4b:s4+s29], $0x80, s9, s29, $0xb8;
	[tilespmem:$0x1D000] =	vst v63  }
0x9c: {  	p4 =	sne.s32 s8, $0x13E00;
	_ =	swait.ge [sflag:s31], $0x4000  }
.Ltmp6:
0x9d: {  	[sflag:s31] =	ssyncset.done $0x0;
	(pc) =	sbr.rel @p4 .LBB2_3-.Ltmp6, $4  }
0x9e: {  	s8 =	sadd.s32 $0x5000, s9;
	[sflag:s31] =	ssyncadd.s32 $0xFFFFC000  }
0x9f: {  	[spmem:s2] =	stream.indirect.scatter.add.f32 [tilespmem:s30], [sflag:$0x2], $0x80, s8, s29, $0xb8;
	[tilespmem:$0x1D000] =	vst v63  }
0xa0: {  	_ =	swait.ge [sflag:s25], $0x4000  }
0xa1: {  	s8 =	smov.u32 s10;
	[sflag:s25] =	ssyncset.done $0x0  }
0xa2: {  	s7 =	sshra.s32 s7, $0x2;
	[sflag:s25] =	ssyncadd.s32 $0xFFFFC000  }
0xa3: {  	[tilespmem:s30], [sflag:$0x1] =	stream.indirect.gather [hbm4b:s4+s29], $0x80, s7, s29, $0xb8;
	[tilespmem:$0x1D000] =	vst v63  }
0xa4: {  	_ =	swait.ge [sflag:s31], $0x4000  }
0xa5: {  	[sflag:s31] =	ssyncset.done $0x0  }
0xa6: {  	s7 =	sadd.s32 $0x5000, s7;
	[sflag:s31] =	ssyncadd.s32 $0xFFFFC000  }
0xa7: {  	[spmem:s2] =	stream.indirect.scatter.add.f32 [tilespmem:s30], [sflag:$0x2], $0x80, s7, s29, $0xb8;
	[tilespmem:$0x1D000] =	vst v63  }
.Ltmp7:
0xa8: {  	_ =	swait.ge [sflag:s25], $0x4000;
	(pc) =	sbr.rel @p2 .LBB2_6-.Ltmp7, $4  }
0xa9: {  	[sflag:s25] =	ssyncset.done $0x0  }
0xaa: {  	[sflag:s25] =	ssyncadd.s32 $0xFFFFC000  }
0xab: {  	s28 =	sshll.u32 s1, $0x6;
	[bflag:$0x0] =	sbarrier.arrive $0xFFFF  }
0xac: {  	s14 =	sor.u32 $0x1C02, s28  }
0xad: {  	s7 =	sshrl.u32 s13, $0x3;
	s8 =	rddreg [dreg:$0x7]  }
0xae: {  	[hbm:s8], [sflag:s14] =	dma.local [spmem:s7], $0x3E80  }
.Ltmp8:
0xaf: {  	_ =	swait.ge [sflag:s25], $0x3E80;
	(pc) =	sbr.rel .LBB2_7-.Ltmp8, $3  }
0xb0: {  	[sflag:s25] =	ssyncset.done $0x0  }
0xb1: {  	[sflag:s25] =	ssyncadd.s32 $0xFFFFC180  }
0xb2: {  	[bflag:$0x0] =	sbarrier.arrive $0xFFFF;
	_ =	sdelay $0x1  }
.LBB2_15:
.Ltmp9:
0xb3: {  	(pc) =	sbr.rel @p1 .LBB2_17-.Ltmp9, $2  }
0xb4: {  	_ =	sdelay $0x1  }
0xb5: {  	[bflag:$0x0] =	sbarrier.arrive $0xFFFF;
	_ =	sdelay $0x1  }
.LBB2_16:
0xb6: {  	s7 =	sshll.u32 s1, $0x6  }
0xb7: {  	s8 =	sshrl.u32 s12, $0x3;
	s7 =	sor.u32 $0x1C02, s7  }
0xb8: {  	[spmem:s8], [sflag:s7] =	dma.local [hbm:s6], $0x400  }
0xb9: {  	_ =	swait.ge [sflag:s25], $0x400  }
0xba: {  	[sflag:s25] =	ssyncset.done $0x0  }
0xbb: {  	s9 =	sshrl.u32 s18, $0x3;
	[sflag:s25] =	ssyncadd.s32 $0xFFFFFC00  }
0xbc: {  	[spmem:s9], [sflag:s7] =	dma.local [hbm:s6], $0x400  }
0xbd: {  	_ =	swait.ge [sflag:s25], $0x400  }
0xbe: {  	[sflag:s25] =	ssyncset.done $0x0  }
0xbf: {  	s10 =	sshrl.u32 s19, $0x3;
	[sflag:s25] =	ssyncadd.s32 $0xFFFFFC00  }
0xc0: {  	[spmem:s10], [sflag:s7] =	dma.local [hbm:s6], $0x400  }
0xc1: {  	_ =	swait.ge [sflag:s25], $0x400  }
0xc2: {  	[sflag:s25] =	ssyncset.done $0x0  }
0xc3: {  	s14 =	sshrl.u32 s20, $0x3;
	[sflag:s25] =	ssyncadd.s32 $0xFFFFFC00  }
0xc4: {  	[spmem:s14], [sflag:s7] =	dma.local [hbm:s6], $0x400  }
0xc5: {  	_ =	swait.ge [sflag:s25], $0x400  }
0xc6: {  	[sflag:s25] =	ssyncset.done $0x0  }
0xc7: {  	s15 =	sshrl.u32 s21, $0x3;
	[sflag:s25] =	ssyncadd.s32 $0xFFFFFC00  }
0xc8: {  	[spmem:s15], [sflag:s7] =	dma.local [hbm:s6], $0x400  }
0xc9: {  	_ =	swait.ge [sflag:s25], $0x400  }
0xca: {  	[sflag:s25] =	ssyncset.done $0x0  }
0xcb: {  	s16 =	sshrl.u32 s22, $0x3;
	[sflag:s25] =	ssyncadd.s32 $0xFFFFFC00  }
0xcc: {  	[spmem:s16], [sflag:s7] =	dma.local [hbm:s6], $0x400  }
0xcd: {  	_ =	swait.ge [sflag:s25], $0x400  }
0xce: {  	[sflag:s25] =	ssyncset.done $0x0  }
0xcf: {  	s26 =	sshrl.u32 s23, $0x3;
	[sflag:s25] =	ssyncadd.s32 $0xFFFFFC00  }
0xd0: {  	[spmem:s26], [sflag:s7] =	dma.local [hbm:s6], $0x400  }
0xd1: {  	_ =	swait.ge [sflag:s25], $0x400  }
0xd2: {  	[sflag:s25] =	ssyncset.done $0x0  }
0xd3: {  	s28 =	sshrl.u32 s24, $0x3;
	[sflag:s25] =	ssyncadd.s32 $0xFFFFFC00  }
0xd4: {  	[spmem:s28], [sflag:s7] =	dma.local [hbm:s6], $0x400  }
0xd5: {  	_ =	swait.ge [sflag:s25], $0x400  }
0xd6: {  	[sflag:s25] =	ssyncset.done $0x0  }
0xd7: {  	[sflag:s25] =	ssyncadd.s32 $0xFFFFFC00  }
.LBB2_17:
0xd8: {  	[bflag:$0x0] =	sbarrier.arrive $0xFFFF;
	s7 =	simm.s32 $0x0  }
0xd9: {  	[tilespmem:s30], [sflag:$0x1] =	stream.indirect.gather [hbm4b:s5+s29], $0x80, s7, s29, $0xb8;
	[tilespmem:$0x1D000] =	vst v63  }
0xda: {  	_ =	swait.ge [sflag:s31], $0x4000  }
0xdb: {  	[sflag:s31] =	ssyncset.done $0x0  }
0xdc: {  	s28 =	simm.s32 $0xA000;
	[sflag:s31] =	ssyncadd.s32 $0xFFFFC000  }
0xdd: {  	[spmem:s2] =	stream.indirect.scatter.add.f32 [tilespmem:s30], [sflag:$0x2], $0x80, s28, s29, $0xb8;
	[tilespmem:$0x1D000] =	vst v63  }
0xde: {  	_ =	swait.ge [sflag:s25], $0x4000  }
0xdf: {  	s8 =	simm.s32 $0x400;
	s7 =	simm.s32 $0x200;
	[sflag:s25] =	ssyncset.done $0x0  }
.LBB2_18:
0xe0: {  	s9 =	sshra.s32 s7, $0x2  }
0xe1: {  	[sflag:s25] =	ssyncadd.s32 $0xFFFFC000;
	s7 =	smov.u32 s8;
	s10 =	sadd.s32 $0x200, s8  }
0xe2: {  	[tilespmem:s30], [sflag:$0x1] =	stream.indirect.gather [hbm4b:s5+s29], $0x80, s9, s29, $0xb8;
	[tilespmem:$0x1D000] =	vst v63  }
0xe3: {  	p4 =	sne.s32 s8, $0x13E00;
	_ =	swait.ge [sflag:s31], $0x4000  }
.Ltmp10:
0xe4: {  	[sflag:s31] =	ssyncset.done $0x0;
	(pc) =	sbr.rel @p4 .LBB2_18-.Ltmp10, $4  }
0xe5: {  	s8 =	sadd.s32 $0xA000, s9;
	[sflag:s31] =	ssyncadd.s32 $0xFFFFC000  }
0xe6: {  	[spmem:s2] =	stream.indirect.scatter.add.f32 [tilespmem:s30], [sflag:$0x2], $0x80, s8, s29, $0xb8;
	[tilespmem:$0x1D000] =	vst v63  }
0xe7: {  	_ =	swait.ge [sflag:s25], $0x4000  }
0xe8: {  	s8 =	smov.u32 s10;
	[sflag:s25] =	ssyncset.done $0x0  }
0xe9: {  	s7 =	sshra.s32 s7, $0x2;
	[sflag:s25] =	ssyncadd.s32 $0xFFFFC000  }
0xea: {  	[tilespmem:s30], [sflag:$0x1] =	stream.indirect.gather [hbm4b:s5+s29], $0x80, s7, s29, $0xb8;
	[tilespmem:$0x1D000] =	vst v63  }
0xeb: {  	_ =	swait.ge [sflag:s31], $0x4000  }
0xec: {  	[sflag:s31] =	ssyncset.done $0x0  }
0xed: {  	s7 =	sadd.s32 $0xA000, s7;
	[sflag:s31] =	ssyncadd.s32 $0xFFFFC000  }
0xee: {  	[spmem:s2] =	stream.indirect.scatter.add.f32 [tilespmem:s30], [sflag:$0x2], $0x80, s7, s29, $0xb8;
	[tilespmem:$0x1D000] =	vst v63  }
.Ltmp11:
0xef: {  	_ =	swait.ge [sflag:s25], $0x4000;
	(pc) =	sbr.rel @p2 .LBB2_21-.Ltmp11, $4  }
.Ltmp12:
0xf0: {  	[sflag:s25] =	ssyncset.done $0x0;
	(pc) =	sbr.rel @!p2 .LBB2_20-.Ltmp12, $4  }
0xf1: {  	[sflag:s25] =	ssyncadd.s32 $0xFFFFC000  }
0xf2: {  	[bflag:$0x0] =	sbarrier.arrive $0xFFFF  }
0xf3: {  	s7 =	rddreg [dreg:$0x4]  }
0xf4: {  	_ = 	snop  }
.LBB2_6:
.Ltmp13:
0xf5: {  	(pc) =	sbr.rel @p1 .LBB2_8-.Ltmp13, $2  }
0xf6: {  	_ =	sdelay $0x1  }
0xf7: {  	[bflag:$0x0] =	sbarrier.arrive $0xFFFF;
	_ =	sdelay $0x1  }
.LBB2_7:
0xf8: {  	s7 =	sshrl.u32 s12, $0x3  }
0xf9: {  	[spmem:s7], [sflag:s14] =	dma.local [hbm:s6], $0x400  }
0xfa: {  	_ =	swait.ge [sflag:s25], $0x400  }
0xfb: {  	[sflag:s25] =	ssyncset.done $0x0  }
0xfc: {  	s8 =	sshrl.u32 s18, $0x3;
	[sflag:s25] =	ssyncadd.s32 $0xFFFFFC00  }
0xfd: {  	[spmem:s8], [sflag:s14] =	dma.local [hbm:s6], $0x400  }
0xfe: {  	_ =	swait.ge [sflag:s25], $0x400  }
0xff: {  	[sflag:s25] =	ssyncset.done $0x0  }
0x100: {  	s9 =	sshrl.u32 s19, $0x3;
	[sflag:s25] =	ssyncadd.s32 $0xFFFFFC00  }
0x101: {  	[spmem:s9], [sflag:s14] =	dma.local [hbm:s6], $0x400  }
0x102: {  	_ =	swait.ge [sflag:s25], $0x400  }
0x103: {  	[sflag:s25] =	ssyncset.done $0x0  }
0x104: {  	s10 =	sshrl.u32 s20, $0x3;
	[sflag:s25] =	ssyncadd.s32 $0xFFFFFC00  }
0x105: {  	[spmem:s10], [sflag:s14] =	dma.local [hbm:s6], $0x400  }
0x106: {  	_ =	swait.ge [sflag:s25], $0x400  }
0x107: {  	[sflag:s25] =	ssyncset.done $0x0  }
0x108: {  	s15 =	sshrl.u32 s21, $0x3;
	[sflag:s25] =	ssyncadd.s32 $0xFFFFFC00  }
0x109: {  	[spmem:s15], [sflag:s14] =	dma.local [hbm:s6], $0x400  }
0x10a: {  	_ =	swait.ge [sflag:s25], $0x400  }
0x10b: {  	[sflag:s25] =	ssyncset.done $0x0  }
0x10c: {  	s16 =	sshrl.u32 s22, $0x3;
	[sflag:s25] =	ssyncadd.s32 $0xFFFFFC00  }
0x10d: {  	[spmem:s16], [sflag:s14] =	dma.local [hbm:s6], $0x400  }
0x10e: {  	_ =	swait.ge [sflag:s25], $0x400  }
0x10f: {  	[sflag:s25] =	ssyncset.done $0x0  }
0x110: {  	s26 =	sshrl.u32 s23, $0x3;
	[sflag:s25] =	ssyncadd.s32 $0xFFFFFC00  }
0x111: {  	[spmem:s26], [sflag:s14] =	dma.local [hbm:s6], $0x400  }
0x112: {  	_ =	swait.ge [sflag:s25], $0x400  }
0x113: {  	[sflag:s25] =	ssyncset.done $0x0  }
0x114: {  	s28 =	sshrl.u32 s24, $0x3;
	[sflag:s25] =	ssyncadd.s32 $0xFFFFFC00  }
0x115: {  	[spmem:s28], [sflag:s14] =	dma.local [hbm:s6], $0x400  }
0x116: {  	_ =	swait.ge [sflag:s25], $0x400  }
0x117: {  	[sflag:s25] =	ssyncset.done $0x0  }
0x118: {  	[sflag:s25] =	ssyncadd.s32 $0xFFFFFC00  }
.LBB2_8:
0x119: {  	[bflag:$0x0] =	sbarrier.arrive $0xFFFF;
	s7 =	simm.s32 $0x0  }
0x11a: {  	[tilespmem:s30], [sflag:$0x1] =	stream.indirect.gather [hbm4b:s4+s29], $0x80, s7, s29, $0xb8;
	[tilespmem:$0x1D000] =	vst v63  }
0x11b: {  	_ =	swait.ge [sflag:s31], $0x4000  }
0x11c: {  	[sflag:s31] =	ssyncset.done $0x0  }
0x11d: {  	s28 =	simm.s32 $0xA000;
	[sflag:s31] =	ssyncadd.s32 $0xFFFFC000  }
0x11e: {  	[spmem:s2] =	stream.indirect.scatter.add.f32 [tilespmem:s30], [sflag:$0x2], $0x80, s28, s29, $0xb8;
	[tilespmem:$0x1D000] =	vst v63  }
0x11f: {  	_ =	swait.ge [sflag:s25], $0x4000  }
0x120: {  	s8 =	simm.s32 $0x400;
	s7 =	simm.s32 $0x200;
	[sflag:s25] =	ssyncset.done $0x0  }
.LBB2_9:
0x121: {  	s9 =	sshra.s32 s7, $0x2  }
0x122: {  	[sflag:s25] =	ssyncadd.s32 $0xFFFFC000;
	s7 =	smov.u32 s8;
	s10 =	sadd.s32 $0x200, s8  }
0x123: {  	[tilespmem:s30], [sflag:$0x1] =	stream.indirect.gather [hbm4b:s4+s29], $0x80, s9, s29, $0xb8;
	[tilespmem:$0x1D000] =	vst v63  }
0x124: {  	p4 =	sne.s32 s8, $0x13E00;
	_ =	swait.ge [sflag:s31], $0x4000  }
.Ltmp14:
0x125: {  	[sflag:s31] =	ssyncset.done $0x0;
	(pc) =	sbr.rel @p4 .LBB2_9-.Ltmp14, $4  }
0x126: {  	s8 =	sadd.s32 $0xA000, s9;
	[sflag:s31] =	ssyncadd.s32 $0xFFFFC000  }
0x127: {  	[spmem:s2] =	stream.indirect.scatter.add.f32 [tilespmem:s30], [sflag:$0x2], $0x80, s8, s29, $0xb8;
	[tilespmem:$0x1D000] =	vst v63  }
0x128: {  	_ =	swait.ge [sflag:s25], $0x4000  }
0x129: {  	s8 =	smov.u32 s10;
	[sflag:s25] =	ssyncset.done $0x0  }
0x12a: {  	s7 =	sshra.s32 s7, $0x2;
	[sflag:s25] =	ssyncadd.s32 $0xFFFFC000  }
0x12b: {  	[tilespmem:s30], [sflag:$0x1] =	stream.indirect.gather [hbm4b:s4+s29], $0x80, s7, s29, $0xb8;
	[tilespmem:$0x1D000] =	vst v63  }
0x12c: {  	_ =	swait.ge [sflag:s31], $0x4000  }
0x12d: {  	[sflag:s31] =	ssyncset.done $0x0  }
0x12e: {  	s7 =	sadd.s32 $0xA000, s7;
	[sflag:s31] =	ssyncadd.s32 $0xFFFFC000  }
0x12f: {  	[spmem:s2] =	stream.indirect.scatter.add.f32 [tilespmem:s30], [sflag:$0x2], $0x80, s7, s29, $0xb8;
	[tilespmem:$0x1D000] =	vst v63  }
.Ltmp15:
0x130: {  	_ =	swait.ge [sflag:s25], $0x4000;
	(pc) =	sbr.rel @p3 .LBB2_20-.Ltmp15, $4  }
.Ltmp16:
0x131: {  	[sflag:s25] =	ssyncset.done $0x0;
	(pc) =	sbr.rel @!p3 .LBB2_21-.Ltmp16, $4  }
0x132: {  	[sflag:s25] =	ssyncadd.s32 $0xFFFFC000  }
0x133: {  	[bflag:$0x0] =	sbarrier.arrive $0xFFFF  }
0x134: {  	s7 =	rddreg [dreg:$0x3]  }
0x135: {  	_ = 	snop  }
.LBB2_22:
0x136: {  	_ =	sfence.sel $0x180000  }
0x137: {  	[bflag:$0x0] =	sbarrier.arrive $0xFFFF  }
0x138: {  	_ =	strace $0x9000004A  }
0x139: {  	[bflag:$0x2] =	sbarrier.arrive $0xFFFF  }
0x13a: {  	p0 =	sne.s32 s1, $0x0;
	s0 =	rddreg [dreg:$0x2]  }
0x13b: {  	s0 =	sadd.s32 @!p0 $0x100000, s0  }
0x13c: {  	[sflag:s0] =	ssyncadd.tile.s32 @!p0 $0x1;
	_ =	shalt  }
.Lfunc_end2:
_tile_overlayer_lowered:
.L_overlay_start_2:
0x13d: {  	(tag) =	ssettag $0x2  }
0x13e: {  	s0 =	rddreg [dreg:$0x0];
	s2 =	stileid.u32  }
0x13f: {  	s1 =	rddreg [dreg:$0x1];
	p0 =	sne.s32 s2, $0x0  }
0x140: {  	s3 =	rddreg [dreg:$0x2];
	[bflag:$0x3] =	sbarrier.arrive $0xFFFF;
	s2 =	simm.s32 @!p0 $0x1C02  }
0x141: {  	[timem:s3], [sflag:s2] =	dma.local @!p0 [hbm:s0], s1  }
0x142: {  	s0 =	simm.s32 @!p0 $0x2  }
0x143: {  	_ =	swait.ge @!p0 [sflag:s0], s1  }
0x144: {  	s1 =	ssub.s32 @!p0 $0x0, s1;
	[sflag:s0] =	ssyncset.done @!p0 $0x0  }
0x145: {  	[sflag:s0] =	ssyncadd.s32 @!p0 s1  }
0x146: {  	[bflag:$0x3] =	sbarrier.arrive $0xFFFF  }
0x147: {  	_ =	shalt  }

// kernel: kernel.18.cloned.1.call-start
scs
__scs_entry_jumppad:
0x0: {  	(pc) =	sbr.rel $0x88, $3  }
0x1: {  	(tag) =	ssettag $0x0;
	lr =	simm.s32 $0x1  }
0x2: {  	[smem:$0x3F80] =	sst lr;
	_ =	strace $0xD0000000  }
0x3: {  	_ = 	snop  }
0x4: {  	_ = 	snop  }
0x5: {  	_ = 	snop  }
0x6: {  	_ = 	snop  }
0x7: {  	_ = 	snop  }
__scs_overlays_trampoline_lowered:
0x8: {  	[smem:$0x3F8F] =	sst s0  }
0x9: {  	[smem:$0x3F90] =	sst s1  }
0xa: {  	[smem:$0x3F91] =	sst s2  }
0xb: {  	[smem:$0x3F92] =	sst s3  }
0xc: {  	[smem:$0x3F93] =	sst s4  }
0xd: {  	[smem:$0x3F94] =	sst s5  }
0xe: {  	[smem:$0x3F95] =	sst s6  }
0xf: {  	[smem:$0x3F96] =	sst s7  }
0x10: {  	[smem:$0x3F97] =	sst s8  }
0x11: {  	[smem:$0x3F98] =	sst s9;
	s0 =	simm.s32 @!p0 $0x0  }
0x12: {  	s1 =	sld [smem:$0x3F7E];
	s0 =	simm.s32 @p0 $0x1  }
0x13: {  	[smem:$0x3F99] =	sst s0;
	s0 =	simm.s32 @!p1 $0x0  }
0x14: {  	s2 =	sld [smem:$0x3F7D];
	s0 =	simm.s32 @p1 $0x1  }
0x15: {  	[smem:$0x3F9A] =	sst s0;
	s0 =	simm.s32 @!p2 $0x0  }
0x16: {  	s3 =	sld [smem:$0x3FDB];
	s0 =	simm.s32 @p2 $0x1  }
0x17: {  	s4 =	simm.s32 $0x1BF5;
	[smem:$0x3F9C] =	sst s0  }
0x18: {  	s0 =	sld [smem:$0x3F7F];
	_ =	swait.ge [sflag:s4], $0x0  }
0x19: {  	s7 =	sld [smem:$0x3F80]  }
0x1a: {  	s8 =	sadd.s32 $0xFFFFE003, lr  }
0x1b: {  	s9 =	sadd.s32 $0xFFFFFEF7, lr;
	s5 =	simm.s32 $0xFFFFFFFF;
	p2 =	slt.u32 s8, $0xFFFFF086  }
0x1c: {  	p1 =	slt.u32 s9, $0xF7A;
	s5 =	simm.s32 @!p2 $0x0  }
0x1d: {  	s5 =	simm.s32 @p1 $0x1;
	p0 =	seq.s32 s7, s2  }
0x1e: {  	s7 =	smul.u32 @!p0 $0xF7A, s2;
	p2 =	seq.s32 @!p0 s5, $0x0  }
0x1f: {  	s9 =	smul.u32 $0xF7A, s1;
	s8 =	simm.s32 @!p0 $0x1BF5;
	p2 =	por !p2, p0  }
0x20: {  	[sflag:s8] =	ssyncset.s32 @!p0 $0xFFFFF086;
	s6 =	sadd.s32 @!p0 s3, s7;
	s7 =	simm.s32 @!p0 $0x108  }
0x21: {  	s3 =	sadd.s32 s3, s9;
	s6 =	sadd.s32 @!p0 $0x88, s6;
	s7 =	simm.s32 @p2 $0x1082  }
0x22: {  	[simem:s7], [sflag:s8] =	dma.local @!p0 [hbm:s6], $0xF7A  }
0x23: {  	s9 =	sor.u32 $0xD0000000, s2;
	s6 =	simm.s32 $0x108;
	_ =	swait.ge @!p0 [sflag:s8], $0x0  }
0x24: {  	s3 =	sadd.s32 $0x88, s3;
	s6 =	simm.s32 @!p1 $0x1082;
	[sflag:s4] =	ssyncset.s32 $0xFFFFF086  }
0x25: {  	[simem:s6], [sflag:s4] =	dma.local [hbm:s3], $0xF7A  }
0x26: {  	[smem:$0x3F80] =	sst s1;
	(tag) =	ssettag s2;
	_ =	strace s9  }
0x27: {  	s1 =	sld [smem:$0x3F90]  }
0x28: {  	s2 =	sld [smem:$0x3F91]  }
0x29: {  	s4 =	sld [smem:$0x3F93]  }
0x2a: {  	p0 =	seq.s32 s5, $0x0;
	s5 =	sld [smem:$0x3F94]  }
0x2b: {  	s6 =	sld [smem:$0x3F95]  }
0x2c: {  	s7 =	sld [smem:$0x3F96]  }
0x2d: {  	s3 =	simm.s32 $0x108;
	s8 =	sld [smem:$0x3F97]  }
0x2e: {  	s3 =	simm.s32 @!p0 $0x1082;
	s9 =	sld [smem:$0x3F98]  }
0x2f: {  	lr =	sadd.s32 s0, s3;
	s0 =	sld [smem:$0x3F8F]  }
0x30: {  	s3 =	sld [smem:$0x3F92]  }
0x31: {  	[smem:$0x3F9B] =	sst s10  }
0x32: {  	s10 =	sld [smem:$0x3F99];
	_ =	sdelay $0x3  }
0x33: {  	p0 =	seq.s32 s10, $0x1;
	s10 =	sld [smem:$0x3F9B];
	_ =	sdelay $0x3  }
0x34: {  	[smem:$0x3F9B] =	sst s10  }
0x35: {  	s10 =	sld [smem:$0x3F9A];
	_ =	sdelay $0x3  }
0x36: {  	p1 =	seq.s32 s10, $0x1;
	s10 =	sld [smem:$0x3F9B];
	_ =	sdelay $0x3  }
0x37: {  	[smem:$0x3F9B] =	sst s10  }
0x38: {  	s10 =	sld [smem:$0x3F9C]  }
0x39: {  	_ = 	snop;
	(pc) =	sbr.ind lr, $3  }
0x3a: {  	_ = 	snop  }
0x3b: {  	_ = 	snop  }
0x3c: {  	p2 =	seq.s32 s10, $0x1;
	s10 =	sld [smem:$0x3F9B]  }
0x3d: {  	_ =	shalt  }
0x3e: {  	_ =	shalt  }
0x3f: {  	_ =	shalt  }
0x40: {  	_ =	shalt  }
0x41: {  	_ =	shalt  }
0x42: {  	_ =	shalt  }
0x43: {  	_ =	shalt  }
0x44: {  	_ =	shalt  }
0x45: {  	_ =	shalt  }
0x46: {  	_ =	shalt  }
0x47: {  	_ =	shalt  }
0x48: {  	_ =	shalt  }
0x49: {  	_ =	shalt  }
0x4a: {  	_ =	shalt  }
0x4b: {  	_ =	shalt  }
0x4c: {  	_ =	shalt  }
0x4d: {  	_ =	shalt  }
0x4e: {  	_ =	shalt  }
0x4f: {  	_ =	shalt  }
0x50: {  	_ =	shalt  }
0x51: {  	_ =	shalt  }
0x52: {  	_ =	shalt  }
0x53: {  	_ =	shalt  }
0x54: {  	_ =	shalt  }
0x55: {  	_ =	shalt  }
0x56: {  	_ =	shalt  }
0x57: {  	_ =	shalt  }
0x58: {  	_ =	shalt  }
0x59: {  	_ =	shalt  }
0x5a: {  	_ =	shalt  }
0x5b: {  	_ =	shalt  }
0x5c: {  	_ =	shalt  }
0x5d: {  	_ =	shalt  }
0x5e: {  	_ =	shalt  }
0x5f: {  	_ =	shalt  }
0x60: {  	_ =	shalt  }
0x61: {  	_ =	shalt  }
0x62: {  	_ =	shalt  }
0x63: {  	_ =	shalt  }
0x64: {  	_ =	shalt  }
0x65: {  	_ =	shalt  }
0x66: {  	_ =	shalt  }
0x67: {  	_ =	shalt  }
0x68: {  	_ =	shalt  }
0x69: {  	_ =	shalt  }
0x6a: {  	_ =	shalt  }
0x6b: {  	_ =	shalt  }
0x6c: {  	_ =	shalt  }
0x6d: {  	_ =	shalt  }
0x6e: {  	_ =	shalt  }
0x6f: {  	_ =	shalt  }
0x70: {  	_ =	shalt  }
0x71: {  	_ =	shalt  }
0x72: {  	_ =	shalt  }
0x73: {  	_ =	shalt  }
0x74: {  	_ =	shalt  }
0x75: {  	_ =	shalt  }
0x76: {  	_ =	shalt  }
0x77: {  	_ =	shalt  }
0x78: {  	_ =	shalt  }
0x79: {  	_ =	shalt  }
0x7a: {  	_ =	shalt  }
0x7b: {  	_ =	shalt  }
0x7c: {  	_ =	shalt  }
0x7d: {  	_ =	shalt  }
0x7e: {  	_ =	shalt  }
0x7f: {  	_ =	shalt  }
0x80: {  	_ =	shalt  }
0x81: {  	_ =	shalt  }
0x82: {  	_ =	shalt  }
0x83: {  	_ =	shalt  }
0x84: {  	_ =	shalt  }
0x85: {  	_ =	shalt  }
0x86: {  	_ =	shalt  }
0x87: {  	_ =	shalt  }
.Lfunc_end0:
.L_simem_size_0:
called_computation.2_lowered:
.L_overlay_start_0:
0x88: {  	s2 =	sld [smem:$0x3FD9]  }
0x89: {  	s3 =	sld [smem:$0x3FFE];
	_ =	sdelay $0x1  }
0x8a: {  	s1 =	srdreg.scid  }
0x8b: {  	s0 =	sand.u32 $0x1, s1  }
0x8c: {  	s16 =	sshll.u32 s0, $0xA;
	s2 =	sadd.s32 s3, s2  }
0x8d: {  	s2 =	sadd.s32 s2, s16  }
0x8e: {  	[smem:$0x3FA7] =	sst s2  }
0x8f: {  	_ = 	snop  }
0x90: {  	(tm) =	ssettm $0x1  }
0x91: {  	s17 =	sld [smem:$0x3FFB];
	_ =	sdelay $0x3  }
0x92: {  	_ =	strace s17  }
0x93: {  	s2 =	sld [smem:$0x3FFC];
	_ =	sdelay $0x3  }
0x94: {  	_ =	strace s2  }
0x95: {  	s2 =	sld [smem:$0x3FFD];
	_ =	sdelay $0x3  }
0x96: {  	_ =	strace s2  }
0x97: {  	_ =	strace $0x8FFFFFFF  }
0x98: {  	s18 =	sld [smem:$0x3FDB];
	_ =	sdelay $0x1  }
0x99: {  	s19 =	simm.s32 $_scs_section_size  }
0x9a: {  	s4 =	simm.s32 $_size__tile_overlayer_lowered;
	s5 =	simm.s32 $_tile_overlayer_lowered  }
0x9b: {  	s22 =	simm.s32 $0x1BFF;
	s21 =	sshll.u32 s5, $0x1;
	s2 =	sadd.s32 s19, s18  }
0x9c: {  	s6 =	simm.s32 $0x0;
	s20 =	sshll.u32 s4, $0x1;
	s4 =	sadd.s32 s21, s2  }
0x9d: {  	[timem:s6], [sflag:s22] =	dma.local [hbm:s4], s20  }
0x9e: {  	_ =	swait.ge [sflag:s22], s20  }
0x9f: {  	s3 =	ssub.s32 $0x0, s20;
	[sflag:s22] =	ssyncset.done $0x0  }
0xa0: {  	[sflag:s22] =	ssyncadd.s32 s3;
	_ =	sdelay $0x1  }
0xa1: {  	s23 =	simm.s32 $0x1B8B  }
0xa2: {  	_ =	swait.ge [sflag:s23], $0x1  }
0xa3: {  	[sflag:s23] =	ssyncset.done $0x0  }
0xa4: {  	s25 =	simm.s32 $0x1B8E;
	s24 =	sld [smem:$0x3FFE];
	[sflag:s23] =	ssyncadd.s32 $0xFFFFFFFF  }
0xa5: {  	s26 =	simm.s32 $execute0_lowered;
	[smem:$0x3FD2] =	sst s25  }
0xa6: {  	s4 =	sshll.u32 s26, $0x1;
	_ =	strace $0x8000004C;
	[dreg:$0x1] =	wrdreg $0xFFFFFFFF  }
0xa7: {  	s28 =	simm.s32 $_size_execute0_lowered;
	s2 =	sadd.s32 s2, s4;
	[dreg:$0x0] =	wrdreg $0x0  }
0xa8: {  	s4 =	sshll.u32 s28, $0x1;
	[dreg:$0x2] =	wrdreg s2  }
0xa9: {  	[dreg:$0x3] =	wrdreg s4  }
0xaa: {  	[dreg:$0x4] =	wrdreg $0xC0  }
0xab: {  	_ =	task [dreg:s6], $0x5FFFF  }
0xac: {  	[dreg:$0x1] =	wrdreg $0xFFFFFFFF  }
0xad: {  	[dreg:$0x0] =	wrdreg $0x60  }
0xae: {  	[dreg:$0x2] =	wrdreg s24  }
0xaf: {  	[dreg:$0x3] =	wrdreg $0x130000  }
0xb0: {  	[dreg:$0x4] =	wrdreg $0x9  }
0xb1: {  	_ =	task.clear_ibuf [dreg:s6], $0x5FFFF;
	_ =	strace $0x9000004C  }
0xb2: {  	s29 =	simm.s32 $0x9;
	_ =	strace $0x8000004E  }
0xb3: {  	_ =	swait.ge [sflag:s29], $0x1  }
0xb4: {  	[sflag:s29] =	ssyncadd.s32 $0xFFFFFFFF  }
0xb5: {  	_ =	strace $0x9000004E  }
0xb6: {  	_ =	sfence  }
0xb7: {  	s30 =	sld [smem:$0x0];
	_ =	sdelay $0x2  }
0xb8: {  	s31 =	sshll.u32 s1, $0xD;
	s1 =	sshrl.u32 s1, $0x2  }
0xb9: {  	s3 =	sand.u32 $0x4000, s31;
	s1 =	sadd.s32 s1, s30  }
0xba: {  	s0 =	sor.u32 s3, s0;
	s1 =	sshll.u32 s1, $0x11  }
0xbb: {  	s0 =	sor.u32 s1, s0  }
0xbc: {  	s0 =	sadd.s32 $0x8F2B, s0  }
0xbd: {  	[sflag:s0] =	ssyncadd.remote.s32 $0x1  }
0xbe: {  	_ =	sfence.sel $0xFFFF  }
0xbf: {  	[dreg:$0x0] =	wrdreg $0xFFFFFFFF;
	(pc) =	sbr.abs _section_cstart, $3  }
0xc0: {  	[dreg:$0x1] =	wrdreg $0xFFFFFFFF  }
0xc1: {  	_ =	task.clear_ibuf [dreg:s6], $0x2FFFF;
	_ =	strace $0x9FFFFFFF  }
0xc2: {  	(tm) =	ssettm $0x7FFFFFFF  }
0xc3: {  	_ =	shalt  }
tec
execute0_lowered:
.L_overlay_start_1:
0x0: {  	(tag) =	ssettag $0x1  }
0x1: {  	s0 =	rddreg [dreg:$0x0]  }
0x2: {  	s2 =	rddreg [dreg:$0x1];
	s3 =	simm.s32 $0x0  }
0x3: {  	s1 =	stileid.u32;
	s4 =	srdreg.scid;
	s29 =	simm.s32 $0x80  }
0x4: {  	s30 =	simm.s32 $0xF000;
	s31 =	simm.s32 $0x1;
	[smem:$0x7FF] =	sst s3  }
0x5: {  	s6 =	smul.u32 $0xA00, s1;
	s7 =	sand.u32 $0x1, s4;
	s4 =	sadd.s32 $0x4DC00, s0  }
0x6: {  	s5 =	sadd.s32 $0x1C200, s0;
	s14 =	sadd.s32 $0xC3200, s0;
	s22 =	smul.u32 $0x7D000, s1  }
0x7: {  	s15 =	sadd.s32 $0xEA400, s0;
	s23 =	smul.u32 $0x1F400, s1;
	s24 =	sshll.u32 s1, $0x10  }
0x8: {  	s25 =	smul.u32 $0x3E80, s1;
	p1 =	sgt.u32 s1, $0x9;
	p2 =	sgt.u32 s1, $0x4  }
0x9: {  	p3 =	slt.u32 s1, $0x5;
	_ =	strace $0x8000004D;
	s8 =	ssub.s32 $0x2, s7  }
0xa: {  	p0 =	seq.s32 s7, $0x1;
	s12 =	sadd.s32 s24, s2;
	[dreg:$0x3] =	wrdreg s14  }
0xb: {  	[dreg:$0x4] =	wrdreg s15;
	s9 =	sadd.s32 s6, s0;
	s6 =	sadd.s32 $0x1BE00, s0  }
0xc: {  	s10 =	sshrl.u32 s8, $0x1;
	s7 =	sshrl.u32 s23, $0x3;
	s26 =	sadd.s32 s14, s25  }
0xd: {  	s28 =	sadd.s32 s15, s25;
	s18 =	sadd.s32 $0x2000, s12;
	s23 =	sadd.s32 $0xC000, s12  }
0xe: {  	s24 =	sadd.s32 $0xE000, s12;
	s25 =	simm.s32 $0x2;
	s0 =	simm.s32 $0x0  }
0xf: {  	s19 =	ssub.s32 s8, s10;
	s20 =	sadd.s32 $0x43C00, s9;
	[dreg:$0x7] =	wrdreg s26  }
.Ltmp0:
0x10: {  	s21 =	sadd.s32 $0x11E00, s9;
	[dreg:$0x9] =	wrdreg s28;
	(pc) =	sbr.rel .LBB2_1-.Ltmp0, $4  }
0x11: {  	s11 =	sadd.s32 $0x7E00, s9;
	s8 =	sshrl.u32 s22, $0x2;
	[dreg:$0x5] =	wrdreg s20  }
0x12: {  	s7 =	sadd.s32 $0x13880, s7;
	s22 =	sadd.s32 $0xA000, s12;
	[dreg:$0x6] =	wrdreg s21  }
0x13: {  	s13 =	sadd.s32 s8, s2;
	[dreg:$0x8] =	wrdreg s7;
	s17 =	smax.u32 s19, $0x1  }
0x14: {  	s19 =	sadd.s32 $0x4000, s12;
	s20 =	sadd.s32 $0x6000, s12;
	s21 =	sadd.s32 $0x8000, s12  }
.LBB2_20:
0x15: {  	s8 =	sshll.u32 s1, $0x6;
	s9 =	rddreg [dreg:$0x8]  }
0x16: {  	s28 =	sshrl.u32 s13, $0x3;
	s7 =	sadd.s32 s7, s9;
	s8 =	sor.u32 $0x1C02, s8  }
0x17: {  	[hbm:s7], [sflag:s8] =	dma.local [spmem:s28], $0x3E80  }
0x18: {  	_ =	swait.ge [sflag:s25], $0x3E80  }
0x19: {  	[sflag:s25] =	ssyncset.done $0x0  }
0x1a: {  	[sflag:s25] =	ssyncadd.s32 $0xFFFFC180  }
.LBB2_21:
0x1b: {  	s0 =	sadd.s32 $0x1, s0  }
0x1c: {  	p4 =	sne.s32 s0, s17  }
.Ltmp1:
0x1d: {  	_ = 	snop;
	(pc) =	sbr.rel @!p4 .LBB2_22-.Ltmp1, $2  }
0x1e: {  	_ =	sdelay $0x1  }
0x1f: {  	[bflag:$0x0] =	sbarrier.arrive $0xFFFF;
	_ =	sdelay $0x1  }
.LBB2_1:
0x20: {  	s7 =	rddreg [dreg:$0x5]  }
0x21: {  	[tilespmem:s3], [sflag:$0x2] =	stream.linear.gather [hbm4b:s7+s3], $0x5000, $0x38;
	[tilespmem:$0x1D000] =	vst v63  }
0x22: {  	_ =	swait.ge [sflag:s25], $0x5000  }
0x23: {  	[sflag:s25] =	ssyncset.done $0x0  }
0x24: {  	s8 =	simm.s32 $0x5000;
	s16 =	rddreg [dreg:$0x6];
	[sflag:s25] =	ssyncadd.s32 $0xFFFFB000  }
0x25: {  	[tilespmem:s8], [sflag:$0x2] =	stream.linear.gather [hbm4b:s16+s3], $0x5000, $0x38;
	[tilespmem:$0x1D000] =	vst v63  }
0x26: {  	s26 =	simm.s32 $0xA000;
	s10 =	sshrl.u32 @!p1 s12, $0x3;
	_ =	swait.ge [sflag:s25], $0x5000  }
0x27: {  	s9 =	sshrl.u32 @!p1 s18, $0x3;
	s28 =	sshrl.u32 @!p1 s21, $0x3;
	[sflag:s25] =	ssyncset.done $0x0  }
.Ltmp2:
0x28: {  	s15 =	sshrl.u32 @!p1 s22, $0x3;
	[sflag:s25] =	ssyncadd.s32 $0xFFFFB000;
	(pc) =	sbr.rel @!p0 .LBB2_2-.Ltmp2, $4  }
0x29: {  	[tilespmem:s26], [sflag:$0x2] =	stream.linear.gather [hbm4b:s11+s3], $0x5000, $0x38;
	[tilespmem:$0x1D000] =	vst v63  }
0x2a: {  	s14 =	sshrl.u32 @!p1 s24, $0x3;
	s7 =	sshrl.u32 @!p1 s20, $0x3;
	_ =	swait.ge [sflag:s25], $0x5000  }
0x2b: {  	s16 =	sshll.u32 @!p1 s1, $0x6;
	s8 =	sshrl.u32 @!p1 s19, $0x3;
	[sflag:s25] =	ssyncset.done $0x0  }
0x2c: {  	s16 =	sor.u32 @!p1 $0x1C02, s16;
	s26 =	sshrl.u32 @!p1 s23, $0x3;
	[sflag:s25] =	ssyncadd.s32 $0xFFFFB000  }
0x2d: {  	[spmem:s10], [sflag:s16] =	dma.local @!p1 [hbm:s6], $0x400  }
0x2e: {  	s10 =	simm.s32 @!p1 $0x2  }
0x2f: {  	_ =	swait.ge @!p1 [sflag:s10], $0x400  }
0x30: {  	[sflag:s10] =	ssyncset.done @!p1 $0x0  }
0x31: {  	[sflag:s10] =	ssyncadd.s32 @!p1 $0xFFFFFC00  }
0x32: {  	[spmem:s9], [sflag:s16] =	dma.local @!p1 [hbm:s6], $0x400  }
0x33: {  	_ =	swait.ge @!p1 [sflag:s10], $0x400  }
0x34: {  	[sflag:s10] =	ssyncset.done @!p1 $0x0  }
0x35: {  	[sflag:s10] =	ssyncadd.s32 @!p1 $0xFFFFFC00  }
0x36: {  	[spmem:s8], [sflag:s16] =	dma.local @!p1 [hbm:s6], $0x400  }
0x37: {  	_ =	swait.ge @!p1 [sflag:s10], $0x400  }
0x38: {  	[sflag:s10] =	ssyncset.done @!p1 $0x0  }
0x39: {  	[sflag:s10] =	ssyncadd.s32 @!p1 $0xFFFFFC00  }
0x3a: {  	[spmem:s7], [sflag:s16] =	dma.local @!p1 [hbm:s6], $0x400  }
0x3b: {  	_ =	swait.ge @!p1 [sflag:s10], $0x400  }
0x3c: {  	[sflag:s10] =	ssyncset.done @!p1 $0x0  }
0x3d: {  	[sflag:s10] =	ssyncadd.s32 @!p1 $0xFFFFFC00  }
0x3e: {  	[spmem:s28], [sflag:s16] =	dma.local @!p1 [hbm:s6], $0x400  }
0x3f: {  	_ =	swait.ge @!p1 [sflag:s10], $0x400  }
0x40: {  	[sflag:s10] =	ssyncset.done @!p1 $0x0  }
0x41: {  	[sflag:s10] =	ssyncadd.s32 @!p1 $0xFFFFFC00  }
0x42: {  	[spmem:s15], [sflag:s16] =	dma.local @!p1 [hbm:s6], $0x400  }
0x43: {  	_ =	swait.ge @!p1 [sflag:s10], $0x400  }
0x44: {  	[sflag:s10] =	ssyncset.done @!p1 $0x0  }
0x45: {  	[sflag:s10] =	ssyncadd.s32 @!p1 $0xFFFFFC00  }
0x46: {  	[spmem:s26], [sflag:s16] =	dma.local @!p1 [hbm:s6], $0x400  }
0x47: {  	_ =	swait.ge @!p1 [sflag:s10], $0x400  }
0x48: {  	[sflag:s10] =	ssyncset.done @!p1 $0x0  }
0x49: {  	[sflag:s10] =	ssyncadd.s32 @!p1 $0xFFFFFC00  }
0x4a: {  	[spmem:s14], [sflag:s16] =	dma.local @!p1 [hbm:s6], $0x400  }
0x4b: {  	_ =	swait.ge @!p1 [sflag:s10], $0x400  }
0x4c: {  	[sflag:s10] =	ssyncset.done @!p1 $0x0  }
0x4d: {  	[sflag:s10] =	ssyncadd.s32 @!p1 $0xFFFFFC00  }
0x4e: {  	s26 =	simm.s32 $0x0;
	[bflag:$0x0] =	sbarrier.arrive $0xFFFF  }
0x4f: {  	[tilespmem:s30], [sflag:$0x1] =	stream.indirect.gather [hbm4b:s5+s29], $0x80, s26, s29, $0xb8;
	[tilespmem:$0x1D000] =	vst v63  }
0x50: {  	_ =	swait.ge [sflag:s31], $0x4000  }
0x51: {  	[sflag:s31] =	ssyncset.done $0x0  }
0x52: {  	s28 =	simm.s32 $0x5000;
	[sflag:s31] =	ssyncadd.s32 $0xFFFFC000  }
0x53: {  	[spmem:s2] =	stream.indirect.scatter.add.f32 [tilespmem:s30], [sflag:$0x2], $0x80, s28, s29, $0xb8;
	[tilespmem:$0x1D000] =	vst v63  }
0x54: {  	_ =	swait.ge [sflag:s25], $0x4000  }
0x55: {  	s8 =	simm.s32 $0x400;
	s7 =	simm.s32 $0x200;
	[sflag:s25] =	ssyncset.done $0x0  }
.LBB2_12:
0x56: {  	s9 =	sshra.s32 s7, $0x2  }
0x57: {  	[sflag:s25] =	ssyncadd.s32 $0xFFFFC000;
	s7 =	smov.u32 s8;
	s10 =	sadd.s32 $0x200, s8  }
0x58: {  	[tilespmem:s30], [sflag:$0x1] =	stream.indirect.gather [hbm4b:s5+s29], $0x80, s9, s29, $0xb8;
	[tilespmem:$0x1D000] =	vst v63  }
0x59: {  	p4 =	sne.s32 s8, $0x13E00;
	_ =	swait.ge [sflag:s31], $0x4000  }
.Ltmp3:
0x5a: {  	[sflag:s31] =	ssyncset.done $0x0;
	(pc) =	sbr.rel @p4 .LBB2_12-.Ltmp3, $4  }
0x5b: {  	s8 =	sadd.s32 $0x5000, s9;
	[sflag:s31] =	ssyncadd.s32 $0xFFFFC000  }
0x5c: {  	[spmem:s2] =	stream.indirect.scatter.add.f32 [tilespmem:s30], [sflag:$0x2], $0x80, s8, s29, $0xb8;
	[tilespmem:$0x1D000] =	vst v63  }
0x5d: {  	_ =	swait.ge [sflag:s25], $0x4000  }
0x5e: {  	s8 =	smov.u32 s10;
	[sflag:s25] =	ssyncset.done $0x0  }
0x5f: {  	s7 =	sshra.s32 s7, $0x2;
	[sflag:s25] =	ssyncadd.s32 $0xFFFFC000  }
0x60: {  	[tilespmem:s30], [sflag:$0x1] =	stream.indirect.gather [hbm4b:s5+s29], $0x80, s7, s29, $0xb8;
	[tilespmem:$0x1D000] =	vst v63  }
0x61: {  	_ =	swait.ge [sflag:s31], $0x4000  }
0x62: {  	[sflag:s31] =	ssyncset.done $0x0  }
0x63: {  	s7 =	sadd.s32 $0x5000, s7;
	[sflag:s31] =	ssyncadd.s32 $0xFFFFC000  }
0x64: {  	[spmem:s2] =	stream.indirect.scatter.add.f32 [tilespmem:s30], [sflag:$0x2], $0x80, s7, s29, $0xb8;
	[tilespmem:$0x1D000] =	vst v63  }
.Ltmp4:
0x65: {  	_ =	swait.ge [sflag:s25], $0x4000;
	(pc) =	sbr.rel @p2 .LBB2_15-.Ltmp4, $3  }
0x66: {  	[sflag:s25] =	ssyncset.done $0x0  }
0x67: {  	[sflag:s25] =	ssyncadd.s32 $0xFFFFC000  }
0x68: {  	[bflag:$0x0] =	sbarrier.arrive $0xFFFF;
	_ =	sdelay $0x1  }
0x69: {  	s7 =	sshll.u32 s1, $0x6  }
0x6a: {  	s8 =	sshrl.u32 s13, $0x3;
	s9 =	rddreg [dreg:$0x9];
	s7 =	sor.u32 $0x1C02, s7  }
0x6b: {  	[hbm:s9], [sflag:s7] =	dma.local [spmem:s8], $0x3E80  }
.Ltmp5:
0x6c: {  	_ =	swait.ge [sflag:s25], $0x3E80;
	(pc) =	sbr.rel .LBB2_16-.Ltmp5, $3  }
0x6d: {  	[sflag:s25] =	ssyncset.done $0x0  }
0x6e: {  	[sflag:s25] =	ssyncadd.s32 $0xFFFFC180  }
0x6f: {  	[bflag:$0x0] =	sbarrier.arrive $0xFFFF;
	_ =	sdelay $0x1  }
.LBB2_2:
0x70: {  	[spmem:s10], [sflag:s16] =	dma.local @!p1 [hbm:s6], $0x400  }
0x71: {  	s10 =	simm.s32 @!p1 $0x2  }
0x72: {  	_ =	swait.ge @!p1 [sflag:s10], $0x400  }
0x73: {  	[sflag:s10] =	ssyncset.done @!p1 $0x0  }
0x74: {  	[sflag:s10] =	ssyncadd.s32 @!p1 $0xFFFFFC00  }
0x75: {  	[spmem:s9], [sflag:s16] =	dma.local @!p1 [hbm:s6], $0x400  }
0x76: {  	_ =	swait.ge @!p1 [sflag:s10], $0x400  }
0x77: {  	[sflag:s10] =	ssyncset.done @!p1 $0x0  }
0x78: {  	[sflag:s10] =	ssyncadd.s32 @!p1 $0xFFFFFC00  }
0x79: {  	[spmem:s8], [sflag:s16] =	dma.local @!p1 [hbm:s6], $0x400  }
0x7a: {  	_ =	swait.ge @!p1 [sflag:s10], $0x400  }
0x7b: {  	[sflag:s10] =	ssyncset.done @!p1 $0x0  }
0x7c: {  	[sflag:s10] =	ssyncadd.s32 @!p1 $0xFFFFFC00  }
0x7d: {  	[spmem:s7], [sflag:s16] =	dma.local @!p1 [hbm:s6], $0x400  }
0x7e: {  	_ =	swait.ge @!p1 [sflag:s10], $0x400  }
0x7f: {  	[sflag:s10] =	ssyncset.done @!p1 $0x0  }
0x80: {  	[sflag:s10] =	ssyncadd.s32 @!p1 $0xFFFFFC00  }
0x81: {  	[spmem:s28], [sflag:s16] =	dma.local @!p1 [hbm:s6], $0x400  }
0x82: {  	_ =	swait.ge @!p1 [sflag:s10], $0x400  }
0x83: {  	[sflag:s10] =	ssyncset.done @!p1 $0x0  }
0x84: {  	[sflag:s10] =	ssyncadd.s32 @!p1 $0xFFFFFC00  }
0x85: {  	[spmem:s15], [sflag:s16] =	dma.local @!p1 [hbm:s6], $0x400  }
0x86: {  	_ =	swait.ge @!p1 [sflag:s10], $0x400  }
0x87: {  	[sflag:s10] =	ssyncset.done @!p1 $0x0  }
0x88: {  	[sflag:s10] =	ssyncadd.s32 @!p1 $0xFFFFFC00  }
0x89: {  	[spmem:s26], [sflag:s16] =	dma.local @!p1 [hbm:s6], $0x400  }
0x8a: {  	_ =	swait.ge @!p1 [sflag:s10], $0x400  }
0x8b: {  	[sflag:s10] =	ssyncset.done @!p1 $0x0  }
0x8c: {  	[sflag:s10] =	ssyncadd.s32 @!p1 $0xFFFFFC00  }
0x8d: {  	[spmem:s14], [sflag:s16] =	dma.local @!p1 [hbm:s6], $0x400  }
0x8e: {  	_ =	swait.ge @!p1 [sflag:s10], $0x400  }
0x8f: {  	[sflag:s10] =	ssyncset.done @!p1 $0x0  }
0x90: {  	[sflag:s10] =	ssyncadd.s32 @!p1 $0xFFFFFC00  }
0x91: {  	s26 =	simm.s32 $0x0;
	[bflag:$0x0] =	sbarrier.arrive $0xFFFF  }
0x92: {  	[tilespmem:s30], [sflag:$0x1] =	stream.indirect.gather [hbm4b:s4+s29], $0x80, s26, s29, $0xb8;
	[tilespmem:$0x1D000] =	vst v63  }
0x93: {  	_ =	swait.ge [sflag:s31], $0x4000  }
0x94: {  	[sflag:s31] =	ssyncset.done $0x0  }
0x95: {  	s28 =	simm.s32 $0x5000;
	[sflag:s31] =	ssyncadd.s32 $0xFFFFC000  }
0x96: {  	[spmem:s2] =	stream.indirect.scatter.add.f32 [tilespmem:s30], [sflag:$0x2], $0x80, s28, s29, $0xb8;
	[tilespmem:$0x1D000] =	vst v63  }
0x97: {  	_ =	swait.ge [sflag:s25], $0x4000  }
0x98: {  	s8 =	simm.s32 $0x400;
	s7 =	simm.s32 $0x200;
	[sflag:s25] =	ssyncset.done $0x0  }
.LBB2_3:
0x99: {  	s9 =	sshra.s32 s7, $0x2  }
0x9a: {  	[sflag:s25] =	ssyncadd.s32 $0xFFFFC000;
	s7 =	smov.u32 s8;
	s10 =	sadd.s32 $0x200, s8  }
0x9b: {  	[tilespmem:s30], [sflag:$0x1] =	stream.indirect.gather [hbm4b:s4+s29], $0x80, s9, s29, $0xb8;
	[tilespmem:$0x1D000] =	vst v63  }
0x9c: {  	p4 =	sne.s32 s8, $0x13E00;
	_ =	swait.ge [sflag:s31], $0x4000  }
.Ltmp6:
0x9d: {  	[sflag:s31] =	ssyncset.done $0x0;
	(pc) =	sbr.rel @p4 .LBB2_3-.Ltmp6, $4  }
0x9e: {  	s8 =	sadd.s32 $0x5000, s9;
	[sflag:s31] =	ssyncadd.s32 $0xFFFFC000  }
0x9f: {  	[spmem:s2] =	stream.indirect.scatter.add.f32 [tilespmem:s30], [sflag:$0x2], $0x80, s8, s29, $0xb8;
	[tilespmem:$0x1D000] =	vst v63  }
0xa0: {  	_ =	swait.ge [sflag:s25], $0x4000  }
0xa1: {  	s8 =	smov.u32 s10;
	[sflag:s25] =	ssyncset.done $0x0  }
0xa2: {  	s7 =	sshra.s32 s7, $0x2;
	[sflag:s25] =	ssyncadd.s32 $0xFFFFC000  }
0xa3: {  	[tilespmem:s30], [sflag:$0x1] =	stream.indirect.gather [hbm4b:s4+s29], $0x80, s7, s29, $0xb8;
	[tilespmem:$0x1D000] =	vst v63  }
0xa4: {  	_ =	swait.ge [sflag:s31], $0x4000  }
0xa5: {  	[sflag:s31] =	ssyncset.done $0x0  }
0xa6: {  	s7 =	sadd.s32 $0x5000, s7;
	[sflag:s31] =	ssyncadd.s32 $0xFFFFC000  }
0xa7: {  	[spmem:s2] =	stream.indirect.scatter.add.f32 [tilespmem:s30], [sflag:$0x2], $0x80, s7, s29, $0xb8;
	[tilespmem:$0x1D000] =	vst v63  }
.Ltmp7:
0xa8: {  	_ =	swait.ge [sflag:s25], $0x4000;
	(pc) =	sbr.rel @p2 .LBB2_6-.Ltmp7, $4  }
0xa9: {  	[sflag:s25] =	ssyncset.done $0x0  }
0xaa: {  	[sflag:s25] =	ssyncadd.s32 $0xFFFFC000  }
0xab: {  	s28 =	sshll.u32 s1, $0x6;
	[bflag:$0x0] =	sbarrier.arrive $0xFFFF  }
0xac: {  	s14 =	sor.u32 $0x1C02, s28  }
0xad: {  	s7 =	sshrl.u32 s13, $0x3;
	s8 =	rddreg [dreg:$0x7]  }
0xae: {  	[hbm:s8], [sflag:s14] =	dma.local [spmem:s7], $0x3E80  }
.Ltmp8:
0xaf: {  	_ =	swait.ge [sflag:s25], $0x3E80;
	(pc) =	sbr.rel .LBB2_7-.Ltmp8, $3  }
0xb0: {  	[sflag:s25] =	ssyncset.done $0x0  }
0xb1: {  	[sflag:s25] =	ssyncadd.s32 $0xFFFFC180  }
0xb2: {  	[bflag:$0x0] =	sbarrier.arrive $0xFFFF;
	_ =	sdelay $0x1  }
.LBB2_15:
.Ltmp9:
0xb3: {  	(pc) =	sbr.rel @p1 .LBB2_17-.Ltmp9, $2  }
0xb4: {  	_ =	sdelay $0x1  }
0xb5: {  	[bflag:$0x0] =	sbarrier.arrive $0xFFFF;
	_ =	sdelay $0x1  }
.LBB2_16:
0xb6: {  	s7 =	sshll.u32 s1, $0x6  }
0xb7: {  	s8 =	sshrl.u32 s12, $0x3;
	s7 =	sor.u32 $0x1C02, s7  }
0xb8: {  	[spmem:s8], [sflag:s7] =	dma.local [hbm:s6], $0x400  }
0xb9: {  	_ =	swait.ge [sflag:s25], $0x400  }
0xba: {  	[sflag:s25] =	ssyncset.done $0x0  }
0xbb: {  	s9 =	sshrl.u32 s18, $0x3;
	[sflag:s25] =	ssyncadd.s32 $0xFFFFFC00  }
0xbc: {  	[spmem:s9], [sflag:s7] =	dma.local [hbm:s6], $0x400  }
0xbd: {  	_ =	swait.ge [sflag:s25], $0x400  }
0xbe: {  	[sflag:s25] =	ssyncset.done $0x0  }
0xbf: {  	s10 =	sshrl.u32 s19, $0x3;
	[sflag:s25] =	ssyncadd.s32 $0xFFFFFC00  }
0xc0: {  	[spmem:s10], [sflag:s7] =	dma.local [hbm:s6], $0x400  }
0xc1: {  	_ =	swait.ge [sflag:s25], $0x400  }
0xc2: {  	[sflag:s25] =	ssyncset.done $0x0  }
0xc3: {  	s14 =	sshrl.u32 s20, $0x3;
	[sflag:s25] =	ssyncadd.s32 $0xFFFFFC00  }
0xc4: {  	[spmem:s14], [sflag:s7] =	dma.local [hbm:s6], $0x400  }
0xc5: {  	_ =	swait.ge [sflag:s25], $0x400  }
0xc6: {  	[sflag:s25] =	ssyncset.done $0x0  }
0xc7: {  	s15 =	sshrl.u32 s21, $0x3;
	[sflag:s25] =	ssyncadd.s32 $0xFFFFFC00  }
0xc8: {  	[spmem:s15], [sflag:s7] =	dma.local [hbm:s6], $0x400  }
0xc9: {  	_ =	swait.ge [sflag:s25], $0x400  }
0xca: {  	[sflag:s25] =	ssyncset.done $0x0  }
0xcb: {  	s16 =	sshrl.u32 s22, $0x3;
	[sflag:s25] =	ssyncadd.s32 $0xFFFFFC00  }
0xcc: {  	[spmem:s16], [sflag:s7] =	dma.local [hbm:s6], $0x400  }
0xcd: {  	_ =	swait.ge [sflag:s25], $0x400  }
0xce: {  	[sflag:s25] =	ssyncset.done $0x0  }
0xcf: {  	s26 =	sshrl.u32 s23, $0x3;
	[sflag:s25] =	ssyncadd.s32 $0xFFFFFC00  }
0xd0: {  	[spmem:s26], [sflag:s7] =	dma.local [hbm:s6], $0x400  }
0xd1: {  	_ =	swait.ge [sflag:s25], $0x400  }
0xd2: {  	[sflag:s25] =	ssyncset.done $0x0  }
0xd3: {  	s28 =	sshrl.u32 s24, $0x3;
	[sflag:s25] =	ssyncadd.s32 $0xFFFFFC00  }
0xd4: {  	[spmem:s28], [sflag:s7] =	dma.local [hbm:s6], $0x400  }
0xd5: {  	_ =	swait.ge [sflag:s25], $0x400  }
0xd6: {  	[sflag:s25] =	ssyncset.done $0x0  }
0xd7: {  	[sflag:s25] =	ssyncadd.s32 $0xFFFFFC00  }
.LBB2_17:
0xd8: {  	[bflag:$0x0] =	sbarrier.arrive $0xFFFF;
	s7 =	simm.s32 $0x0  }
0xd9: {  	[tilespmem:s30], [sflag:$0x1] =	stream.indirect.gather [hbm4b:s5+s29], $0x80, s7, s29, $0xb8;
	[tilespmem:$0x1D000] =	vst v63  }
0xda: {  	_ =	swait.ge [sflag:s31], $0x4000  }
0xdb: {  	[sflag:s31] =	ssyncset.done $0x0  }
0xdc: {  	s28 =	simm.s32 $0xA000;
	[sflag:s31] =	ssyncadd.s32 $0xFFFFC000  }
0xdd: {  	[spmem:s2] =	stream.indirect.scatter.add.f32 [tilespmem:s30], [sflag:$0x2], $0x80, s28, s29, $0xb8;
	[tilespmem:$0x1D000] =	vst v63  }
0xde: {  	_ =	swait.ge [sflag:s25], $0x4000  }
0xdf: {  	s8 =	simm.s32 $0x400;
	s7 =	simm.s32 $0x200;
	[sflag:s25] =	ssyncset.done $0x0  }
.LBB2_18:
0xe0: {  	s9 =	sshra.s32 s7, $0x2  }
0xe1: {  	[sflag:s25] =	ssyncadd.s32 $0xFFFFC000;
	s7 =	smov.u32 s8;
	s10 =	sadd.s32 $0x200, s8  }
0xe2: {  	[tilespmem:s30], [sflag:$0x1] =	stream.indirect.gather [hbm4b:s5+s29], $0x80, s9, s29, $0xb8;
	[tilespmem:$0x1D000] =	vst v63  }
0xe3: {  	p4 =	sne.s32 s8, $0x13E00;
	_ =	swait.ge [sflag:s31], $0x4000  }
.Ltmp10:
0xe4: {  	[sflag:s31] =	ssyncset.done $0x0;
	(pc) =	sbr.rel @p4 .LBB2_18-.Ltmp10, $4  }
0xe5: {  	s8 =	sadd.s32 $0xA000, s9;
	[sflag:s31] =	ssyncadd.s32 $0xFFFFC000  }
0xe6: {  	[spmem:s2] =	stream.indirect.scatter.add.f32 [tilespmem:s30], [sflag:$0x2], $0x80, s8, s29, $0xb8;
	[tilespmem:$0x1D000] =	vst v63  }
0xe7: {  	_ =	swait.ge [sflag:s25], $0x4000  }
0xe8: {  	s8 =	smov.u32 s10;
	[sflag:s25] =	ssyncset.done $0x0  }
0xe9: {  	s7 =	sshra.s32 s7, $0x2;
	[sflag:s25] =	ssyncadd.s32 $0xFFFFC000  }
0xea: {  	[tilespmem:s30], [sflag:$0x1] =	stream.indirect.gather [hbm4b:s5+s29], $0x80, s7, s29, $0xb8;
	[tilespmem:$0x1D000] =	vst v63  }
0xeb: {  	_ =	swait.ge [sflag:s31], $0x4000  }
0xec: {  	[sflag:s31] =	ssyncset.done $0x0  }
0xed: {  	s7 =	sadd.s32 $0xA000, s7;
	[sflag:s31] =	ssyncadd.s32 $0xFFFFC000  }
0xee: {  	[spmem:s2] =	stream.indirect.scatter.add.f32 [tilespmem:s30], [sflag:$0x2], $0x80, s7, s29, $0xb8;
	[tilespmem:$0x1D000] =	vst v63  }
.Ltmp11:
0xef: {  	_ =	swait.ge [sflag:s25], $0x4000;
	(pc) =	sbr.rel @p2 .LBB2_21-.Ltmp11, $4  }
.Ltmp12:
0xf0: {  	[sflag:s25] =	ssyncset.done $0x0;
	(pc) =	sbr.rel @!p2 .LBB2_20-.Ltmp12, $4  }
0xf1: {  	[sflag:s25] =	ssyncadd.s32 $0xFFFFC000  }
0xf2: {  	[bflag:$0x0] =	sbarrier.arrive $0xFFFF  }
0xf3: {  	s7 =	rddreg [dreg:$0x4]  }
0xf4: {  	_ = 	snop  }
.LBB2_6:
.Ltmp13:
0xf5: {  	(pc) =	sbr.rel @p1 .LBB2_8-.Ltmp13, $2  }
0xf6: {  	_ =	sdelay $0x1  }
0xf7: {  	[bflag:$0x0] =	sbarrier.arrive $0xFFFF;
	_ =	sdelay $0x1  }
.LBB2_7:
0xf8: {  	s7 =	sshrl.u32 s12, $0x3  }
0xf9: {  	[spmem:s7], [sflag:s14] =	dma.local [hbm:s6], $0x400  }
0xfa: {  	_ =	swait.ge [sflag:s25], $0x400  }
0xfb: {  	[sflag:s25] =	ssyncset.done $0x0  }
0xfc: {  	s8 =	sshrl.u32 s18, $0x3;
	[sflag:s25] =	ssyncadd.s32 $0xFFFFFC00  }
0xfd: {  	[spmem:s8], [sflag:s14] =	dma.local [hbm:s6], $0x400  }
0xfe: {  	_ =	swait.ge [sflag:s25], $0x400  }
0xff: {  	[sflag:s25] =	ssyncset.done $0x0  }
0x100: {  	s9 =	sshrl.u32 s19, $0x3;
	[sflag:s25] =	ssyncadd.s32 $0xFFFFFC00  }
0x101: {  	[spmem:s9], [sflag:s14] =	dma.local [hbm:s6], $0x400  }
0x102: {  	_ =	swait.ge [sflag:s25], $0x400  }
0x103: {  	[sflag:s25] =	ssyncset.done $0x0  }
0x104: {  	s10 =	sshrl.u32 s20, $0x3;
	[sflag:s25] =	ssyncadd.s32 $0xFFFFFC00  }
0x105: {  	[spmem:s10], [sflag:s14] =	dma.local [hbm:s6], $0x400  }
0x106: {  	_ =	swait.ge [sflag:s25], $0x400  }
0x107: {  	[sflag:s25] =	ssyncset.done $0x0  }
0x108: {  	s15 =	sshrl.u32 s21, $0x3;
	[sflag:s25] =	ssyncadd.s32 $0xFFFFFC00  }
0x109: {  	[spmem:s15], [sflag:s14] =	dma.local [hbm:s6], $0x400  }
0x10a: {  	_ =	swait.ge [sflag:s25], $0x400  }
0x10b: {  	[sflag:s25] =	ssyncset.done $0x0  }
0x10c: {  	s16 =	sshrl.u32 s22, $0x3;
	[sflag:s25] =	ssyncadd.s32 $0xFFFFFC00  }
0x10d: {  	[spmem:s16], [sflag:s14] =	dma.local [hbm:s6], $0x400  }
0x10e: {  	_ =	swait.ge [sflag:s25], $0x400  }
0x10f: {  	[sflag:s25] =	ssyncset.done $0x0  }
0x110: {  	s26 =	sshrl.u32 s23, $0x3;
	[sflag:s25] =	ssyncadd.s32 $0xFFFFFC00  }
0x111: {  	[spmem:s26], [sflag:s14] =	dma.local [hbm:s6], $0x400  }
0x112: {  	_ =	swait.ge [sflag:s25], $0x400  }
0x113: {  	[sflag:s25] =	ssyncset.done $0x0  }
0x114: {  	s28 =	sshrl.u32 s24, $0x3;
	[sflag:s25] =	ssyncadd.s32 $0xFFFFFC00  }
0x115: {  	[spmem:s28], [sflag:s14] =	dma.local [hbm:s6], $0x400  }
0x116: {  	_ =	swait.ge [sflag:s25], $0x400  }
0x117: {  	[sflag:s25] =	ssyncset.done $0x0  }
0x118: {  	[sflag:s25] =	ssyncadd.s32 $0xFFFFFC00  }
.LBB2_8:
0x119: {  	[bflag:$0x0] =	sbarrier.arrive $0xFFFF;
	s7 =	simm.s32 $0x0  }
0x11a: {  	[tilespmem:s30], [sflag:$0x1] =	stream.indirect.gather [hbm4b:s4+s29], $0x80, s7, s29, $0xb8;
	[tilespmem:$0x1D000] =	vst v63  }
0x11b: {  	_ =	swait.ge [sflag:s31], $0x4000  }
0x11c: {  	[sflag:s31] =	ssyncset.done $0x0  }
0x11d: {  	s28 =	simm.s32 $0xA000;
	[sflag:s31] =	ssyncadd.s32 $0xFFFFC000  }
0x11e: {  	[spmem:s2] =	stream.indirect.scatter.add.f32 [tilespmem:s30], [sflag:$0x2], $0x80, s28, s29, $0xb8;
	[tilespmem:$0x1D000] =	vst v63  }
0x11f: {  	_ =	swait.ge [sflag:s25], $0x4000  }
0x120: {  	s8 =	simm.s32 $0x400;
	s7 =	simm.s32 $0x200;
	[sflag:s25] =	ssyncset.done $0x0  }
.LBB2_9:
0x121: {  	s9 =	sshra.s32 s7, $0x2  }
0x122: {  	[sflag:s25] =	ssyncadd.s32 $0xFFFFC000;
	s7 =	smov.u32 s8;
	s10 =	sadd.s32 $0x200, s8  }
0x123: {  	[tilespmem:s30], [sflag:$0x1] =	stream.indirect.gather [hbm4b:s4+s29], $0x80, s9, s29, $0xb8;
	[tilespmem:$0x1D000] =	vst v63  }
0x124: {  	p4 =	sne.s32 s8, $0x13E00;
	_ =	swait.ge [sflag:s31], $0x4000  }
.Ltmp14:
0x125: {  	[sflag:s31] =	ssyncset.done $0x0;
	(pc) =	sbr.rel @p4 .LBB2_9-.Ltmp14, $4  }
0x126: {  	s8 =	sadd.s32 $0xA000, s9;
	[sflag:s31] =	ssyncadd.s32 $0xFFFFC000  }
0x127: {  	[spmem:s2] =	stream.indirect.scatter.add.f32 [tilespmem:s30], [sflag:$0x2], $0x80, s8, s29, $0xb8;
	[tilespmem:$0x1D000] =	vst v63  }
0x128: {  	_ =	swait.ge [sflag:s25], $0x4000  }
0x129: {  	s8 =	smov.u32 s10;
	[sflag:s25] =	ssyncset.done $0x0  }
0x12a: {  	s7 =	sshra.s32 s7, $0x2;
	[sflag:s25] =	ssyncadd.s32 $0xFFFFC000  }
0x12b: {  	[tilespmem:s30], [sflag:$0x1] =	stream.indirect.gather [hbm4b:s4+s29], $0x80, s7, s29, $0xb8;
	[tilespmem:$0x1D000] =	vst v63  }
0x12c: {  	_ =	swait.ge [sflag:s31], $0x4000  }
0x12d: {  	[sflag:s31] =	ssyncset.done $0x0  }
0x12e: {  	s7 =	sadd.s32 $0xA000, s7;
	[sflag:s31] =	ssyncadd.s32 $0xFFFFC000  }
0x12f: {  	[spmem:s2] =	stream.indirect.scatter.add.f32 [tilespmem:s30], [sflag:$0x2], $0x80, s7, s29, $0xb8;
	[tilespmem:$0x1D000] =	vst v63  }
.Ltmp15:
0x130: {  	_ =	swait.ge [sflag:s25], $0x4000;
	(pc) =	sbr.rel @p3 .LBB2_20-.Ltmp15, $4  }
.Ltmp16:
0x131: {  	[sflag:s25] =	ssyncset.done $0x0;
	(pc) =	sbr.rel @!p3 .LBB2_21-.Ltmp16, $4  }
0x132: {  	[sflag:s25] =	ssyncadd.s32 $0xFFFFC000  }
0x133: {  	[bflag:$0x0] =	sbarrier.arrive $0xFFFF  }
0x134: {  	s7 =	rddreg [dreg:$0x3]  }
0x135: {  	_ = 	snop  }
.LBB2_22:
0x136: {  	_ =	sfence.sel $0x180000  }
0x137: {  	[bflag:$0x0] =	sbarrier.arrive $0xFFFF  }
0x138: {  	_ =	strace $0x9000004D  }
0x139: {  	[bflag:$0x2] =	sbarrier.arrive $0xFFFF  }
0x13a: {  	p0 =	sne.s32 s1, $0x0;
	s0 =	rddreg [dreg:$0x2]  }
0x13b: {  	s0 =	sadd.s32 @!p0 $0x100000, s0  }
0x13c: {  	[sflag:s0] =	ssyncadd.tile.s32 @!p0 $0x1;
	_ =	shalt  }
.Lfunc_end2:
_tile_overlayer_lowered:
.L_overlay_start_2:
0x13d: {  	(tag) =	ssettag $0x2  }
0x13e: {  	s0 =	rddreg [dreg:$0x0];
	s2 =	stileid.u32  }
0x13f: {  	s1 =	rddreg [dreg:$0x1];
	p0 =	sne.s32 s2, $0x0  }
0x140: {  	s3 =	rddreg [dreg:$0x2];
	[bflag:$0x3] =	sbarrier.arrive $0xFFFF;
	s2 =	simm.s32 @!p0 $0x1C02  }
0x141: {  	[timem:s3], [sflag:s2] =	dma.local @!p0 [hbm:s0], s1  }
0x142: {  	s0 =	simm.s32 @!p0 $0x2  }
0x143: {  	_ =	swait.ge @!p0 [sflag:s0], s1  }
0x144: {  	s1 =	ssub.s32 @!p0 $0x0, s1;
	[sflag:s0] =	ssyncset.done @!p0 $0x0  }
0x145: {  	[sflag:s0] =	ssyncadd.s32 @!p0 s1  }
0x146: {  	[bflag:$0x3] =	sbarrier.arrive $0xFFFF  }
0x147: {  	_ =	shalt  }

</sc_bundles>
